<compile_context>
chip_gen: v7x
topology: tpu7x:2x2x1
jax: 0.10.2.dev20260603
libtpu: 0.0.44.dev20260713+nightly
codegen_flags: <defaults>
</compile_context>

<pallas_src>
import functools

import jax
import jax.numpy as jnp
from jax import lax
from jax.experimental import pallas as pl
from jax.experimental.pallas import tpu as pltpu
from jax.experimental.pallas import tpu_sc as plsc

F32 = jnp.float32
I32 = jnp.int32

NC = 2
NS = 16
NW = NC * NS
L = 16
CH = 80

BN = 2000
BE = 2000


def _silu(v):
    return v * lax.logistic(v)


def _dot(a, b):
    return jnp.dot(a, b, preferred_element_type=F32)


def _tc_embed_body(vocab, a_ref, emb_ref, w1d_ref, w1s_ref, eb1_ref,
                   h_ref, A_ref, B_ref):
    a = a_ref[...]
    iot = lax.broadcasted_iota(I32, (a.shape[0], vocab), 1)
    oh = (a == iot).astype(F32)
    h = _dot(oh, emb_ref[...])
    h_ref[...] = h
    A_ref[...] = _dot(h, w1d_ref[...]) + eb1_ref[...]
    B_ref[...] = _dot(h, w1s_ref[...])


def _tc_embed(a2, emb, w1d, w1s, eb1):
    n, h = a2.shape[0], emb.shape[1]
    vocab = emb.shape[0]
    grid = (n // BN,)
    blk = lambda *shape: shape
    return pl.pallas_call(
        functools.partial(_tc_embed_body, vocab),
        grid=grid,
        in_specs=[
            pl.BlockSpec((BN, 1), lambda i: (i, 0)),
            pl.BlockSpec((vocab, h), lambda i: (0, 0)),
            pl.BlockSpec((h, h), lambda i: (0, 0)),
            pl.BlockSpec((h, h), lambda i: (0, 0)),
            pl.BlockSpec((1, h), lambda i: (0, 0)),
        ],
        out_specs=[
            pl.BlockSpec((BN, h), lambda i: (i, 0)),
            pl.BlockSpec((BN, h), lambda i: (i, 0)),
            pl.BlockSpec((BN, h), lambda i: (i, 0)),
        ],
        out_shape=[
            jax.ShapeDtypeStruct((n, h), F32),
            jax.ShapeDtypeStruct((n, h), F32),
            jax.ShapeDtypeStruct((n, h), F32),
        ],
    )(a2, emb, w1d, w1s, eb1)


def _tc_edge_body(g_ref, xd_ref, ea_ref, wr_ref, we_ref, w2_ref, b2_ref,
                  xw1_ref, xb1_ref, xw2_ref, xb2_ref, infw_ref, infb_ref,
                  om_ref, ox_ref):
    xd = xd_ref[...]
    li = lax.broadcasted_iota(I32, xd.shape, 1)
    r2 = jnp.sum(jnp.where(li < 3, xd * xd, 0.0), axis=1, keepdims=True)
    r = jnp.sqrt(r2)
    ea = ea_ref[...]
    pre = g_ref[...] + r * wr_ref[...] + ea * we_ref[...]
    m = _silu(pre)
    mij = _silu(_dot(m, w2_ref[...]) + b2_ref[...])
    t = _silu(_dot(mij, xw1_ref[...]) + xb1_ref[...])
    wij = jnp.sum(t * xw2_ref[...], axis=1, keepdims=True) + xb2_ref[...]
    infv = lax.logistic(jnp.sum(mij * infw_ref[...], axis=1, keepdims=True)
                        + infb_ref[...])
    om_ref[...] = mij * infv
    ox_ref[...] = wij * xd


def _tc_edge(G, XD, ea2, wr, we, w2, b2, xw1, xb1, xw2t, xb2, infwt, infb):
    e, h = G.shape
    grid = (e // BE,)
    wspec = lambda s0, s1: pl.BlockSpec((s0, s1), lambda i: (0, 0))
    return pl.pallas_call(
        _tc_edge_body,
        grid=grid,
        in_specs=[
            pl.BlockSpec((BE, h), lambda i: (i, 0)),
            pl.BlockSpec((BE, 16), lambda i: (i, 0)),
            pl.BlockSpec((BE, 1), lambda i: (i, 0)),
            wspec(1, h), wspec(1, h), wspec(h, h), wspec(1, h),
            wspec(h, h), wspec(1, h), wspec(1, h), wspec(1, 1),
            wspec(1, h), wspec(1, 1),
        ],
        out_specs=[
            pl.BlockSpec((BE, h), lambda i: (i, 0)),
            pl.BlockSpec((BE, 16), lambda i: (i, 0)),
        ],
        out_shape=[
            jax.ShapeDtypeStruct((e, h), F32),
            jax.ShapeDtypeStruct((e, 16), F32),
        ],
    )(G, XD, ea2, wr, we, w2, b2, xw1, xb1, xw2t, xb2, infwt, infb)


def _tc_node_body(n_blocks, h_ref, xp_ref, pm0_ref, pm1_ref, px0_ref, px1_ref,
                  wh_ref, wm_ref, hb1_ref, hw2_ref, hb2_ref,
                  w1d_ref, w1s_ref, eb1_ref,
                  h_out, xp_out, A_out, B_out):
    h = h_ref[...]
    mi = pm0_ref[...] + pm1_ref[...]
    px = px0_ref[...] + px1_ref[...]
    li = lax.broadcasted_iota(I32, px.shape, 1)
    xagg = jnp.where(li < 3, px, 0.0)
    t2 = _silu(_dot(h, wh_ref[...]) + _dot(mi, wm_ref[...]) + hb1_ref[...])
    hn = h + _dot(t2, hw2_ref[...]) + hb2_ref[...]
    h_out[...] = hn
    xp_out[...] = xp_ref[...] + xagg
    A_out[...] = _dot(hn, w1d_ref[...]) + eb1_ref[...]
    B_out[...] = _dot(hn, w1s_ref[...])


def _tc_node(h, xp, PM, PX, wh, wm, hb1, hw2, hb2, w1d, w1s, eb1):
    n, hd = h.shape
    nb = n // BN
    grid = (nb,)
    wspec = lambda s0, s1: pl.BlockSpec((s0, s1), lambda i: (0, 0))
    return pl.pallas_call(
        functools.partial(_tc_node_body, nb),
        grid=grid,
        in_specs=[
            pl.BlockSpec((BN, hd), lambda i: (i, 0)),
            pl.BlockSpec((BN, 16), lambda i: (i, 0)),
            pl.BlockSpec((BN, hd), lambda i: (i, 0)),
            pl.BlockSpec((BN, hd), lambda i, _nb=nb: (i + _nb, 0)),
            pl.BlockSpec((BN, 16), lambda i: (i, 0)),
            pl.BlockSpec((BN, 16), lambda i, _nb=nb: (i + _nb, 0)),
            wspec(hd, hd), wspec(hd, hd), wspec(1, hd), wspec(hd, hd),
            wspec(1, hd), wspec(hd, hd), wspec(hd, hd), wspec(1, hd),
        ],
        out_specs=[
            pl.BlockSpec((BN, hd), lambda i: (i, 0)),
            pl.BlockSpec((BN, 16), lambda i: (i, 0)),
            pl.BlockSpec((BN, hd), lambda i: (i, 0)),
            pl.BlockSpec((BN, hd), lambda i: (i, 0)),
        ],
        out_shape=[
            jax.ShapeDtypeStruct((n, hd), F32),
            jax.ShapeDtypeStruct((n, 16), F32),
            jax.ShapeDtypeStruct((n, hd), F32),
            jax.ShapeDtypeStruct((n, hd), F32),
        ],
    )(h, xp, PM, PM, PX, PX, wh, wm, hb1, hw2, hb2, w1d, w1s, eb1)


def _sc_gather_body(e, h, a_hbm, b_hbm, xq_hbm, src_hbm, dst_hbm,
                    g_hbm, xd_hbm,
                    srcv, dstv, qsv, qdv, ra, rb, xs, xdv, xdd,
                    sem1, sem2, sem3, sem4):
    c = lax.axis_index("c")
    s = lax.axis_index("s")
    wid = s * NC + c
    ew = e // NW
    nch = ew // CH
    base0 = wid * ew

    def chunk(ci, carry):
        base = base0 + ci * CH
        pltpu.sync_copy(src_hbm.at[pl.ds(base, CH)], srcv)
        pltpu.sync_copy(dst_hbm.at[pl.ds(base, CH)], dstv)
        for g in range(CH // L):
            sl = pl.ds(g * L, L)
            qsv[sl] = lax.shift_right_logical(srcv[sl], 3)
            qdv[sl] = lax.shift_right_logical(dstv[sl], 3)
        cp1 = pltpu.async_copy(a_hbm.at[dstv], ra, sem1)
        cp2 = pltpu.async_copy(b_hbm.at[srcv], rb, sem2)
        cp3 = pltpu.async_copy(xq_hbm.at[qsv], xs, sem3)
        cp4 = pltpu.async_copy(xq_hbm.at[qdv], xdv, sem4)
        cp1.wait()
        cp2.wait()
        cp3.wait()
        cp4.wait()

        lane = lax.iota(I32, L)

        def row(i, rc):
            for j in range(h // L):
                sl = pl.ds(j * L, L)
                ra[i, sl] = ra[i, sl] + rb[i, sl]
            ilo = i & ~(L - 1)
            sel = lane == (i - ilo)
            sv = jnp.sum(jnp.where(sel, srcv[pl.ds(ilo, L)], 0))
            dv = jnp.sum(jnp.where(sel, dstv[pl.ds(ilo, L)], 0))
            os = (sv & 7) * L
            od = (dv & 7) * L
            xdd[i, :] = xs[i, pl.ds(os, L)] - xdv[i, pl.ds(od, L)]
            return rc

        lax.fori_loop(0, CH, row, 0)
        pltpu.sync_copy(ra, g_hbm.at[pl.ds(base, CH)])
        pltpu.sync_copy(xdd, xd_hbm.at[pl.ds(base, CH)])
        return carry

    lax.fori_loop(0, nch, chunk, 0)


def _sc_gather(A, B, xq, src, dst):
    n, h = A.shape
    e = src.shape[0]
    mesh = plsc.VectorSubcoreMesh(core_axis_name="c", subcore_axis_name="s")
    return pl.kernel(
        functools.partial(_sc_gather_body, e, h),
        out_type=(
            jax.ShapeDtypeStruct((e, h), F32),
            jax.ShapeDtypeStruct((e, 16), F32),
        ),
        mesh=mesh,
        scratch_types=[
            pltpu.VMEM((CH,), I32),
            pltpu.VMEM((CH,), I32),
            pltpu.VMEM((CH,), I32),
            pltpu.VMEM((CH,), I32),
            pltpu.VMEM((CH, h), F32),
            pltpu.VMEM((CH, h), F32),
            pltpu.VMEM((CH, h), F32),
            pltpu.VMEM((CH, h), F32),
            pltpu.VMEM((CH, 16), F32),
            pltpu.SemaphoreType.DMA,
            pltpu.SemaphoreType.DMA,
            pltpu.SemaphoreType.DMA,
            pltpu.SemaphoreType.DMA,
        ],
        compiler_params=pltpu.CompilerParams(needs_layout_passes=False),
    )(A, B, xq, src, dst)


def _sc_scatter_body(e, n, h, om_hbm, ox_hbm, dst_hbm, pm_hbm, px_hbm,
                     accm, accx, dstv, idxv, bm, bx, semg):
    c = lax.axis_index("c")
    s = lax.axis_index("s")
    wid = s * NC + c
    ew = e // NW
    nch = ew // CH
    base0 = wid * ew
    nrc = n // CH
    nz = (nrc - s + NS - 1) // NS
    lane = lax.iota(I32, L)

    def zrow(i, carry):
        for j in range(h // L):
            bm[i, pl.ds(j * L, L)] = jnp.zeros((L,), F32)
        bx[i, :] = jnp.zeros((L,), F32)
        return carry

    lax.fori_loop(0, CH, zrow, 0)

    def fill_idx(base):
        for g in range(CH // L):
            idxv[pl.ds(g * L, L)] = lane + (base + g * L)

    def zblk(k, carry):
        fill_idx((s + k * NS) * CH)
        pltpu.sync_copy(bm, accm.at[idxv])
        pltpu.sync_copy(bx, accx.at[idxv])
        return carry

    lax.fori_loop(0, nz, zblk, 0)
    plsc.subcore_barrier()

    def chunk(ci, carry):
        base = base0 + ci * CH
        pltpu.sync_copy(dst_hbm.at[pl.ds(base, CH)], dstv)
        pltpu.sync_copy(om_hbm.at[pl.ds(base, CH)], bm)
        pltpu.sync_copy(ox_hbm.at[pl.ds(base, CH)], bx)
        pltpu.sync_copy(bm, accm.at[dstv], add=True)
        pltpu.sync_copy(bx, accx.at[dstv], add=True)
        return carry

    lax.fori_loop(0, nch, chunk, 0)
    plsc.subcore_barrier()

    def wblk(k, carry):
        base = (s + k * NS) * CH
        fill_idx(base)
        pltpu.async_copy(accm.at[idxv], bm, semg).wait()
        pltpu.sync_copy(bm, pm_hbm.at[pl.ds(c * n + base, CH)])
        pltpu.async_copy(accx.at[idxv], bx, semg).wait()
        pltpu.sync_copy(bx, px_hbm.at[pl.ds(c * n + base, CH)])
        return carry

    lax.fori_loop(0, nz, wblk, 0)


def _sc_scatter(OM, OX, dst, n):
    e, h = OM.shape
    mesh = plsc.VectorSubcoreMesh(core_axis_name="c", subcore_axis_name="s")
    return pl.kernel(
        functools.partial(_sc_scatter_body, e, n, h),
        out_type=(
            jax.ShapeDtypeStruct((NC * n, h), F32),
            jax.ShapeDtypeStruct((NC * n, 16), F32),
        ),
        mesh=mesh,
        scratch_types=[
            pltpu.VMEM_SHARED((n, h), F32),
            pltpu.VMEM_SHARED((n, 16), F32),
            pltpu.VMEM((CH,), I32),
            pltpu.VMEM((CH,), I32),
            pltpu.VMEM((CH, h), F32),
            pltpu.VMEM((CH, 16), F32),
            pltpu.SemaphoreType.DMA,
        ],
        compiler_params=pltpu.CompilerParams(needs_layout_passes=False),
    )(OM, OX, dst)


def kernel(atomic_numbers, pos, edge_index, edge_attr, params):
    emb = params["emb"]
    layers = params["layers"]
    n = pos.shape[0]
    hd = emb.shape[1]
    e = edge_index.shape[1]

    src = edge_index[0]
    dst = edge_index[1]
    xpad = jnp.pad(pos, ((0, 0), (0, 13)))
    a2 = atomic_numbers.reshape(n, 1)

    def wprep(lp):
        w1 = lp["e_W1"]
        return dict(
            w1d=w1[:hd], w1s=w1[hd:2 * hd],
            wr=w1[2 * hd:2 * hd + 1], we=w1[2 * hd + 1:2 * hd + 2],
            eb1=lp["e_b1"].reshape(1, hd),
            w2=lp["e_W2"], b2=lp["e_b2"].reshape(1, hd),
            xw1=lp["x_W1"], xb1=lp["x_b1"].reshape(1, hd),
            xw2t=lp["x_W2"].reshape(1, hd), xb2=lp["x_b2"].reshape(1, 1),
            infwt=lp["inf_W"].reshape(1, hd), infb=lp["inf_b"].reshape(1, 1),
            wh=lp["h_W1"][:hd], wm=lp["h_W1"][hd:],
            hb1=lp["h_b1"].reshape(1, hd),
            hw2=lp["h_W2"], hb2=lp["h_b2"].reshape(1, hd),
        )

    wl = [wprep(lp) for lp in layers]

    h, A, B = _tc_embed(a2, emb, wl[0]["w1d"], wl[0]["w1s"], wl[0]["eb1"])
    nl = len(layers)
    for l in range(nl):
        w = wl[l]
        wn = wl[(l + 1) % nl]
        G, XD = _sc_gather(A, B, xpad.reshape(n // 8, 8 * 16), src, dst)
        OM, OX = _tc_edge(G, XD, edge_attr, w["wr"], w["we"], w["w2"], w["b2"],
                          w["xw1"], w["xb1"], w["xw2t"], w["xb2"],
                          w["infwt"], w["infb"])
        PM, PX = _sc_scatter(OM, OX, dst, n)
        h, xpad, A, B = _tc_node(h, xpad, PM, PX,
                                 w["wh"], w["wm"], w["hb1"], w["hw2"], w["hb2"],
                                 wn["w1d"], wn["w1s"], wn["eb1"])
    return h, xpad[:, :3]

# --- scband reference (transcript-rebuilt; emitter-appended) ---
"""Pipeline reference for scband-eggnencoder-57801669870185 (READ-ONLY COPY).

The authoritative reference and input builder live on the scoring server;
editing this copy changes nothing except your own understanding.
"""

import jax, jax.numpy as jnp
import numpy as np

N = 10000
E = 320000
H = 128
N_LAYERS = 2
VOCAB = 100


def _linear(key, fan_in, fan_out):
    k1, k2 = jax.random.split(key)
    bound = 1.0 / np.sqrt(fan_in)
    W = jax.random.uniform(k1, (fan_in, fan_out), minval=-bound, maxval=bound, dtype=jnp.float32)
    b = jax.random.uniform(k2, (fan_out,), minval=-bound, maxval=bound, dtype=jnp.float32)
    return W, b


def setup_inputs(seed: int = 0) -> dict:
    key = jax.random.key(seed)
    ks = jax.random.split(key, 8)
    atomic_numbers = jax.random.randint(ks[0], (N,), 0, VOCAB, dtype=jnp.int32)
    pos = jax.random.normal(ks[1], (N, 3), dtype=jnp.float32)
    edge_index = jax.random.randint(ks[2], (2, E), 0, N, dtype=jnp.int32)
    edge_attr = jax.random.normal(ks[3], (E, 1), dtype=jnp.float32)
    emb = jax.random.normal(ks[4], (VOCAB, H), dtype=jnp.float32)
    emb = emb.at[0].set(0.0)  # padding_idx=0
    layers = []
    lk = ks[5]
    for _ in range(N_LAYERS):
        lk, *sub = jax.random.split(lk, 8)
        e_W1, e_b1 = _linear(sub[0], 2 * H + 2, H)
        e_W2, e_b2 = _linear(sub[1], H, H)
        inf_W, inf_b = _linear(sub[2], H, 1)
        h_W1, h_b1 = _linear(sub[3], 2 * H, H)
        h_W2, h_b2 = _linear(sub[4], H, H)
        x_W1, x_b1 = _linear(sub[5], H, H)
        x_W2, x_b2 = _linear(sub[6], H, 1)
        layers.append({"e_W1": e_W1, "e_b1": e_b1, "e_W2": e_W2, "e_b2": e_b2,
                       "inf_W": inf_W, "inf_b": inf_b,
                       "h_W1": h_W1, "h_b1": h_b1, "h_W2": h_W2, "h_b2": h_b2,
                       "x_W1": x_W1, "x_b1": x_b1, "x_W2": x_W2, "x_b2": x_b2})
    params = {"emb": emb, "layers": layers}
    return {"atomic_numbers": atomic_numbers, "pos": pos, "edge_index": edge_index,
            "edge_attr": edge_attr, "params": params}


def reference(atomic_numbers, pos, edge_index, edge_attr, params):
    h = jnp.take(params["emb"], atomic_numbers, axis=0)
    x = pos
    src = edge_index[0]  # j (source)
    dst = edge_index[1]  # i (target, aggregation index)
    for lp in params["layers"]:
        x_diff = x[src] - x[dst]
        r_ij = jnp.linalg.norm(x_diff, axis=-1, keepdims=True)
        h_i = h[dst]
        h_j = h[src]
        z = jnp.concatenate([h_i, h_j, r_ij, edge_attr], axis=-1)
        m = jax.nn.silu(z @ lp["e_W1"] + lp["e_b1"])
        m_ij = jax.nn.silu(m @ lp["e_W2"] + lp["e_b2"])
        t = jax.nn.silu(m_ij @ lp["x_W1"] + lp["x_b1"])
        W_ij = t @ lp["x_W2"] + lp["x_b2"]
        x = x + jax.ops.segment_sum(W_ij * x_diff, dst, num_segments=N)
        inf = jax.nn.sigmoid(m_ij @ lp["inf_W"] + lp["inf_b"])
        m_i = jax.ops.segment_sum(m_ij * inf, dst, num_segments=N)
        hm = jnp.concatenate([h, m_i], axis=-1)
        t2 = jax.nn.silu(hm @ lp["h_W1"] + lp["h_b1"])
        h = h + (t2 @ lp["h_W2"] + lp["h_b2"])
    return (h, x)

if __name__ == "__main__":
    import jax
    _d = setup_inputs()
    print(jax.jit(kernel)(*tuple(_d.values())))

</pallas_src>

<mosaic_0001>
#map = affine_map<(d0, d1) -> (0, 0)>
#map1 = affine_map<(d0, d1) -> (0)>
module attributes {stable_mosaic.version = 14 : i64} {
  func.func @_sc_scatter_body(%arg0: i32, %arg1: i32, %arg2: memref<320000x128xf32, #tpu.memory_space<hbm>>, %arg3: memref<320000x16xf32, #tpu.memory_space<hbm>>, %arg4: memref<320000xi32, #tpu.memory_space<hbm>>, %arg5: memref<20000x128xf32, #tpu.memory_space<hbm>>, %arg6: memref<20000x16xf32, #tpu.memory_space<hbm>>, %arg7: memref<10000x128xf32, #tpu.memory_space<vmem_shared>>, %arg8: memref<10000x16xf32, #tpu.memory_space<vmem_shared>>, %arg9: memref<80xi32, #tpu.memory_space<vmem>>, %arg10: memref<80xi32, #tpu.memory_space<vmem>>, %arg11: memref<80x128xf32, #tpu.memory_space<vmem>>, %arg12: memref<80x16xf32, #tpu.memory_space<vmem>>, %arg13: memref<!tpu.dma_semaphore, #tpu.memory_space<semaphore_mem>>) attributes {dimension_semantics = [#tpu.dimension_semantics<core_parallel>, #tpu.dimension_semantics<subcore_parallel>], iteration_bounds = array<i64: 2, 16>, scalar_prefetch = 0 : i64, scratch_operands = 7 : i64, tpu.core_type = #tpu.core_type<sc_vector_subcore>, window_params = [{transform_indices = #map}, {transform_indices = #map}, {transform_indices = #map1}, {transform_indices = #map}, {transform_indices = #map}]} {
    %mul3A = arith.constant 2 : i32
    %mul3A_0 = arith.muli %arg1, %mul3A : i32
    %add3A = arith.addi %mul3A_0, %arg0 : i32
    %mul3A_1 = arith.constant 10000 : i32
    %mul3A_2 = arith.muli %add3A, %mul3A_1 : i32
    %sub3A = arith.constant 125 : i32
    %sub3A_3 = arith.subi %sub3A, %arg1 : i32
    %add3A_4 = arith.constant 16 : i32
    %add3A_5 = arith.addi %sub3A_3, %add3A_4 : i32
    %sub3A_6 = arith.constant 1 : i32
    %sub3A_7 = arith.subi %add3A_5, %sub3A_6 : i32
    %jit3A = arith.constant 16 : i32
    %div3A = arith.divsi %sub3A_7, %jit3A : i32
    %sign3A = arith.constant 0 : i32
    %sign3A_8 = arith.cmpi sgt, %sub3A_7, %sign3A : i32
    %sign3A_9 = arith.extui %sign3A_8 : i1 to i32
    %sign3A_10 = arith.constant 0 : i32
    %sign3A_11 = arith.cmpi slt, %sub3A_7, %sign3A_10 : i32
    %sign3A_12 = arith.extui %sign3A_11 : i1 to i32
    %sign3A_13 = arith.subi %sign3A_9, %sign3A_12 : i32
    %sign3A_14 = arith.constant 0 : i32
    %sign3A_15 = arith.cmpi sgt, %jit3A, %sign3A_14 : i32
    %sign3A_16 = arith.extui %sign3A_15 : i1 to i32
    %sign3A_17 = arith.constant 0 : i32
    %sign3A_18 = arith.cmpi slt, %jit3A, %sign3A_17 : i32
    %sign3A_19 = arith.extui %sign3A_18 : i1 to i32
    %sign3A_20 = arith.subi %sign3A_16, %sign3A_19 : i32
    %ne3A = arith.cmpi ne, %sign3A_13, %sign3A_20 : i32
    %rem3A = arith.remsi %sub3A_7, %jit3A : i32
    %ne3A_21 = arith.constant 0 : i32
    %ne3A_22 = arith.cmpi ne, %rem3A, %ne3A_21 : i32
    %and3A = arith.andi %ne3A, %ne3A_22 : i1
    %sub3A_23 = arith.constant 1 : i32
    %sub3A_24 = arith.subi %div3A, %sub3A_23 : i32
    %select_n3A = arith.select %and3A, %sub3A_24, %div3A : i32
    %iota3A = tpu.iota {dimensions = array<i32: 0>} : vector<16xi32>
    %scan3A = arith.constant 0 : i32
    %scan3A_25 = arith.constant 0 : i32
    %scan3A_26 = arith.constant 80 : i32
    %scan3A_27 = arith.addi %scan3A_25, %scan3A_26 : i32
    %scan3A_28 = arith.constant 1 : i32
    scf.for %scan3A_56 = %scan3A_25 to %scan3A_27 step %scan3A_28  : i32 {
      %broadcast_in_dim3A = arith.constant 0.000000e+00 : f32
      %broadcast_in_dim3A_57 = vector.broadcast %broadcast_in_dim3A : f32 to vector<16xf32>
      %swap3A = arith.index_cast %scan3A_56 : i32 to index
      %swap3A_58 = arith.constant 0 : index
      %swap3A_59 = tpu.vector_load %arg11[%swap3A, %swap3A_58] {strides = array<i32>} : memref<80x128xf32, #tpu.memory_space<vmem>>, vector<16xf32>,
      tpu.vector_store %arg11[%swap3A, %swap3A_58], %broadcast_in_dim3A_57 {strides = array<i32>} : memref<80x128xf32, #tpu.memory_space<vmem>>, vector<16xf32>,
      %broadcast_in_dim3A_60 = arith.constant 0.000000e+00 : f32
      %broadcast_in_dim3A_61 = vector.broadcast %broadcast_in_dim3A_60 : f32 to vector<16xf32>
      %swap3A_62 = arith.index_cast %scan3A_56 : i32 to index
      %swap3A_63 = arith.constant 16 : index
      %swap3A_64 = tpu.vector_load %arg11[%swap3A_62, %swap3A_63] {strides = array<i32>} : memref<80x128xf32, #tpu.memory_space<vmem>>, vector<16xf32>,
      tpu.vector_store %arg11[%swap3A_62, %swap3A_63], %broadcast_in_dim3A_61 {strides = array<i32>} : memref<80x128xf32, #tpu.memory_space<vmem>>, vector<16xf32>,
      %broadcast_in_dim3A_65 = arith.constant 0.000000e+00 : f32
      %broadcast_in_dim3A_66 = vector.broadcast %broadcast_in_dim3A_65 : f32 to vector<16xf32>
      %swap3A_67 = arith.index_cast %scan3A_56 : i32 to index
      %swap3A_68 = arith.constant 32 : index
      %swap3A_69 = tpu.vector_load %arg11[%swap3A_67, %swap3A_68] {strides = array<i32>} : memref<80x128xf32, #tpu.memory_space<vmem>>, vector<16xf32>,
      tpu.vector_store %arg11[%swap3A_67, %swap3A_68], %broadcast_in_dim3A_66 {strides = array<i32>} : memref<80x128xf32, #tpu.memory_space<vmem>>, vector<16xf32>,
      %broadcast_in_dim3A_70 = arith.constant 0.000000e+00 : f32
      %broadcast_in_dim3A_71 = vector.broadcast %broadcast_in_dim3A_70 : f32 to vector<16xf32>
      %swap3A_72 = arith.index_cast %scan3A_56 : i32 to index
      %swap3A_73 = arith.constant 48 : index
      %swap3A_74 = tpu.vector_load %arg11[%swap3A_72, %swap3A_73] {strides = array<i32>} : memref<80x128xf32, #tpu.memory_space<vmem>>, vector<16xf32>,
      tpu.vector_store %arg11[%swap3A_72, %swap3A_73], %broadcast_in_dim3A_71 {strides = array<i32>} : memref<80x128xf32, #tpu.memory_space<vmem>>, vector<16xf32>,
      %broadcast_in_dim3A_75 = arith.constant 0.000000e+00 : f32
      %broadcast_in_dim3A_76 = vector.broadcast %broadcast_in_dim3A_75 : f32 to vector<16xf32>
      %swap3A_77 = arith.index_cast %scan3A_56 : i32 to index
      %swap3A_78 = arith.constant 64 : index
      %swap3A_79 = tpu.vector_load %arg11[%swap3A_77, %swap3A_78] {strides = array<i32>} : memref<80x128xf32, #tpu.memory_space<vmem>>, vector<16xf32>,
      tpu.vector_store %arg11[%swap3A_77, %swap3A_78], %broadcast_in_dim3A_76 {strides = array<i32>} : memref<80x128xf32, #tpu.memory_space<vmem>>, vector<16xf32>,
      %broadcast_in_dim3A_80 = arith.constant 0.000000e+00 : f32
      %broadcast_in_dim3A_81 = vector.broadcast %broadcast_in_dim3A_80 : f32 to vector<16xf32>
      %swap3A_82 = arith.index_cast %scan3A_56 : i32 to index
      %swap3A_83 = arith.constant 80 : index
      %swap3A_84 = tpu.vector_load %arg11[%swap3A_82, %swap3A_83] {strides = array<i32>} : memref<80x128xf32, #tpu.memory_space<vmem>>, vector<16xf32>,
      tpu.vector_store %arg11[%swap3A_82, %swap3A_83], %broadcast_in_dim3A_81 {strides = array<i32>} : memref<80x128xf32, #tpu.memory_space<vmem>>, vector<16xf32>,
      %broadcast_in_dim3A_85 = arith.constant 0.000000e+00 : f32
      %broadcast_in_dim3A_86 = vector.broadcast %broadcast_in_dim3A_85 : f32 to vector<16xf32>
      %swap3A_87 = arith.index_cast %scan3A_56 : i32 to index
      %swap3A_88 = arith.constant 96 : index
      %swap3A_89 = tpu.vector_load %arg11[%swap3A_87, %swap3A_88] {strides = array<i32>} : memref<80x128xf32, #tpu.memory_space<vmem>>, vector<16xf32>,
      tpu.vector_store %arg11[%swap3A_87, %swap3A_88], %broadcast_in_dim3A_86 {strides = array<i32>} : memref<80x128xf32, #tpu.memory_space<vmem>>, vector<16xf32>,
      %broadcast_in_dim3A_90 = arith.constant 0.000000e+00 : f32
      %broadcast_in_dim3A_91 = vector.broadcast %broadcast_in_dim3A_90 : f32 to vector<16xf32>
      %swap3A_92 = arith.index_cast %scan3A_56 : i32 to index
      %swap3A_93 = arith.constant 112 : index
      %swap3A_94 = tpu.vector_load %arg11[%swap3A_92, %swap3A_93] {strides = array<i32>} : memref<80x128xf32, #tpu.memory_space<vmem>>, vector<16xf32>,
      tpu.vector_store %arg11[%swap3A_92, %swap3A_93], %broadcast_in_dim3A_91 {strides = array<i32>} : memref<80x128xf32, #tpu.memory_space<vmem>>, vector<16xf32>,
      %broadcast_in_dim3A_95 = arith.constant 0.000000e+00 : f32
      %broadcast_in_dim3A_96 = vector.broadcast %broadcast_in_dim3A_95 : f32 to vector<16xf32>
      %swap3A_97 = arith.index_cast %scan3A_56 : i32 to index
      %swap3A_98 = arith.constant 0 : index
      %swap3A_99 = tpu.vector_load %arg12[%swap3A_97, %swap3A_98] {strides = array<i32>} : memref<80x16xf32, #tpu.memory_space<vmem>>, vector<16xf32>,
      tpu.vector_store %arg12[%swap3A_97, %swap3A_98], %broadcast_in_dim3A_96 {strides = array<i32>} : memref<80x16xf32, #tpu.memory_space<vmem>>, vector<16xf32>,
    }
    %scan3A_29 = arith.constant 80 : i32
    %while3A = arith.constant 0 : i32
    %while3A_30 = arith.constant 0 : i32
    %while3A_31 = arith.subi %select_n3A, %while3A_30 : i32
    %while3A_32 = arith.addi %while3A_30, %while3A_31 : i32
    %while3A_33 = arith.constant 1 : i32
    %while3A_34 = arith.divsi %while3A_31, %while3A_33 : i32
    %while3A_35 = arith.muli %while3A_34, %while3A_33 : i32
    %while3A_36 = arith.addi %while3A_30, %while3A_35 : i32
    %while3A_37 = arith.constant 1 : i32
    scf.for %while3A_56 = %while3A_30 to %while3A_36 step %while3A_37  : i32 {
      %mul3A_57 = arith.constant 16 : i32
      %mul3A_58 = arith.muli %while3A_56, %mul3A_57 : i32
      %add3A_59 = arith.addi %arg1, %mul3A_58 : i32
      %mul3A_60 = arith.constant 80 : i32
      %mul3A_61 = arith.muli %add3A_59, %mul3A_60 : i32
      %add3A_62 = arith.constant 0 : i32
      %add3A_63 = arith.addi %mul3A_61, %add3A_62 : i32
      %add3A_64 = vector.broadcast %add3A_63 : i32 to vector<16xi32>
      %add3A_65 = arith.addi %iota3A, %add3A_64 : vector<16xi32>
      %swap3A = arith.constant 0 : index
      %swap3A_66 = tpu.vector_load %arg10[%swap3A] {strides = array<i32>} : memref<80xi32, #tpu.memory_space<vmem>>, vector<16xi32>,
      tpu.vector_store %arg10[%swap3A], %add3A_65 {strides = array<i32>} : memref<80xi32, #tpu.memory_space<vmem>>, vector<16xi32>,
      %add3A_67 = arith.constant 16 : i32
      %add3A_68 = arith.addi %mul3A_61, %add3A_67 : i32
      %add3A_69 = vector.broadcast %add3A_68 : i32 to vector<16xi32>
      %add3A_70 = arith.addi %iota3A, %add3A_69 : vector<16xi32>
      %swap3A_71 = arith.constant 16 : index
      %swap3A_72 = tpu.vector_load %arg10[%swap3A_71] {strides = array<i32>} : memref<80xi32, #tpu.memory_space<vmem>>, vector<16xi32>,
      tpu.vector_store %arg10[%swap3A_71], %add3A_70 {strides = array<i32>} : memref<80xi32, #tpu.memory_space<vmem>>, vector<16xi32>,
      %add3A_73 = arith.constant 32 : i32
      %add3A_74 = arith.addi %mul3A_61, %add3A_73 : i32
      %add3A_75 = vector.broadcast %add3A_74 : i32 to vector<16xi32>
      %add3A_76 = arith.addi %iota3A, %add3A_75 : vector<16xi32>
      %swap3A_77 = arith.constant 32 : index
      %swap3A_78 = tpu.vector_load %arg10[%swap3A_77] {strides = array<i32>} : memref<80xi32, #tpu.memory_space<vmem>>, vector<16xi32>,
      tpu.vector_store %arg10[%swap3A_77], %add3A_76 {strides = array<i32>} : memref<80xi32, #tpu.memory_space<vmem>>, vector<16xi32>,
      %add3A_79 = arith.constant 48 : i32
      %add3A_80 = arith.addi %mul3A_61, %add3A_79 : i32
      %add3A_81 = vector.broadcast %add3A_80 : i32 to vector<16xi32>
      %add3A_82 = arith.addi %iota3A, %add3A_81 : vector<16xi32>
      %swap3A_83 = arith.constant 48 : index
      %swap3A_84 = tpu.vector_load %arg10[%swap3A_83] {strides = array<i32>} : memref<80xi32, #tpu.memory_space<vmem>>, vector<16xi32>,
      tpu.vector_store %arg10[%swap3A_83], %add3A_82 {strides = array<i32>} : memref<80xi32, #tpu.memory_space<vmem>>, vector<16xi32>,
      %add3A_85 = arith.constant 64 : i32
      %add3A_86 = arith.addi %mul3A_61, %add3A_85 : i32
      %add3A_87 = vector.broadcast %add3A_86 : i32 to vector<16xi32>
      %add3A_88 = arith.addi %iota3A, %add3A_87 : vector<16xi32>
      %swap3A_89 = arith.constant 64 : index
      %swap3A_90 = tpu.vector_load %arg10[%swap3A_89] {strides = array<i32>} : memref<80xi32, #tpu.memory_space<vmem>>, vector<16xi32>,
      tpu.vector_store %arg10[%swap3A_89], %add3A_88 {strides = array<i32>} : memref<80xi32, #tpu.memory_space<vmem>>, vector<16xi32>,
      "tpu.region"() ({
        %run_scoped3A = tpu.sem_alloc : memref<!tpu.dma_semaphore, #tpu.memory_space<semaphore_mem>>
        %dma_start3A = arith.constant 0 : i32
        %dma_start3A_91 = arith.constant 0 : i32
        %dma_start3A_92 = tpu.memref_slice %arg7[%dma_start3A, %dma_start3A_91] : memref<10000x128xf32, #tpu.memory_space<vmem_shared>> -> memref<10000x128xf32, #tpu.memory_space<vmem_shared>>
        tpu.enqueue_indirect_dma source(%arg11 : memref<80x128xf32, #tpu.memory_space<vmem>>) target(%dma_start3A_92 : memref<10000x128xf32, #tpu.memory_space<vmem_shared>>) offsets(%arg10 : memref<80xi32, #tpu.memory_space<vmem>>) semaphore(%run_scoped3A : memref<!tpu.dma_semaphore, #tpu.memory_space<semaphore_mem>>)
        %dma_wait3A = arith.constant 0 : i32
        %dma_wait3A_93 = arith.constant 0 : i32
        %dma_wait3A_94 = tpu.memref_slice %arg7[%dma_wait3A, %dma_wait3A_93] : memref<10000x128xf32, #tpu.memory_space<vmem_shared>> -> memref<10000x128xf32, #tpu.memory_space<vmem_shared>>
        tpu.wait_indirect_dma semaphore(%run_scoped3A : memref<!tpu.dma_semaphore, #tpu.memory_space<semaphore_mem>>) src(%arg11 : memref<80x128xf32, #tpu.memory_space<vmem>>) dst(%dma_wait3A_94 : memref<10000x128xf32, #tpu.memory_space<vmem_shared>>)
        tpu.yield
      }) : () -> ()
      "tpu.region"() ({
        %run_scoped3A = tpu.sem_alloc : memref<!tpu.dma_semaphore, #tpu.memory_space<semaphore_mem>>
        %dma_start3A = arith.constant 0 : i32
        %dma_start3A_91 = arith.constant 0 : i32
        %dma_start3A_92 = tpu.memref_slice %arg8[%dma_start3A, %dma_start3A_91] : memref<10000x16xf32, #tpu.memory_space<vmem_shared>> -> memref<10000x16xf32, #tpu.memory_space<vmem_shared>>
        tpu.enqueue_indirect_dma source(%arg12 : memref<80x16xf32, #tpu.memory_space<vmem>>) target(%dma_start3A_92 : memref<10000x16xf32, #tpu.memory_space<vmem_shared>>) offsets(%arg10 : memref<80xi32, #tpu.memory_space<vmem>>) semaphore(%run_scoped3A : memref<!tpu.dma_semaphore, #tpu.memory_space<semaphore_mem>>)
        %dma_wait3A = arith.constant 0 : i32
        %dma_wait3A_93 = arith.constant 0 : i32
        %dma_wait3A_94 = tpu.memref_slice %arg8[%dma_wait3A, %dma_wait3A_93] : memref<10000x16xf32, #tpu.memory_space<vmem_shared>> -> memref<10000x16xf32, #tpu.memory_space<vmem_shared>>
        tpu.wait_indirect_dma semaphore(%run_scoped3A : memref<!tpu.dma_semaphore, #tpu.memory_space<semaphore_mem>>) src(%arg12 : memref<80x16xf32, #tpu.memory_space<vmem>>) dst(%dma_wait3A_94 : memref<10000x16xf32, #tpu.memory_space<vmem_shared>>)
        tpu.yield
      }) : () -> ()
    }
    %while3A_38 = arith.constant 1 : i32
    scf.for %while3A_56 = %while3A_36 to %while3A_32 step %while3A_38  : i32 {
      %mul3A_57 = arith.constant 16 : i32
      %mul3A_58 = arith.muli %while3A_56, %mul3A_57 : i32
      %add3A_59 = arith.addi %arg1, %mul3A_58 : i32
      %mul3A_60 = arith.constant 80 : i32
      %mul3A_61 = arith.muli %add3A_59, %mul3A_60 : i32
      %add3A_62 = arith.constant 0 : i32
      %add3A_63 = arith.addi %mul3A_61, %add3A_62 : i32
      %add3A_64 = vector.broadcast %add3A_63 : i32 to vector<16xi32>
      %add3A_65 = arith.addi %iota3A, %add3A_64 : vector<16xi32>
      %swap3A = arith.constant 0 : index
      %swap3A_66 = tpu.vector_load %arg10[%swap3A] {strides = array<i32>} : memref<80xi32, #tpu.memory_space<vmem>>, vector<16xi32>,
      tpu.vector_store %arg10[%swap3A], %add3A_65 {strides = array<i32>} : memref<80xi32, #tpu.memory_space<vmem>>, vector<16xi32>,
      %add3A_67 = arith.constant 16 : i32
      %add3A_68 = arith.addi %mul3A_61, %add3A_67 : i32
      %add3A_69 = vector.broadcast %add3A_68 : i32 to vector<16xi32>
      %add3A_70 = arith.addi %iota3A, %add3A_69 : vector<16xi32>
      %swap3A_71 = arith.constant 16 : index
      %swap3A_72 = tpu.vector_load %arg10[%swap3A_71] {strides = array<i32>} : memref<80xi32, #tpu.memory_space<vmem>>, vector<16xi32>,
      tpu.vector_store %arg10[%swap3A_71], %add3A_70 {strides = array<i32>} : memref<80xi32, #tpu.memory_space<vmem>>, vector<16xi32>,
      %add3A_73 = arith.constant 32 : i32
      %add3A_74 = arith.addi %mul3A_61, %add3A_73 : i32
      %add3A_75 = vector.broadcast %add3A_74 : i32 to vector<16xi32>
      %add3A_76 = arith.addi %iota3A, %add3A_75 : vector<16xi32>
      %swap3A_77 = arith.constant 32 : index
      %swap3A_78 = tpu.vector_load %arg10[%swap3A_77] {strides = array<i32>} : memref<80xi32, #tpu.memory_space<vmem>>, vector<16xi32>,
      tpu.vector_store %arg10[%swap3A_77], %add3A_76 {strides = array<i32>} : memref<80xi32, #tpu.memory_space<vmem>>, vector<16xi32>,
      %add3A_79 = arith.constant 48 : i32
      %add3A_80 = arith.addi %mul3A_61, %add3A_79 : i32
      %add3A_81 = vector.broadcast %add3A_80 : i32 to vector<16xi32>
      %add3A_82 = arith.addi %iota3A, %add3A_81 : vector<16xi32>
      %swap3A_83 = arith.constant 48 : index
      %swap3A_84 = tpu.vector_load %arg10[%swap3A_83] {strides = array<i32>} : memref<80xi32, #tpu.memory_space<vmem>>, vector<16xi32>,
      tpu.vector_store %arg10[%swap3A_83], %add3A_82 {strides = array<i32>} : memref<80xi32, #tpu.memory_space<vmem>>, vector<16xi32>,
      %add3A_85 = arith.constant 64 : i32
      %add3A_86 = arith.addi %mul3A_61, %add3A_85 : i32
      %add3A_87 = vector.broadcast %add3A_86 : i32 to vector<16xi32>
      %add3A_88 = arith.addi %iota3A, %add3A_87 : vector<16xi32>
      %swap3A_89 = arith.constant 64 : index
      %swap3A_90 = tpu.vector_load %arg10[%swap3A_89] {strides = array<i32>} : memref<80xi32, #tpu.memory_space<vmem>>, vector<16xi32>,
      tpu.vector_store %arg10[%swap3A_89], %add3A_88 {strides = array<i32>} : memref<80xi32, #tpu.memory_space<vmem>>, vector<16xi32>,
      "tpu.region"() ({
        %run_scoped3A = tpu.sem_alloc : memref<!tpu.dma_semaphore, #tpu.memory_space<semaphore_mem>>
        %dma_start3A = arith.constant 0 : i32
        %dma_start3A_91 = arith.constant 0 : i32
        %dma_start3A_92 = tpu.memref_slice %arg7[%dma_start3A, %dma_start3A_91] : memref<10000x128xf32, #tpu.memory_space<vmem_shared>> -> memref<10000x128xf32, #tpu.memory_space<vmem_shared>>
        tpu.enqueue_indirect_dma source(%arg11 : memref<80x128xf32, #tpu.memory_space<vmem>>) target(%dma_start3A_92 : memref<10000x128xf32, #tpu.memory_space<vmem_shared>>) offsets(%arg10 : memref<80xi32, #tpu.memory_space<vmem>>) semaphore(%run_scoped3A : memref<!tpu.dma_semaphore, #tpu.memory_space<semaphore_mem>>)
        %dma_wait3A = arith.constant 0 : i32
        %dma_wait3A_93 = arith.constant 0 : i32
        %dma_wait3A_94 = tpu.memref_slice %arg7[%dma_wait3A, %dma_wait3A_93] : memref<10000x128xf32, #tpu.memory_space<vmem_shared>> -> memref<10000x128xf32, #tpu.memory_space<vmem_shared>>
        tpu.wait_indirect_dma semaphore(%run_scoped3A : memref<!tpu.dma_semaphore, #tpu.memory_space<semaphore_mem>>) src(%arg11 : memref<80x128xf32, #tpu.memory_space<vmem>>) dst(%dma_wait3A_94 : memref<10000x128xf32, #tpu.memory_space<vmem_shared>>)
        tpu.yield
      }) : () -> ()
      "tpu.region"() ({
        %run_scoped3A = tpu.sem_alloc : memref<!tpu.dma_semaphore, #tpu.memory_space<semaphore_mem>>
        %dma_start3A = arith.constant 0 : i32
        %dma_start3A_91 = arith.constant 0 : i32
        %dma_start3A_92 = tpu.memref_slice %arg8[%dma_start3A, %dma_start3A_91] : memref<10000x16xf32, #tpu.memory_space<vmem_shared>> -> memref<10000x16xf32, #tpu.memory_space<vmem_shared>>
        tpu.enqueue_indirect_dma source(%arg12 : memref<80x16xf32, #tpu.memory_space<vmem>>) target(%dma_start3A_92 : memref<10000x16xf32, #tpu.memory_space<vmem_shared>>) offsets(%arg10 : memref<80xi32, #tpu.memory_space<vmem>>) semaphore(%run_scoped3A : memref<!tpu.dma_semaphore, #tpu.memory_space<semaphore_mem>>)
        %dma_wait3A = arith.constant 0 : i32
        %dma_wait3A_93 = arith.constant 0 : i32
        %dma_wait3A_94 = tpu.memref_slice %arg8[%dma_wait3A, %dma_wait3A_93] : memref<10000x16xf32, #tpu.memory_space<vmem_shared>> -> memref<10000x16xf32, #tpu.memory_space<vmem_shared>>
        tpu.wait_indirect_dma semaphore(%run_scoped3A : memref<!tpu.dma_semaphore, #tpu.memory_space<semaphore_mem>>) src(%arg12 : memref<80x16xf32, #tpu.memory_space<vmem>>) dst(%dma_wait3A_94 : memref<10000x16xf32, #tpu.memory_space<vmem_shared>>)
        tpu.yield
      }) : () -> ()
    }
    %barrier3A = arith.constant 0 : index
    tpu.barrier barrier_id(%barrier3A)
    %scan3A_39 = arith.constant 0 : i32
    %scan3A_40 = arith.constant 0 : i32
    %scan3A_41 = arith.constant 125 : i32
    %scan3A_42 = arith.addi %scan3A_40, %scan3A_41 : i32
    %scan3A_43 = arith.constant 1 : i32
    scf.for %scan3A_56 = %scan3A_40 to %scan3A_42 step %scan3A_43  : i32 {
      %mul3A_57 = arith.constant 80 : i32
      %mul3A_58 = arith.muli %scan3A_56, %mul3A_57 : i32
      %add3A_59 = arith.addi %mul3A_2, %mul3A_58 : i32
      "tpu.region"() ({
        %run_scoped3A = tpu.sem_alloc : memref<!tpu.dma_semaphore, #tpu.memory_space<semaphore_mem>>
        %dma_start3A = tpu.memref_slice %arg4[%add3A_59] : memref<320000xi32, #tpu.memory_space<hbm>> -> memref<80xi32, #tpu.memory_space<hbm>>
        %dma_start3A_60 = tpu.memref_slice %arg4[%add3A_59] : memref<320000xi32, #tpu.memory_space<hbm>> -> memref<80xi32, #tpu.memory_space<hbm>>
        tpu.enqueue_dma source(%dma_start3A_60 : memref<80xi32, #tpu.memory_space<hbm>>) target(%arg9 : memref<80xi32, #tpu.memory_space<vmem>>) target_semaphore(%run_scoped3A : memref<!tpu.dma_semaphore, #tpu.memory_space<semaphore_mem>>)
        %dma_wait3A = tpu.memref_slice %arg4[%add3A_59] : memref<320000xi32, #tpu.memory_space<hbm>> -> memref<80xi32, #tpu.memory_space<hbm>>
        %dma_wait3A_61 = tpu.memref_slice %arg4[%add3A_59] : memref<320000xi32, #tpu.memory_space<hbm>> -> memref<80xi32, #tpu.memory_space<hbm>>
        tpu.wait_dma2 semaphore(%run_scoped3A : memref<!tpu.dma_semaphore, #tpu.memory_space<semaphore_mem>>) src(%dma_wait3A_61 : memref<80xi32, #tpu.memory_space<hbm>>) dst(%arg9 : memref<80xi32, #tpu.memory_space<vmem>>)
        tpu.yield
      }) : () -> ()
      "tpu.region"() ({
        %run_scoped3A = tpu.sem_alloc : memref<!tpu.dma_semaphore, #tpu.memory_space<semaphore_mem>>
        %dma_start3A = arith.constant 0 : i32
        %dma_start3A_60 = tpu.memref_slice %arg2[%add3A_59, %dma_start3A] : memref<320000x128xf32, #tpu.memory_space<hbm>> -> memref<80x128xf32, #tpu.memory_space<hbm>>
        %dma_start3A_61 = arith.constant 0 : i32
        %dma_start3A_62 = tpu.memref_slice %arg2[%add3A_59, %dma_start3A_61] : memref<320000x128xf32, #tpu.memory_space<hbm>> -> memref<80x128xf32, #tpu.memory_space<hbm>>
        tpu.enqueue_dma source(%dma_start3A_62 : memref<80x128xf32, #tpu.memory_space<hbm>>) target(%arg11 : memref<80x128xf32, #tpu.memory_space<vmem>>) target_semaphore(%run_scoped3A : memref<!tpu.dma_semaphore, #tpu.memory_space<semaphore_mem>>)
        %dma_wait3A = arith.constant 0 : i32
        %dma_wait3A_63 = tpu.memref_slice %arg2[%add3A_59, %dma_wait3A] : memref<320000x128xf32, #tpu.memory_space<hbm>> -> memref<80x128xf32, #tpu.memory_space<hbm>>
        %dma_wait3A_64 = arith.constant 0 : i32
        %dma_wait3A_65 = tpu.memref_slice %arg2[%add3A_59, %dma_wait3A_64] : memref<320000x128xf32, #tpu.memory_space<hbm>> -> memref<80x128xf32, #tpu.memory_space<hbm>>
        tpu.wait_dma2 semaphore(%run_scoped3A : memref<!tpu.dma_semaphore, #tpu.memory_space<semaphore_mem>>) src(%dma_wait3A_65 : memref<80x128xf32, #tpu.memory_space<hbm>>) dst(%arg11 : memref<80x128xf32, #tpu.memory_space<vmem>>)
        tpu.yield
      }) : () -> ()
      "tpu.region"() ({
        %run_scoped3A = tpu.sem_alloc : memref<!tpu.dma_semaphore, #tpu.memory_space<semaphore_mem>>
        %dma_start3A = arith.constant 0 : i32
        %dma_start3A_60 = tpu.memref_slice %arg3[%add3A_59, %dma_start3A] : memref<320000x16xf32, #tpu.memory_space<hbm>> -> memref<80x16xf32, #tpu.memory_space<hbm>>
        %dma_start3A_61 = arith.constant 0 : i32
        %dma_start3A_62 = tpu.memref_slice %arg3[%add3A_59, %dma_start3A_61] : memref<320000x16xf32, #tpu.memory_space<hbm>> -> memref<80x16xf32, #tpu.memory_space<hbm>>
        tpu.enqueue_dma source(%dma_start3A_62 : memref<80x16xf32, #tpu.memory_space<hbm>>) target(%arg12 : memref<80x16xf32, #tpu.memory_space<vmem>>) target_semaphore(%run_scoped3A : memref<!tpu.dma_semaphore, #tpu.memory_space<semaphore_mem>>)
        %dma_wait3A = arith.constant 0 : i32
        %dma_wait3A_63 = tpu.memref_slice %arg3[%add3A_59, %dma_wait3A] : memref<320000x16xf32, #tpu.memory_space<hbm>> -> memref<80x16xf32, #tpu.memory_space<hbm>>
        %dma_wait3A_64 = arith.constant 0 : i32
        %dma_wait3A_65 = tpu.memref_slice %arg3[%add3A_59, %dma_wait3A_64] : memref<320000x16xf32, #tpu.memory_space<hbm>> -> memref<80x16xf32, #tpu.memory_space<hbm>>
        tpu.wait_dma2 semaphore(%run_scoped3A : memref<!tpu.dma_semaphore, #tpu.memory_space<semaphore_mem>>) src(%dma_wait3A_65 : memref<80x16xf32, #tpu.memory_space<hbm>>) dst(%arg12 : memref<80x16xf32, #tpu.memory_space<vmem>>)
        tpu.yield
      }) : () -> ()
      "tpu.region"() ({
        %run_scoped3A = tpu.sem_alloc : memref<!tpu.dma_semaphore, #tpu.memory_space<semaphore_mem>>
        %dma_start3A = arith.constant 0 : i32
        %dma_start3A_60 = arith.constant 0 : i32
        %dma_start3A_61 = tpu.memref_slice %arg7[%dma_start3A, %dma_start3A_60] : memref<10000x128xf32, #tpu.memory_space<vmem_shared>> -> memref<10000x128xf32, #tpu.memory_space<vmem_shared>>
        tpu.enqueue_indirect_dma source(%arg11 : memref<80x128xf32, #tpu.memory_space<vmem>>) target(%dma_start3A_61 : memref<10000x128xf32, #tpu.memory_space<vmem_shared>>) offsets(%arg9 : memref<80xi32, #tpu.memory_space<vmem>>) semaphore(%run_scoped3A : memref<!tpu.dma_semaphore, #tpu.memory_space<semaphore_mem>>) {add = true}
        %dma_wait3A = arith.constant 0 : i32
        %dma_wait3A_62 = arith.constant 0 : i32
        %dma_wait3A_63 = tpu.memref_slice %arg7[%dma_wait3A, %dma_wait3A_62] : memref<10000x128xf32, #tpu.memory_space<vmem_shared>> -> memref<10000x128xf32, #tpu.memory_space<vmem_shared>>
        tpu.wait_indirect_dma semaphore(%run_scoped3A : memref<!tpu.dma_semaphore, #tpu.memory_space<semaphore_mem>>) src(%arg11 : memref<80x128xf32, #tpu.memory_space<vmem>>) dst(%dma_wait3A_63 : memref<10000x128xf32, #tpu.memory_space<vmem_shared>>)
        tpu.yield
      }) : () -> ()
      "tpu.region"() ({
        %run_scoped3A = tpu.sem_alloc : memref<!tpu.dma_semaphore, #tpu.memory_space<semaphore_mem>>
        %dma_start3A = arith.constant 0 : i32
        %dma_start3A_60 = arith.constant 0 : i32
        %dma_start3A_61 = tpu.memref_slice %arg8[%dma_start3A, %dma_start3A_60] : memref<10000x16xf32, #tpu.memory_space<vmem_shared>> -> memref<10000x16xf32, #tpu.memory_space<vmem_shared>>
        tpu.enqueue_indirect_dma source(%arg12 : memref<80x16xf32, #tpu.memory_space<vmem>>) target(%dma_start3A_61 : memref<10000x16xf32, #tpu.memory_space<vmem_shared>>) offsets(%arg9 : memref<80xi32, #tpu.memory_space<vmem>>) semaphore(%run_scoped3A : memref<!tpu.dma_semaphore, #tpu.memory_space<semaphore_mem>>) {add = true}
        %dma_wait3A = arith.constant 0 : i32
        %dma_wait3A_62 = arith.constant 0 : i32
        %dma_wait3A_63 = tpu.memref_slice %arg8[%dma_wait3A, %dma_wait3A_62] : memref<10000x16xf32, #tpu.memory_space<vmem_shared>> -> memref<10000x16xf32, #tpu.memory_space<vmem_shared>>
        tpu.wait_indirect_dma semaphore(%run_scoped3A : memref<!tpu.dma_semaphore, #tpu.memory_space<semaphore_mem>>) src(%arg12 : memref<80x16xf32, #tpu.memory_space<vmem>>) dst(%dma_wait3A_63 : memref<10000x16xf32, #tpu.memory_space<vmem_shared>>)
        tpu.yield
      }) : () -> ()
    }
    %scan3A_44 = arith.constant 125 : i32
    %barrier3A_45 = arith.constant 0 : index
    tpu.barrier barrier_id(%barrier3A_45)
    %while3A_46 = arith.constant 0 : i32
    %while3A_47 = arith.constant 0 : i32
    %while3A_48 = arith.subi %select_n3A, %while3A_47 : i32
    %while3A_49 = arith.addi %while3A_47, %while3A_48 : i32
    %while3A_50 = arith.constant 1 : i32
    %while3A_51 = arith.divsi %while3A_48, %while3A_50 : i32
    %while3A_52 = arith.muli %while3A_51, %while3A_50 : i32
    %while3A_53 = arith.addi %while3A_47, %while3A_52 : i32
    %while3A_54 = arith.constant 1 : i32
    scf.for %while3A_56 = %while3A_47 to %while3A_53 step %while3A_54  : i32 {
      %mul3A_57 = arith.constant 16 : i32
      %mul3A_58 = arith.muli %while3A_56, %mul3A_57 : i32
      %add3A_59 = arith.addi %arg1, %mul3A_58 : i32
      %mul3A_60 = arith.constant 80 : i32
      %mul3A_61 = arith.muli %add3A_59, %mul3A_60 : i32
      %add3A_62 = arith.constant 0 : i32
      %add3A_63 = arith.addi %mul3A_61, %add3A_62 : i32
      %add3A_64 = vector.broadcast %add3A_63 : i32 to vector<16xi32>
      %add3A_65 = arith.addi %iota3A, %add3A_64 : vector<16xi32>
      %swap3A = arith.constant 0 : index
      %swap3A_66 = tpu.vector_load %arg10[%swap3A] {strides = array<i32>} : memref<80xi32, #tpu.memory_space<vmem>>, vector<16xi32>,
      tpu.vector_store %arg10[%swap3A], %add3A_65 {strides = array<i32>} : memref<80xi32, #tpu.memory_space<vmem>>, vector<16xi32>,
      %add3A_67 = arith.constant 16 : i32
      %add3A_68 = arith.addi %mul3A_61, %add3A_67 : i32
      %add3A_69 = vector.broadcast %add3A_68 : i32 to vector<16xi32>
      %add3A_70 = arith.addi %iota3A, %add3A_69 : vector<16xi32>
      %swap3A_71 = arith.constant 16 : index
      %swap3A_72 = tpu.vector_load %arg10[%swap3A_71] {strides = array<i32>} : memref<80xi32, #tpu.memory_space<vmem>>, vector<16xi32>,
      tpu.vector_store %arg10[%swap3A_71], %add3A_70 {strides = array<i32>} : memref<80xi32, #tpu.memory_space<vmem>>, vector<16xi32>,
      %add3A_73 = arith.constant 32 : i32
      %add3A_74 = arith.addi %mul3A_61, %add3A_73 : i32
      %add3A_75 = vector.broadcast %add3A_74 : i32 to vector<16xi32>
      %add3A_76 = arith.addi %iota3A, %add3A_75 : vector<16xi32>
      %swap3A_77 = arith.constant 32 : index
      %swap3A_78 = tpu.vector_load %arg10[%swap3A_77] {strides = array<i32>} : memref<80xi32, #tpu.memory_space<vmem>>, vector<16xi32>,
      tpu.vector_store %arg10[%swap3A_77], %add3A_76 {strides = array<i32>} : memref<80xi32, #tpu.memory_space<vmem>>, vector<16xi32>,
      %add3A_79 = arith.constant 48 : i32
      %add3A_80 = arith.addi %mul3A_61, %add3A_79 : i32
      %add3A_81 = vector.broadcast %add3A_80 : i32 to vector<16xi32>
      %add3A_82 = arith.addi %iota3A, %add3A_81 : vector<16xi32>
      %swap3A_83 = arith.constant 48 : index
      %swap3A_84 = tpu.vector_load %arg10[%swap3A_83] {strides = array<i32>} : memref<80xi32, #tpu.memory_space<vmem>>, vector<16xi32>,
      tpu.vector_store %arg10[%swap3A_83], %add3A_82 {strides = array<i32>} : memref<80xi32, #tpu.memory_space<vmem>>, vector<16xi32>,
      %add3A_85 = arith.constant 64 : i32
      %add3A_86 = arith.addi %mul3A_61, %add3A_85 : i32
      %add3A_87 = vector.broadcast %add3A_86 : i32 to vector<16xi32>
      %add3A_88 = arith.addi %iota3A, %add3A_87 : vector<16xi32>
      %swap3A_89 = arith.constant 64 : index
      %swap3A_90 = tpu.vector_load %arg10[%swap3A_89] {strides = array<i32>} : memref<80xi32, #tpu.memory_space<vmem>>, vector<16xi32>,
      tpu.vector_store %arg10[%swap3A_89], %add3A_88 {strides = array<i32>} : memref<80xi32, #tpu.memory_space<vmem>>, vector<16xi32>,
      %dma_start3A = arith.constant 0 : i32
      %dma_start3A_91 = arith.constant 0 : i32
      %dma_start3A_92 = tpu.memref_slice %arg7[%dma_start3A, %dma_start3A_91] : memref<10000x128xf32, #tpu.memory_space<vmem_shared>> -> memref<10000x128xf32, #tpu.memory_space<vmem_shared>>
      tpu.enqueue_indirect_dma source(%dma_start3A_92 : memref<10000x128xf32, #tpu.memory_space<vmem_shared>>) target(%arg11 : memref<80x128xf32, #tpu.memory_space<vmem>>) offsets(%arg10 : memref<80xi32, #tpu.memory_space<vmem>>) semaphore(%arg13 : memref<!tpu.dma_semaphore, #tpu.memory_space<semaphore_mem>>)
      %dma_wait3A = arith.constant 0 : i32
      %dma_wait3A_93 = arith.constant 0 : i32
      %dma_wait3A_94 = tpu.memref_slice %arg7[%dma_wait3A, %dma_wait3A_93] : memref<10000x128xf32, #tpu.memory_space<vmem_shared>> -> memref<10000x128xf32, #tpu.memory_space<vmem_shared>>
      tpu.wait_indirect_dma semaphore(%arg13 : memref<!tpu.dma_semaphore, #tpu.memory_space<semaphore_mem>>) src(%dma_wait3A_94 : memref<10000x128xf32, #tpu.memory_space<vmem_shared>>) dst(%arg11 : memref<80x128xf32, #tpu.memory_space<vmem>>)
      %mul3A_95 = arith.constant 10000 : i32
      %mul3A_96 = arith.muli %arg0, %mul3A_95 : i32
      %add3A_97 = arith.addi %mul3A_96, %mul3A_61 : i32
      "tpu.region"() ({
        %run_scoped3A = tpu.sem_alloc : memref<!tpu.dma_semaphore, #tpu.memory_space<semaphore_mem>>
        %dma_start3A_107 = arith.constant 0 : i32
        %dma_start3A_108 = tpu.memref_slice %arg5[%add3A_97, %dma_start3A_107] : memref<20000x128xf32, #tpu.memory_space<hbm>> -> memref<80x128xf32, #tpu.memory_space<hbm>>
        %dma_start3A_109 = arith.constant 0 : i32
        %dma_start3A_110 = tpu.memref_slice %arg5[%add3A_97, %dma_start3A_109] : memref<20000x128xf32, #tpu.memory_space<hbm>> -> memref<80x128xf32, #tpu.memory_space<hbm>>
        tpu.enqueue_dma source(%arg11 : memref<80x128xf32, #tpu.memory_space<vmem>>) target(%dma_start3A_110 : memref<80x128xf32, #tpu.memory_space<hbm>>) target_semaphore(%run_scoped3A : memref<!tpu.dma_semaphore, #tpu.memory_space<semaphore_mem>>)
        %dma_wait3A_111 = arith.constant 0 : i32
        %dma_wait3A_112 = tpu.memref_slice %arg5[%add3A_97, %dma_wait3A_111] : memref<20000x128xf32, #tpu.memory_space<hbm>> -> memref<80x128xf32, #tpu.memory_space<hbm>>
        %dma_wait3A_113 = arith.constant 0 : i32
        %dma_wait3A_114 = tpu.memref_slice %arg5[%add3A_97, %dma_wait3A_113] : memref<20000x128xf32, #tpu.memory_space<hbm>> -> memref<80x128xf32, #tpu.memory_space<hbm>>
        tpu.wait_dma2 semaphore(%run_scoped3A : memref<!tpu.dma_semaphore, #tpu.memory_space<semaphore_mem>>) src(%arg11 : memref<80x128xf32, #tpu.memory_space<vmem>>) dst(%dma_wait3A_114 : memref<80x128xf32, #tpu.memory_space<hbm>>)
        tpu.yield
      }) : () -> ()
      %dma_start3A_98 = arith.constant 0 : i32
      %dma_start3A_99 = arith.constant 0 : i32
      %dma_start3A_100 = tpu.memref_slice %arg8[%dma_start3A_98, %dma_start3A_99] : memref<10000x16xf32, #tpu.memory_space<vmem_shared>> -> memref<10000x16xf32, #tpu.memory_space<vmem_shared>>
      tpu.enqueue_indirect_dma source(%dma_start3A_100 : memref<10000x16xf32, #tpu.memory_space<vmem_shared>>) target(%arg12 : memref<80x16xf32, #tpu.memory_space<vmem>>) offsets(%arg10 : memref<80xi32, #tpu.memory_space<vmem>>) semaphore(%arg13 : memref<!tpu.dma_semaphore, #tpu.memory_space<semaphore_mem>>)
      %dma_wait3A_101 = arith.constant 0 : i32
      %dma_wait3A_102 = arith.constant 0 : i32
      %dma_wait3A_103 = tpu.memref_slice %arg8[%dma_wait3A_101, %dma_wait3A_102] : memref<10000x16xf32, #tpu.memory_space<vmem_shared>> -> memref<10000x16xf32, #tpu.memory_space<vmem_shared>>
      tpu.wait_indirect_dma semaphore(%arg13 : memref<!tpu.dma_semaphore, #tpu.memory_space<semaphore_mem>>) src(%dma_wait3A_103 : memref<10000x16xf32, #tpu.memory_space<vmem_shared>>) dst(%arg12 : memref<80x16xf32, #tpu.memory_space<vmem>>)
      %mul3A_104 = arith.constant 10000 : i32
      %mul3A_105 = arith.muli %arg0, %mul3A_104 : i32
      %add3A_106 = arith.addi %mul3A_105, %mul3A_61 : i32
      "tpu.region"() ({
        %run_scoped3A = tpu.sem_alloc : memref<!tpu.dma_semaphore, #tpu.memory_space<semaphore_mem>>
        %dma_start3A_107 = arith.constant 0 : i32
        %dma_start3A_108 = tpu.memref_slice %arg6[%add3A_106, %dma_start3A_107] : memref<20000x16xf32, #tpu.memory_space<hbm>> -> memref<80x16xf32, #tpu.memory_space<hbm>>
        %dma_start3A_109 = arith.constant 0 : i32
        %dma_start3A_110 = tpu.memref_slice %arg6[%add3A_106, %dma_start3A_109] : memref<20000x16xf32, #tpu.memory_space<hbm>> -> memref<80x16xf32, #tpu.memory_space<hbm>>
        tpu.enqueue_dma source(%arg12 : memref<80x16xf32, #tpu.memory_space<vmem>>) target(%dma_start3A_110 : memref<80x16xf32, #tpu.memory_space<hbm>>) target_semaphore(%run_scoped3A : memref<!tpu.dma_semaphore, #tpu.memory_space<semaphore_mem>>)
        %dma_wait3A_111 = arith.constant 0 : i32
        %dma_wait3A_112 = tpu.memref_slice %arg6[%add3A_106, %dma_wait3A_111] : memref<20000x16xf32, #tpu.memory_space<hbm>> -> memref<80x16xf32, #tpu.memory_space<hbm>>
        %dma_wait3A_113 = arith.constant 0 : i32
        %dma_wait3A_114 = tpu.memref_slice %arg6[%add3A_106, %dma_wait3A_113] : memref<20000x16xf32, #tpu.memory_space<hbm>> -> memref<80x16xf32, #tpu.memory_space<hbm>>
        tpu.wait_dma2 semaphore(%run_scoped3A : memref<!tpu.dma_semaphore, #tpu.memory_space<semaphore_mem>>) src(%arg12 : memref<80x16xf32, #tpu.memory_space<vmem>>) dst(%dma_wait3A_114 : memref<80x16xf32, #tpu.memory_space<hbm>>)
        tpu.yield
      }) : () -> ()
    }
    %while3A_55 = arith.constant 1 : i32
    scf.for %while3A_56 = %while3A_53 to %while3A_49 step %while3A_55  : i32 {
      %mul3A_57 = arith.constant 16 : i32
      %mul3A_58 = arith.muli %while3A_56, %mul3A_57 : i32
      %add3A_59 = arith.addi %arg1, %mul3A_58 : i32
      %mul3A_60 = arith.constant 80 : i32
      %mul3A_61 = arith.muli %add3A_59, %mul3A_60 : i32
      %add3A_62 = arith.constant 0 : i32
      %add3A_63 = arith.addi %mul3A_61, %add3A_62 : i32
      %add3A_64 = vector.broadcast %add3A_63 : i32 to vector<16xi32>
      %add3A_65 = arith.addi %iota3A, %add3A_64 : vector<16xi32>
      %swap3A = arith.constant 0 : index
      %swap3A_66 = tpu.vector_load %arg10[%swap3A] {strides = array<i32>} : memref<80xi32, #tpu.memory_space<vmem>>, vector<16xi32>,
      tpu.vector_store %arg10[%swap3A], %add3A_65 {strides = array<i32>} : memref<80xi32, #tpu.memory_space<vmem>>, vector<16xi32>,
      %add3A_67 = arith.constant 16 : i32
      %add3A_68 = arith.addi %mul3A_61, %add3A_67 : i32
      %add3A_69 = vector.broadcast %add3A_68 : i32 to vector<16xi32>
      %add3A_70 = arith.addi %iota3A, %add3A_69 : vector<16xi32>
      %swap3A_71 = arith.constant 16 : index
      %swap3A_72 = tpu.vector_load %arg10[%swap3A_71] {strides = array<i32>} : memref<80xi32, #tpu.memory_space<vmem>>, vector<16xi32>,
      tpu.vector_store %arg10[%swap3A_71], %add3A_70 {strides = array<i32>} : memref<80xi32, #tpu.memory_space<vmem>>, vector<16xi32>,
      %add3A_73 = arith.constant 32 : i32
      %add3A_74 = arith.addi %mul3A_61, %add3A_73 : i32
      %add3A_75 = vector.broadcast %add3A_74 : i32 to vector<16xi32>
      %add3A_76 = arith.addi %iota3A, %add3A_75 : vector<16xi32>
      %swap3A_77 = arith.constant 32 : index
      %swap3A_78 = tpu.vector_load %arg10[%swap3A_77] {strides = array<i32>} : memref<80xi32, #tpu.memory_space<vmem>>, vector<16xi32>,
      tpu.vector_store %arg10[%swap3A_77], %add3A_76 {strides = array<i32>} : memref<80xi32, #tpu.memory_space<vmem>>, vector<16xi32>,
      %add3A_79 = arith.constant 48 : i32
      %add3A_80 = arith.addi %mul3A_61, %add3A_79 : i32
      %add3A_81 = vector.broadcast %add3A_80 : i32 to vector<16xi32>
      %add3A_82 = arith.addi %iota3A, %add3A_81 : vector<16xi32>
      %swap3A_83 = arith.constant 48 : index
      %swap3A_84 = tpu.vector_load %arg10[%swap3A_83] {strides = array<i32>} : memref<80xi32, #tpu.memory_space<vmem>>, vector<16xi32>,
      tpu.vector_store %arg10[%swap3A_83], %add3A_82 {strides = array<i32>} : memref<80xi32, #tpu.memory_space<vmem>>, vector<16xi32>,
      %add3A_85 = arith.constant 64 : i32
      %add3A_86 = arith.addi %mul3A_61, %add3A_85 : i32
      %add3A_87 = vector.broadcast %add3A_86 : i32 to vector<16xi32>
      %add3A_88 = arith.addi %iota3A, %add3A_87 : vector<16xi32>
      %swap3A_89 = arith.constant 64 : index
      %swap3A_90 = tpu.vector_load %arg10[%swap3A_89] {strides = array<i32>} : memref<80xi32, #tpu.memory_space<vmem>>, vector<16xi32>,
      tpu.vector_store %arg10[%swap3A_89], %add3A_88 {strides = array<i32>} : memref<80xi32, #tpu.memory_space<vmem>>, vector<16xi32>,
      %dma_start3A = arith.constant 0 : i32
      %dma_start3A_91 = arith.constant 0 : i32
      %dma_start3A_92 = tpu.memref_slice %arg7[%dma_start3A, %dma_start3A_91] : memref<10000x128xf32, #tpu.memory_space<vmem_shared>> -> memref<10000x128xf32, #tpu.memory_space<vmem_shared>>
      tpu.enqueue_indirect_dma source(%dma_start3A_92 : memref<10000x128xf32, #tpu.memory_space<vmem_shared>>) target(%arg11 : memref<80x128xf32, #tpu.memory_space<vmem>>) offsets(%arg10 : memref<80xi32, #tpu.memory_space<vmem>>) semaphore(%arg13 : memref<!tpu.dma_semaphore, #tpu.memory_space<semaphore_mem>>)
      %dma_wait3A = arith.constant 0 : i32
      %dma_wait3A_93 = arith.constant 0 : i32
      %dma_wait3A_94 = tpu.memref_slice %arg7[%dma_wait3A, %dma_wait3A_93] : memref<10000x128xf32, #tpu.memory_space<vmem_shared>> -> memref<10000x128xf32, #tpu.memory_space<vmem_shared>>
      tpu.wait_indirect_dma semaphore(%arg13 : memref<!tpu.dma_semaphore, #tpu.memory_space<semaphore_mem>>) src(%dma_wait3A_94 : memref<10000x128xf32, #tpu.memory_space<vmem_shared>>) dst(%arg11 : memref<80x128xf32, #tpu.memory_space<vmem>>)
      %mul3A_95 = arith.constant 10000 : i32
      %mul3A_96 = arith.muli %arg0, %mul3A_95 : i32
      %add3A_97 = arith.addi %mul3A_96, %mul3A_61 : i32
      "tpu.region"() ({
        %run_scoped3A = tpu.sem_alloc : memref<!tpu.dma_semaphore, #tpu.memory_space<semaphore_mem>>
        %dma_start3A_107 = arith.constant 0 : i32
        %dma_start3A_108 = tpu.memref_slice %arg5[%add3A_97, %dma_start3A_107] : memref<20000x128xf32, #tpu.memory_space<hbm>> -> memref<80x128xf32, #tpu.memory_space<hbm>>
        %dma_start3A_109 = arith.constant 0 : i32
        %dma_start3A_110 = tpu.memref_slice %arg5[%add3A_97, %dma_start3A_109] : memref<20000x128xf32, #tpu.memory_space<hbm>> -> memref<80x128xf32, #tpu.memory_space<hbm>>
        tpu.enqueue_dma source(%arg11 : memref<80x128xf32, #tpu.memory_space<vmem>>) target(%dma_start3A_110 : memref<80x128xf32, #tpu.memory_space<hbm>>) target_semaphore(%run_scoped3A : memref<!tpu.dma_semaphore, #tpu.memory_space<semaphore_mem>>)
        %dma_wait3A_111 = arith.constant 0 : i32
        %dma_wait3A_112 = tpu.memref_slice %arg5[%add3A_97, %dma_wait3A_111] : memref<20000x128xf32, #tpu.memory_space<hbm>> -> memref<80x128xf32, #tpu.memory_space<hbm>>
        %dma_wait3A_113 = arith.constant 0 : i32
        %dma_wait3A_114 = tpu.memref_slice %arg5[%add3A_97, %dma_wait3A_113] : memref<20000x128xf32, #tpu.memory_space<hbm>> -> memref<80x128xf32, #tpu.memory_space<hbm>>
        tpu.wait_dma2 semaphore(%run_scoped3A : memref<!tpu.dma_semaphore, #tpu.memory_space<semaphore_mem>>) src(%arg11 : memref<80x128xf32, #tpu.memory_space<vmem>>) dst(%dma_wait3A_114 : memref<80x128xf32, #tpu.memory_space<hbm>>)
        tpu.yield
      }) : () -> ()
      %dma_start3A_98 = arith.constant 0 : i32
      %dma_start3A_99 = arith.constant 0 : i32
      %dma_start3A_100 = tpu.memref_slice %arg8[%dma_start3A_98, %dma_start3A_99] : memref<10000x16xf32, #tpu.memory_space<vmem_shared>> -> memref<10000x16xf32, #tpu.memory_space<vmem_shared>>
      tpu.enqueue_indirect_dma source(%dma_start3A_100 : memref<10000x16xf32, #tpu.memory_space<vmem_shared>>) target(%arg12 : memref<80x16xf32, #tpu.memory_space<vmem>>) offsets(%arg10 : memref<80xi32, #tpu.memory_space<vmem>>) semaphore(%arg13 : memref<!tpu.dma_semaphore, #tpu.memory_space<semaphore_mem>>)
      %dma_wait3A_101 = arith.constant 0 : i32
      %dma_wait3A_102 = arith.constant 0 : i32
      %dma_wait3A_103 = tpu.memref_slice %arg8[%dma_wait3A_101, %dma_wait3A_102] : memref<10000x16xf32, #tpu.memory_space<vmem_shared>> -> memref<10000x16xf32, #tpu.memory_space<vmem_shared>>
      tpu.wait_indirect_dma semaphore(%arg13 : memref<!tpu.dma_semaphore, #tpu.memory_space<semaphore_mem>>) src(%dma_wait3A_103 : memref<10000x16xf32, #tpu.memory_space<vmem_shared>>) dst(%arg12 : memref<80x16xf32, #tpu.memory_space<vmem>>)
      %mul3A_104 = arith.constant 10000 : i32
      %mul3A_105 = arith.muli %arg0, %mul3A_104 : i32
      %add3A_106 = arith.addi %mul3A_105, %mul3A_61 : i32
      "tpu.region"() ({
        %run_scoped3A = tpu.sem_alloc : memref<!tpu.dma_semaphore, #tpu.memory_space<semaphore_mem>>
        %dma_start3A_107 = arith.constant 0 : i32
        %dma_start3A_108 = tpu.memref_slice %arg6[%add3A_106, %dma_start3A_107] : memref<20000x16xf32, #tpu.memory_space<hbm>> -> memref<80x16xf32, #tpu.memory_space<hbm>>
        %dma_start3A_109 = arith.constant 0 : i32
        %dma_start3A_110 = tpu.memref_slice %arg6[%add3A_106, %dma_start3A_109] : memref<20000x16xf32, #tpu.memory_space<hbm>> -> memref<80x16xf32, #tpu.memory_space<hbm>>
        tpu.enqueue_dma source(%arg12 : memref<80x16xf32, #tpu.memory_space<vmem>>) target(%dma_start3A_110 : memref<80x16xf32, #tpu.memory_space<hbm>>) target_semaphore(%run_scoped3A : memref<!tpu.dma_semaphore, #tpu.memory_space<semaphore_mem>>)
        %dma_wait3A_111 = arith.constant 0 : i32
        %dma_wait3A_112 = tpu.memref_slice %arg6[%add3A_106, %dma_wait3A_111] : memref<20000x16xf32, #tpu.memory_space<hbm>> -> memref<80x16xf32, #tpu.memory_space<hbm>>
        %dma_wait3A_113 = arith.constant 0 : i32
        %dma_wait3A_114 = tpu.memref_slice %arg6[%add3A_106, %dma_wait3A_113] : memref<20000x16xf32, #tpu.memory_space<hbm>> -> memref<80x16xf32, #tpu.memory_space<hbm>>
        tpu.wait_dma2 semaphore(%run_scoped3A : memref<!tpu.dma_semaphore, #tpu.memory_space<semaphore_mem>>) src(%arg12 : memref<80x16xf32, #tpu.memory_space<vmem>>) dst(%dma_wait3A_114 : memref<80x16xf32, #tpu.memory_space<hbm>>)
        tpu.yield
      }) : () -> ()
    }
    return
  }
}

#map = affine_map<(d0, d1) -> (0, 0)>
#map1 = affine_map<(d0, d1) -> (0)>
module attributes {stable_mosaic.version = 14 : i64} {
  func.func @_sc_gather_body(%arg0: i32, %arg1: i32, %arg2: memref<10000x128xf32, #tpu.memory_space<hbm>>, %arg3: memref<10000x128xf32, #tpu.memory_space<hbm>>, %arg4: memref<1250x128xf32, #tpu.memory_space<hbm>>, %arg5: memref<320000xi32, #tpu.memory_space<hbm>>, %arg6: memref<320000xi32, #tpu.memory_space<hbm>>, %arg7: memref<320000x128xf32, #tpu.memory_space<hbm>>, %arg8: memref<320000x16xf32, #tpu.memory_space<hbm>>, %arg9: memref<80xi32, #tpu.memory_space<vmem>>, %arg10: memref<80xi32, #tpu.memory_space<vmem>>, %arg11: memref<80xi32, #tpu.memory_space<vmem>>, %arg12: memref<80xi32, #tpu.memory_space<vmem>>, %arg13: memref<80x128xf32, #tpu.memory_space<vmem>>, %arg14: memref<80x128xf32, #tpu.memory_space<vmem>>, %arg15: memref<80x128xf32, #tpu.memory_space<vmem>>, %arg16: memref<80x128xf32, #tpu.memory_space<vmem>>, %arg17: memref<80x16xf32, #tpu.memory_space<vmem>>, %arg18: memref<!tpu.dma_semaphore, #tpu.memory_space<semaphore_mem>>, %arg19: memref<!tpu.dma_semaphore, #tpu.memory_space<semaphore_mem>>, %arg20: memref<!tpu.dma_semaphore, #tpu.memory_space<semaphore_mem>>, %arg21: memref<!tpu.dma_semaphore, #tpu.memory_space<semaphore_mem>>) attributes {dimension_semantics = [#tpu.dimension_semantics<core_parallel>, #tpu.dimension_semantics<subcore_parallel>], iteration_bounds = array<i64: 2, 16>, scalar_prefetch = 0 : i64, scratch_operands = 13 : i64, tpu.core_type = #tpu.core_type<sc_vector_subcore>, window_params = [{transform_indices = #map}, {transform_indices = #map}, {transform_indices = #map}, {transform_indices = #map1}, {transform_indices = #map1}, {transform_indices = #map}, {transform_indices = #map}]} {
    %mul3A = arith.constant 2 : i32
    %mul3A_0 = arith.muli %arg1, %mul3A : i32
    %add3A = arith.addi %mul3A_0, %arg0 : i32
    %mul3A_1 = arith.constant 10000 : i32
    %mul3A_2 = arith.muli %add3A, %mul3A_1 : i32
    %scan3A = arith.constant 0 : i32
    %scan3A_3 = arith.constant 0 : i32
    %scan3A_4 = arith.constant 125 : i32
    %scan3A_5 = arith.addi %scan3A_3, %scan3A_4 : i32
    %scan3A_6 = arith.constant 1 : i32
    scf.for %scan3A_8 = %scan3A_3 to %scan3A_5 step %scan3A_6  : i32 {
      %mul3A_9 = arith.constant 80 : i32
      %mul3A_10 = arith.muli %scan3A_8, %mul3A_9 : i32
      %add3A_11 = arith.addi %mul3A_2, %mul3A_10 : i32
      "tpu.region"() ({
        %run_scoped3A = tpu.sem_alloc : memref<!tpu.dma_semaphore, #tpu.memory_space<semaphore_mem>>
        %dma_start3A_107 = tpu.memref_slice %arg5[%add3A_11] : memref<320000xi32, #tpu.memory_space<hbm>> -> memref<80xi32, #tpu.memory_space<hbm>>
        %dma_start3A_108 = tpu.memref_slice %arg5[%add3A_11] : memref<320000xi32, #tpu.memory_space<hbm>> -> memref<80xi32, #tpu.memory_space<hbm>>
        tpu.enqueue_dma source(%dma_start3A_108 : memref<80xi32, #tpu.memory_space<hbm>>) target(%arg9 : memref<80xi32, #tpu.memory_space<vmem>>) target_semaphore(%run_scoped3A : memref<!tpu.dma_semaphore, #tpu.memory_space<semaphore_mem>>)
        %dma_wait3A_109 = tpu.memref_slice %arg5[%add3A_11] : memref<320000xi32, #tpu.memory_space<hbm>> -> memref<80xi32, #tpu.memory_space<hbm>>
        %dma_wait3A_110 = tpu.memref_slice %arg5[%add3A_11] : memref<320000xi32, #tpu.memory_space<hbm>> -> memref<80xi32, #tpu.memory_space<hbm>>
        tpu.wait_dma2 semaphore(%run_scoped3A : memref<!tpu.dma_semaphore, #tpu.memory_space<semaphore_mem>>) src(%dma_wait3A_110 : memref<80xi32, #tpu.memory_space<hbm>>) dst(%arg9 : memref<80xi32, #tpu.memory_space<vmem>>)
        tpu.yield
      }) : () -> ()
      "tpu.region"() ({
        %run_scoped3A = tpu.sem_alloc : memref<!tpu.dma_semaphore, #tpu.memory_space<semaphore_mem>>
        %dma_start3A_107 = tpu.memref_slice %arg6[%add3A_11] : memref<320000xi32, #tpu.memory_space<hbm>> -> memref<80xi32, #tpu.memory_space<hbm>>
        %dma_start3A_108 = tpu.memref_slice %arg6[%add3A_11] : memref<320000xi32, #tpu.memory_space<hbm>> -> memref<80xi32, #tpu.memory_space<hbm>>
        tpu.enqueue_dma source(%dma_start3A_108 : memref<80xi32, #tpu.memory_space<hbm>>) target(%arg10 : memref<80xi32, #tpu.memory_space<vmem>>) target_semaphore(%run_scoped3A : memref<!tpu.dma_semaphore, #tpu.memory_space<semaphore_mem>>)
        %dma_wait3A_109 = tpu.memref_slice %arg6[%add3A_11] : memref<320000xi32, #tpu.memory_space<hbm>> -> memref<80xi32, #tpu.memory_space<hbm>>
        %dma_wait3A_110 = tpu.memref_slice %arg6[%add3A_11] : memref<320000xi32, #tpu.memory_space<hbm>> -> memref<80xi32, #tpu.memory_space<hbm>>
        tpu.wait_dma2 semaphore(%run_scoped3A : memref<!tpu.dma_semaphore, #tpu.memory_space<semaphore_mem>>) src(%dma_wait3A_110 : memref<80xi32, #tpu.memory_space<hbm>>) dst(%arg10 : memref<80xi32, #tpu.memory_space<vmem>>)
        tpu.yield
      }) : () -> ()
      %get3A = arith.constant 0 : index
      %get3A_12 = tpu.vector_load %arg9[%get3A] {strides = array<i32>} : memref<80xi32, #tpu.memory_space<vmem>>, vector<16xi32>,
      %shift_right_logical3A = arith.constant 3 : i32
      %shift_right_logical3A_13 = vector.broadcast %shift_right_logical3A : i32 to vector<16xi32>
      %shift_right_logical3A_14 = arith.shrui %get3A_12, %shift_right_logical3A_13 : vector<16xi32>
      %swap3A = arith.constant 0 : index
      %swap3A_15 = tpu.vector_load %arg11[%swap3A] {strides = array<i32>} : memref<80xi32, #tpu.memory_space<vmem>>, vector<16xi32>,
      tpu.vector_store %arg11[%swap3A], %shift_right_logical3A_14 {strides = array<i32>} : memref<80xi32, #tpu.memory_space<vmem>>, vector<16xi32>,
      %get3A_16 = arith.constant 0 : index
      %get3A_17 = tpu.vector_load %arg10[%get3A_16] {strides = array<i32>} : memref<80xi32, #tpu.memory_space<vmem>>, vector<16xi32>,
      %shift_right_logical3A_18 = arith.constant 3 : i32
      %shift_right_logical3A_19 = vector.broadcast %shift_right_logical3A_18 : i32 to vector<16xi32>
      %shift_right_logical3A_20 = arith.shrui %get3A_17, %shift_right_logical3A_19 : vector<16xi32>
      %swap3A_21 = arith.constant 0 : index
      %swap3A_22 = tpu.vector_load %arg12[%swap3A_21] {strides = array<i32>} : memref<80xi32, #tpu.memory_space<vmem>>, vector<16xi32>,
      tpu.vector_store %arg12[%swap3A_21], %shift_right_logical3A_20 {strides = array<i32>} : memref<80xi32, #tpu.memory_space<vmem>>, vector<16xi32>,
      %get3A_23 = arith.constant 16 : index
      %get3A_24 = tpu.vector_load %arg9[%get3A_23] {strides = array<i32>} : memref<80xi32, #tpu.memory_space<vmem>>, vector<16xi32>,
      %shift_right_logical3A_25 = arith.constant 3 : i32
      %shift_right_logical3A_26 = vector.broadcast %shift_right_logical3A_25 : i32 to vector<16xi32>
      %shift_right_logical3A_27 = arith.shrui %get3A_24, %shift_right_logical3A_26 : vector<16xi32>
      %swap3A_28 = arith.constant 16 : index
      %swap3A_29 = tpu.vector_load %arg11[%swap3A_28] {strides = array<i32>} : memref<80xi32, #tpu.memory_space<vmem>>, vector<16xi32>,
      tpu.vector_store %arg11[%swap3A_28], %shift_right_logical3A_27 {strides = array<i32>} : memref<80xi32, #tpu.memory_space<vmem>>, vector<16xi32>,
      %get3A_30 = arith.constant 16 : index
      %get3A_31 = tpu.vector_load %arg10[%get3A_30] {strides = array<i32>} : memref<80xi32, #tpu.memory_space<vmem>>, vector<16xi32>,
      %shift_right_logical3A_32 = arith.constant 3 : i32
      %shift_right_logical3A_33 = vector.broadcast %shift_right_logical3A_32 : i32 to vector<16xi32>
      %shift_right_logical3A_34 = arith.shrui %get3A_31, %shift_right_logical3A_33 : vector<16xi32>
      %swap3A_35 = arith.constant 16 : index
      %swap3A_36 = tpu.vector_load %arg12[%swap3A_35] {strides = array<i32>} : memref<80xi32, #tpu.memory_space<vmem>>, vector<16xi32>,
      tpu.vector_store %arg12[%swap3A_35], %shift_right_logical3A_34 {strides = array<i32>} : memref<80xi32, #tpu.memory_space<vmem>>, vector<16xi32>,
      %get3A_37 = arith.constant 32 : index
      %get3A_38 = tpu.vector_load %arg9[%get3A_37] {strides = array<i32>} : memref<80xi32, #tpu.memory_space<vmem>>, vector<16xi32>,
      %shift_right_logical3A_39 = arith.constant 3 : i32
      %shift_right_logical3A_40 = vector.broadcast %shift_right_logical3A_39 : i32 to vector<16xi32>
      %shift_right_logical3A_41 = arith.shrui %get3A_38, %shift_right_logical3A_40 : vector<16xi32>
      %swap3A_42 = arith.constant 32 : index
      %swap3A_43 = tpu.vector_load %arg11[%swap3A_42] {strides = array<i32>} : memref<80xi32, #tpu.memory_space<vmem>>, vector<16xi32>,
      tpu.vector_store %arg11[%swap3A_42], %shift_right_logical3A_41 {strides = array<i32>} : memref<80xi32, #tpu.memory_space<vmem>>, vector<16xi32>,
      %get3A_44 = arith.constant 32 : index
      %get3A_45 = tpu.vector_load %arg10[%get3A_44] {strides = array<i32>} : memref<80xi32, #tpu.memory_space<vmem>>, vector<16xi32>,
      %shift_right_logical3A_46 = arith.constant 3 : i32
      %shift_right_logical3A_47 = vector.broadcast %shift_right_logical3A_46 : i32 to vector<16xi32>
      %shift_right_logical3A_48 = arith.shrui %get3A_45, %shift_right_logical3A_47 : vector<16xi32>
      %swap3A_49 = arith.constant 32 : index
      %swap3A_50 = tpu.vector_load %arg12[%swap3A_49] {strides = array<i32>} : memref<80xi32, #tpu.memory_space<vmem>>, vector<16xi32>,
      tpu.vector_store %arg12[%swap3A_49], %shift_right_logical3A_48 {strides = array<i32>} : memref<80xi32, #tpu.memory_space<vmem>>, vector<16xi32>,
      %get3A_51 = arith.constant 48 : index
      %get3A_52 = tpu.vector_load %arg9[%get3A_51] {strides = array<i32>} : memref<80xi32, #tpu.memory_space<vmem>>, vector<16xi32>,
      %shift_right_logical3A_53 = arith.constant 3 : i32
      %shift_right_logical3A_54 = vector.broadcast %shift_right_logical3A_53 : i32 to vector<16xi32>
      %shift_right_logical3A_55 = arith.shrui %get3A_52, %shift_right_logical3A_54 : vector<16xi32>
      %swap3A_56 = arith.constant 48 : index
      %swap3A_57 = tpu.vector_load %arg11[%swap3A_56] {strides = array<i32>} : memref<80xi32, #tpu.memory_space<vmem>>, vector<16xi32>,
      tpu.vector_store %arg11[%swap3A_56], %shift_right_logical3A_55 {strides = array<i32>} : memref<80xi32, #tpu.memory_space<vmem>>, vector<16xi32>,
      %get3A_58 = arith.constant 48 : index
      %get3A_59 = tpu.vector_load %arg10[%get3A_58] {strides = array<i32>} : memref<80xi32, #tpu.memory_space<vmem>>, vector<16xi32>,
      %shift_right_logical3A_60 = arith.constant 3 : i32
      %shift_right_logical3A_61 = vector.broadcast %shift_right_logical3A_60 : i32 to vector<16xi32>
      %shift_right_logical3A_62 = arith.shrui %get3A_59, %shift_right_logical3A_61 : vector<16xi32>
      %swap3A_63 = arith.constant 48 : index
      %swap3A_64 = tpu.vector_load %arg12[%swap3A_63] {strides = array<i32>} : memref<80xi32, #tpu.memory_space<vmem>>, vector<16xi32>,
      tpu.vector_store %arg12[%swap3A_63], %shift_right_logical3A_62 {strides = array<i32>} : memref<80xi32, #tpu.memory_space<vmem>>, vector<16xi32>,
      %get3A_65 = arith.constant 64 : index
      %get3A_66 = tpu.vector_load %arg9[%get3A_65] {strides = array<i32>} : memref<80xi32, #tpu.memory_space<vmem>>, vector<16xi32>,
      %shift_right_logical3A_67 = arith.constant 3 : i32
      %shift_right_logical3A_68 = vector.broadcast %shift_right_logical3A_67 : i32 to vector<16xi32>
      %shift_right_logical3A_69 = arith.shrui %get3A_66, %shift_right_logical3A_68 : vector<16xi32>
      %swap3A_70 = arith.constant 64 : index
      %swap3A_71 = tpu.vector_load %arg11[%swap3A_70] {strides = array<i32>} : memref<80xi32, #tpu.memory_space<vmem>>, vector<16xi32>,
      tpu.vector_store %arg11[%swap3A_70], %shift_right_logical3A_69 {strides = array<i32>} : memref<80xi32, #tpu.memory_space<vmem>>, vector<16xi32>,
      %get3A_72 = arith.constant 64 : index
      %get3A_73 = tpu.vector_load %arg10[%get3A_72] {strides = array<i32>} : memref<80xi32, #tpu.memory_space<vmem>>, vector<16xi32>,
      %shift_right_logical3A_74 = arith.constant 3 : i32
      %shift_right_logical3A_75 = vector.broadcast %shift_right_logical3A_74 : i32 to vector<16xi32>
      %shift_right_logical3A_76 = arith.shrui %get3A_73, %shift_right_logical3A_75 : vector<16xi32>
      %swap3A_77 = arith.constant 64 : index
      %swap3A_78 = tpu.vector_load %arg12[%swap3A_77] {strides = array<i32>} : memref<80xi32, #tpu.memory_space<vmem>>, vector<16xi32>,
      tpu.vector_store %arg12[%swap3A_77], %shift_right_logical3A_76 {strides = array<i32>} : memref<80xi32, #tpu.memory_space<vmem>>, vector<16xi32>,
      %dma_start3A = arith.constant 0 : i32
      %dma_start3A_79 = arith.constant 0 : i32
      %dma_start3A_80 = tpu.memref_slice %arg2[%dma_start3A, %dma_start3A_79] : memref<10000x128xf32, #tpu.memory_space<hbm>> -> memref<10000x128xf32, #tpu.memory_space<hbm>>
      tpu.enqueue_indirect_dma source(%dma_start3A_80 : memref<10000x128xf32, #tpu.memory_space<hbm>>) target(%arg13 : memref<80x128xf32, #tpu.memory_space<vmem>>) offsets(%arg10 : memref<80xi32, #tpu.memory_space<vmem>>) semaphore(%arg18 : memref<!tpu.dma_semaphore, #tpu.memory_space<semaphore_mem>>)
      %dma_start3A_81 = arith.constant 0 : i32
      %dma_start3A_82 = arith.constant 0 : i32
      %dma_start3A_83 = tpu.memref_slice %arg3[%dma_start3A_81, %dma_start3A_82] : memref<10000x128xf32, #tpu.memory_space<hbm>> -> memref<10000x128xf32, #tpu.memory_space<hbm>>
      tpu.enqueue_indirect_dma source(%dma_start3A_83 : memref<10000x128xf32, #tpu.memory_space<hbm>>) target(%arg14 : memref<80x128xf32, #tpu.memory_space<vmem>>) offsets(%arg9 : memref<80xi32, #tpu.memory_space<vmem>>) semaphore(%arg19 : memref<!tpu.dma_semaphore, #tpu.memory_space<semaphore_mem>>)
      %dma_start3A_84 = arith.constant 0 : i32
      %dma_start3A_85 = arith.constant 0 : i32
      %dma_start3A_86 = tpu.memref_slice %arg4[%dma_start3A_84, %dma_start3A_85] : memref<1250x128xf32, #tpu.memory_space<hbm>> -> memref<1250x128xf32, #tpu.memory_space<hbm>>
      tpu.enqueue_indirect_dma source(%dma_start3A_86 : memref<1250x128xf32, #tpu.memory_space<hbm>>) target(%arg15 : memref<80x128xf32, #tpu.memory_space<vmem>>) offsets(%arg11 : memref<80xi32, #tpu.memory_space<vmem>>) semaphore(%arg20 : memref<!tpu.dma_semaphore, #tpu.memory_space<semaphore_mem>>)
      %dma_start3A_87 = arith.constant 0 : i32
      %dma_start3A_88 = arith.constant 0 : i32
      %dma_start3A_89 = tpu.memref_slice %arg4[%dma_start3A_87, %dma_start3A_88] : memref<1250x128xf32, #tpu.memory_space<hbm>> -> memref<1250x128xf32, #tpu.memory_space<hbm>>
      tpu.enqueue_indirect_dma source(%dma_start3A_89 : memref<1250x128xf32, #tpu.memory_space<hbm>>) target(%arg16 : memref<80x128xf32, #tpu.memory_space<vmem>>) offsets(%arg12 : memref<80xi32, #tpu.memory_space<vmem>>) semaphore(%arg21 : memref<!tpu.dma_semaphore, #tpu.memory_space<semaphore_mem>>)
      %dma_wait3A = arith.constant 0 : i32
      %dma_wait3A_90 = arith.constant 0 : i32
      %dma_wait3A_91 = tpu.memref_slice %arg2[%dma_wait3A, %dma_wait3A_90] : memref<10000x128xf32, #tpu.memory_space<hbm>> -> memref<10000x128xf32, #tpu.memory_space<hbm>>
      tpu.wait_indirect_dma semaphore(%arg18 : memref<!tpu.dma_semaphore, #tpu.memory_space<semaphore_mem>>) src(%dma_wait3A_91 : memref<10000x128xf32, #tpu.memory_space<hbm>>) dst(%arg13 : memref<80x128xf32, #tpu.memory_space<vmem>>)
      %dma_wait3A_92 = arith.constant 0 : i32
      %dma_wait3A_93 = arith.constant 0 : i32
      %dma_wait3A_94 = tpu.memref_slice %arg3[%dma_wait3A_92, %dma_wait3A_93] : memref<10000x128xf32, #tpu.memory_space<hbm>> -> memref<10000x128xf32, #tpu.memory_space<hbm>>
      tpu.wait_indirect_dma semaphore(%arg19 : memref<!tpu.dma_semaphore, #tpu.memory_space<semaphore_mem>>) src(%dma_wait3A_94 : memref<10000x128xf32, #tpu.memory_space<hbm>>) dst(%arg14 : memref<80x128xf32, #tpu.memory_space<vmem>>)
      %dma_wait3A_95 = arith.constant 0 : i32
      %dma_wait3A_96 = arith.constant 0 : i32
      %dma_wait3A_97 = tpu.memref_slice %arg4[%dma_wait3A_95, %dma_wait3A_96] : memref<1250x128xf32, #tpu.memory_space<hbm>> -> memref<1250x128xf32, #tpu.memory_space<hbm>>
      tpu.wait_indirect_dma semaphore(%arg20 : memref<!tpu.dma_semaphore, #tpu.memory_space<semaphore_mem>>) src(%dma_wait3A_97 : memref<1250x128xf32, #tpu.memory_space<hbm>>) dst(%arg15 : memref<80x128xf32, #tpu.memory_space<vmem>>)
      %dma_wait3A_98 = arith.constant 0 : i32
      %dma_wait3A_99 = arith.constant 0 : i32
      %dma_wait3A_100 = tpu.memref_slice %arg4[%dma_wait3A_98, %dma_wait3A_99] : memref<1250x128xf32, #tpu.memory_space<hbm>> -> memref<1250x128xf32, #tpu.memory_space<hbm>>
      tpu.wait_indirect_dma semaphore(%arg21 : memref<!tpu.dma_semaphore, #tpu.memory_space<semaphore_mem>>) src(%dma_wait3A_100 : memref<1250x128xf32, #tpu.memory_space<hbm>>) dst(%arg16 : memref<80x128xf32, #tpu.memory_space<vmem>>)
      %iota3A = tpu.iota {dimensions = array<i32: 0>} : vector<16xi32>
      %scan3A_101 = arith.constant 0 : i32
      %scan3A_102 = arith.constant 0 : i32
      %scan3A_103 = arith.constant 80 : i32
      %scan3A_104 = arith.addi %scan3A_102, %scan3A_103 : i32
      %scan3A_105 = arith.constant 1 : i32
      scf.for %scan3A_107 = %scan3A_102 to %scan3A_104 step %scan3A_105  : i32 {
        %get3A_108 = arith.index_cast %scan3A_107 : i32 to index
        %get3A_109 = arith.constant 0 : index
        %get3A_110 = tpu.vector_load %arg13[%get3A_108, %get3A_109] {strides = array<i32>} : memref<80x128xf32, #tpu.memory_space<vmem>>, vector<16xf32>,
        %get3A_111 = arith.index_cast %scan3A_107 : i32 to index
        %get3A_112 = arith.constant 0 : index
        %get3A_113 = tpu.vector_load %arg14[%get3A_111, %get3A_112] {strides = array<i32>} : memref<80x128xf32, #tpu.memory_space<vmem>>, vector<16xf32>,
        %add3A_114 = arith.addf %get3A_110, %get3A_113 : vector<16xf32>
        %swap3A_115 = arith.index_cast %scan3A_107 : i32 to index
        %swap3A_116 = arith.constant 0 : index
        %swap3A_117 = tpu.vector_load %arg13[%swap3A_115, %swap3A_116] {strides = array<i32>} : memref<80x128xf32, #tpu.memory_space<vmem>>, vector<16xf32>,
        tpu.vector_store %arg13[%swap3A_115, %swap3A_116], %add3A_114 {strides = array<i32>} : memref<80x128xf32, #tpu.memory_space<vmem>>, vector<16xf32>,
        %get3A_118 = arith.index_cast %scan3A_107 : i32 to index
        %get3A_119 = arith.constant 16 : index
        %get3A_120 = tpu.vector_load %arg13[%get3A_118, %get3A_119] {strides = array<i32>} : memref<80x128xf32, #tpu.memory_space<vmem>>, vector<16xf32>,
        %get3A_121 = arith.index_cast %scan3A_107 : i32 to index
        %get3A_122 = arith.constant 16 : index
        %get3A_123 = tpu.vector_load %arg14[%get3A_121, %get3A_122] {strides = array<i32>} : memref<80x128xf32, #tpu.memory_space<vmem>>, vector<16xf32>,
        %add3A_124 = arith.addf %get3A_120, %get3A_123 : vector<16xf32>
        %swap3A_125 = arith.index_cast %scan3A_107 : i32 to index
        %swap3A_126 = arith.constant 16 : index
        %swap3A_127 = tpu.vector_load %arg13[%swap3A_125, %swap3A_126] {strides = array<i32>} : memref<80x128xf32, #tpu.memory_space<vmem>>, vector<16xf32>,
        tpu.vector_store %arg13[%swap3A_125, %swap3A_126], %add3A_124 {strides = array<i32>} : memref<80x128xf32, #tpu.memory_space<vmem>>, vector<16xf32>,
        %get3A_128 = arith.index_cast %scan3A_107 : i32 to index
        %get3A_129 = arith.constant 32 : index
        %get3A_130 = tpu.vector_load %arg13[%get3A_128, %get3A_129] {strides = array<i32>} : memref<80x128xf32, #tpu.memory_space<vmem>>, vector<16xf32>,
        %get3A_131 = arith.index_cast %scan3A_107 : i32 to index
        %get3A_132 = arith.constant 32 : index
        %get3A_133 = tpu.vector_load %arg14[%get3A_131, %get3A_132] {strides = array<i32>} : memref<80x128xf32, #tpu.memory_space<vmem>>, vector<16xf32>,
        %add3A_134 = arith.addf %get3A_130, %get3A_133 : vector<16xf32>
        %swap3A_135 = arith.index_cast %scan3A_107 : i32 to index
        %swap3A_136 = arith.constant 32 : index
        %swap3A_137 = tpu.vector_load %arg13[%swap3A_135, %swap3A_136] {strides = array<i32>} : memref<80x128xf32, #tpu.memory_space<vmem>>, vector<16xf32>,
        tpu.vector_store %arg13[%swap3A_135, %swap3A_136], %add3A_134 {strides = array<i32>} : memref<80x128xf32, #tpu.memory_space<vmem>>, vector<16xf32>,
        %get3A_138 = arith.index_cast %scan3A_107 : i32 to index
        %get3A_139 = arith.constant 48 : index
        %get3A_140 = tpu.vector_load %arg13[%get3A_138, %get3A_139] {strides = array<i32>} : memref<80x128xf32, #tpu.memory_space<vmem>>, vector<16xf32>,
        %get3A_141 = arith.index_cast %scan3A_107 : i32 to index
        %get3A_142 = arith.constant 48 : index
        %get3A_143 = tpu.vector_load %arg14[%get3A_141, %get3A_142] {strides = array<i32>} : memref<80x128xf32, #tpu.memory_space<vmem>>, vector<16xf32>,
        %add3A_144 = arith.addf %get3A_140, %get3A_143 : vector<16xf32>
        %swap3A_145 = arith.index_cast %scan3A_107 : i32 to index
        %swap3A_146 = arith.constant 48 : index
        %swap3A_147 = tpu.vector_load %arg13[%swap3A_145, %swap3A_146] {strides = array<i32>} : memref<80x128xf32, #tpu.memory_space<vmem>>, vector<16xf32>,
        tpu.vector_store %arg13[%swap3A_145, %swap3A_146], %add3A_144 {strides = array<i32>} : memref<80x128xf32, #tpu.memory_space<vmem>>, vector<16xf32>,
        %get3A_148 = arith.index_cast %scan3A_107 : i32 to index
        %get3A_149 = arith.constant 64 : index
        %get3A_150 = tpu.vector_load %arg13[%get3A_148, %get3A_149] {strides = array<i32>} : memref<80x128xf32, #tpu.memory_space<vmem>>, vector<16xf32>,
        %get3A_151 = arith.index_cast %scan3A_107 : i32 to index
        %get3A_152 = arith.constant 64 : index
        %get3A_153 = tpu.vector_load %arg14[%get3A_151, %get3A_152] {strides = array<i32>} : memref<80x128xf32, #tpu.memory_space<vmem>>, vector<16xf32>,
        %add3A_154 = arith.addf %get3A_150, %get3A_153 : vector<16xf32>
        %swap3A_155 = arith.index_cast %scan3A_107 : i32 to index
        %swap3A_156 = arith.constant 64 : index
        %swap3A_157 = tpu.vector_load %arg13[%swap3A_155, %swap3A_156] {strides = array<i32>} : memref<80x128xf32, #tpu.memory_space<vmem>>, vector<16xf32>,
        tpu.vector_store %arg13[%swap3A_155, %swap3A_156], %add3A_154 {strides = array<i32>} : memref<80x128xf32, #tpu.memory_space<vmem>>, vector<16xf32>,
        %get3A_158 = arith.index_cast %scan3A_107 : i32 to index
        %get3A_159 = arith.constant 80 : index
        %get3A_160 = tpu.vector_load %arg13[%get3A_158, %get3A_159] {strides = array<i32>} : memref<80x128xf32, #tpu.memory_space<vmem>>, vector<16xf32>,
        %get3A_161 = arith.index_cast %scan3A_107 : i32 to index
        %get3A_162 = arith.constant 80 : index
        %get3A_163 = tpu.vector_load %arg14[%get3A_161, %get3A_162] {strides = array<i32>} : memref<80x128xf32, #tpu.memory_space<vmem>>, vector<16xf32>,
        %add3A_164 = arith.addf %get3A_160, %get3A_163 : vector<16xf32>
        %swap3A_165 = arith.index_cast %scan3A_107 : i32 to index
        %swap3A_166 = arith.constant 80 : index
        %swap3A_167 = tpu.vector_load %arg13[%swap3A_165, %swap3A_166] {strides = array<i32>} : memref<80x128xf32, #tpu.memory_space<vmem>>, vector<16xf32>,
        tpu.vector_store %arg13[%swap3A_165, %swap3A_166], %add3A_164 {strides = array<i32>} : memref<80x128xf32, #tpu.memory_space<vmem>>, vector<16xf32>,
        %get3A_168 = arith.index_cast %scan3A_107 : i32 to index
        %get3A_169 = arith.constant 96 : index
        %get3A_170 = tpu.vector_load %arg13[%get3A_168, %get3A_169] {strides = array<i32>} : memref<80x128xf32, #tpu.memory_space<vmem>>, vector<16xf32>,
        %get3A_171 = arith.index_cast %scan3A_107 : i32 to index
        %get3A_172 = arith.constant 96 : index
        %get3A_173 = tpu.vector_load %arg14[%get3A_171, %get3A_172] {strides = array<i32>} : memref<80x128xf32, #tpu.memory_space<vmem>>, vector<16xf32>,
        %add3A_174 = arith.addf %get3A_170, %get3A_173 : vector<16xf32>
        %swap3A_175 = arith.index_cast %scan3A_107 : i32 to index
        %swap3A_176 = arith.constant 96 : index
        %swap3A_177 = tpu.vector_load %arg13[%swap3A_175, %swap3A_176] {strides = array<i32>} : memref<80x128xf32, #tpu.memory_space<vmem>>, vector<16xf32>,
        tpu.vector_store %arg13[%swap3A_175, %swap3A_176], %add3A_174 {strides = array<i32>} : memref<80x128xf32, #tpu.memory_space<vmem>>, vector<16xf32>,
        %get3A_178 = arith.index_cast %scan3A_107 : i32 to index
        %get3A_179 = arith.constant 112 : index
        %get3A_180 = tpu.vector_load %arg13[%get3A_178, %get3A_179] {strides = array<i32>} : memref<80x128xf32, #tpu.memory_space<vmem>>, vector<16xf32>,
        %get3A_181 = arith.index_cast %scan3A_107 : i32 to index
        %get3A_182 = arith.constant 112 : index
        %get3A_183 = tpu.vector_load %arg14[%get3A_181, %get3A_182] {strides = array<i32>} : memref<80x128xf32, #tpu.memory_space<vmem>>, vector<16xf32>,
        %add3A_184 = arith.addf %get3A_180, %get3A_183 : vector<16xf32>
        %swap3A_185 = arith.index_cast %scan3A_107 : i32 to index
        %swap3A_186 = arith.constant 112 : index
        %swap3A_187 = tpu.vector_load %arg13[%swap3A_185, %swap3A_186] {strides = array<i32>} : memref<80x128xf32, #tpu.memory_space<vmem>>, vector<16xf32>,
        tpu.vector_store %arg13[%swap3A_185, %swap3A_186], %add3A_184 {strides = array<i32>} : memref<80x128xf32, #tpu.memory_space<vmem>>, vector<16xf32>,
        %and3A = arith.constant -16 : i32
        %and3A_188 = arith.andi %scan3A_107, %and3A : i32
        %sub3A = arith.subi %scan3A_107, %and3A_188 : i32
        %eq3A = vector.broadcast %sub3A : i32 to vector<16xi32>
        %eq3A_189 = arith.cmpi eq, %iota3A, %eq3A : vector<16xi32>
        %get3A_190 = arith.index_cast %and3A_188 : i32 to index
        %get3A_191 = tpu.vector_load %arg9[%get3A_190] {strides = array<i32>} : memref<80xi32, #tpu.memory_space<vmem>>, vector<16xi32>,
        %jit3A = arith.constant 0 : i32
        %broadcast_in_dim3A = vector.broadcast %jit3A : i32 to vector<16xi32>
        %select_n3A = arith.select %eq3A_189, %get3A_191, %broadcast_in_dim3A : vector<16xi1>, vector<16xi32>
        %reduce_sum3A = arith.constant true
        %reduce_sum3A_192 = vector.broadcast %reduce_sum3A : i1 to vector<16xi1>
        %reduce_sum3A_193 = tpu.scan <sum>, %select_n3A masked %reduce_sum3A_192 : vector<16xi32>, vector<16xi1> -> vector<16xi32>
        %reduce_sum3A_194 = vector.extract %reduce_sum3A_193[15] : i32 from vector<16xi32>
        %get3A_195 = arith.index_cast %and3A_188 : i32 to index
        %get3A_196 = tpu.vector_load %arg10[%get3A_195] {strides = array<i32>} : memref<80xi32, #tpu.memory_space<vmem>>, vector<16xi32>,
        %jit3A_197 = arith.constant 0 : i32
        %broadcast_in_dim3A_198 = vector.broadcast %jit3A_197 : i32 to vector<16xi32>
        %select_n3A_199 = arith.select %eq3A_189, %get3A_196, %broadcast_in_dim3A_198 : vector<16xi1>, vector<16xi32>
        %reduce_sum3A_200 = arith.constant true
        %reduce_sum3A_201 = vector.broadcast %reduce_sum3A_200 : i1 to vector<16xi1>
        %reduce_sum3A_202 = tpu.scan <sum>, %select_n3A_199 masked %reduce_sum3A_201 : vector<16xi32>, vector<16xi1> -> vector<16xi32>
        %reduce_sum3A_203 = vector.extract %reduce_sum3A_202[15] : i32 from vector<16xi32>
        %and3A_204 = arith.constant 7 : i32
        %and3A_205 = arith.andi %reduce_sum3A_194, %and3A_204 : i32
        %mul3A_206 = arith.constant 16 : i32
        %mul3A_207 = arith.muli %and3A_205, %mul3A_206 : i32
        %and3A_208 = arith.constant 7 : i32
        %and3A_209 = arith.andi %reduce_sum3A_203, %and3A_208 : i32
        %mul3A_210 = arith.constant 16 : i32
        %mul3A_211 = arith.muli %and3A_209, %mul3A_210 : i32
        %get3A_212 = arith.index_cast %scan3A_107 : i32 to index
        %get3A_213 = arith.index_cast %mul3A_207 : i32 to index
        %get3A_214 = tpu.vector_load %arg15[%get3A_212, %get3A_213] {strides = array<i32>} : memref<80x128xf32, #tpu.memory_space<vmem>>, vector<16xf32>,
        %get3A_215 = arith.index_cast %scan3A_107 : i32 to index
        %get3A_216 = arith.index_cast %mul3A_211 : i32 to index
        %get3A_217 = tpu.vector_load %arg16[%get3A_215, %get3A_216] {strides = array<i32>} : memref<80x128xf32, #tpu.memory_space<vmem>>, vector<16xf32>,
        %sub3A_218 = arith.subf %get3A_214, %get3A_217 : vector<16xf32>
        %swap3A_219 = arith.index_cast %scan3A_107 : i32 to index
        %swap3A_220 = arith.constant 0 : index
        %swap3A_221 = tpu.vector_load %arg17[%swap3A_219, %swap3A_220] {strides = array<i32>} : memref<80x16xf32, #tpu.memory_space<vmem>>, vector<16xf32>,
        tpu.vector_store %arg17[%swap3A_219, %swap3A_220], %sub3A_218 {strides = array<i32>} : memref<80x16xf32, #tpu.memory_space<vmem>>, vector<16xf32>,
      }
      %scan3A_106 = arith.constant 80 : i32
      "tpu.region"() ({
        %run_scoped3A = tpu.sem_alloc : memref<!tpu.dma_semaphore, #tpu.memory_space<semaphore_mem>>
        %dma_start3A_107 = arith.constant 0 : i32
        %dma_start3A_108 = tpu.memref_slice %arg7[%add3A_11, %dma_start3A_107] : memref<320000x128xf32, #tpu.memory_space<hbm>> -> memref<80x128xf32, #tpu.memory_space<hbm>>
        %dma_start3A_109 = arith.constant 0 : i32
        %dma_start3A_110 = tpu.memref_slice %arg7[%add3A_11, %dma_start3A_109] : memref<320000x128xf32, #tpu.memory_space<hbm>> -> memref<80x128xf32, #tpu.memory_space<hbm>>
        tpu.enqueue_dma source(%arg13 : memref<80x128xf32, #tpu.memory_space<vmem>>) target(%dma_start3A_110 : memref<80x128xf32, #tpu.memory_space<hbm>>) target_semaphore(%run_scoped3A : memref<!tpu.dma_semaphore, #tpu.memory_space<semaphore_mem>>)
        %dma_wait3A_111 = arith.constant 0 : i32
        %dma_wait3A_112 = tpu.memref_slice %arg7[%add3A_11, %dma_wait3A_111] : memref<320000x128xf32, #tpu.memory_space<hbm>> -> memref<80x128xf32, #tpu.memory_space<hbm>>
        %dma_wait3A_113 = arith.constant 0 : i32
        %dma_wait3A_114 = tpu.memref_slice %arg7[%add3A_11, %dma_wait3A_113] : memref<320000x128xf32, #tpu.memory_space<hbm>> -> memref<80x128xf32, #tpu.memory_space<hbm>>
        tpu.wait_dma2 semaphore(%run_scoped3A : memref<!tpu.dma_semaphore, #tpu.memory_space<semaphore_mem>>) src(%arg13 : memref<80x128xf32, #tpu.memory_space<vmem>>) dst(%dma_wait3A_114 : memref<80x128xf32, #tpu.memory_space<hbm>>)
        tpu.yield
      }) : () -> ()
      "tpu.region"() ({
        %run_scoped3A = tpu.sem_alloc : memref<!tpu.dma_semaphore, #tpu.memory_space<semaphore_mem>>
        %dma_start3A_107 = arith.constant 0 : i32
        %dma_start3A_108 = tpu.memref_slice %arg8[%add3A_11, %dma_start3A_107] : memref<320000x16xf32, #tpu.memory_space<hbm>> -> memref<80x16xf32, #tpu.memory_space<hbm>>
        %dma_start3A_109 = arith.constant 0 : i32
        %dma_start3A_110 = tpu.memref_slice %arg8[%add3A_11, %dma_start3A_109] : memref<320000x16xf32, #tpu.memory_space<hbm>> -> memref<80x16xf32, #tpu.memory_space<hbm>>
        tpu.enqueue_dma source(%arg17 : memref<80x16xf32, #tpu.memory_space<vmem>>) target(%dma_start3A_110 : memref<80x16xf32, #tpu.memory_space<hbm>>) target_semaphore(%run_scoped3A : memref<!tpu.dma_semaphore, #tpu.memory_space<semaphore_mem>>)
        %dma_wait3A_111 = arith.constant 0 : i32
        %dma_wait3A_112 = tpu.memref_slice %arg8[%add3A_11, %dma_wait3A_111] : memref<320000x16xf32, #tpu.memory_space<hbm>> -> memref<80x16xf32, #tpu.memory_space<hbm>>
        %dma_wait3A_113 = arith.constant 0 : i32
        %dma_wait3A_114 = tpu.memref_slice %arg8[%add3A_11, %dma_wait3A_113] : memref<320000x16xf32, #tpu.memory_space<hbm>> -> memref<80x16xf32, #tpu.memory_space<hbm>>
        tpu.wait_dma2 semaphore(%run_scoped3A : memref<!tpu.dma_semaphore, #tpu.memory_space<semaphore_mem>>) src(%arg17 : memref<80x16xf32, #tpu.memory_space<vmem>>) dst(%dma_wait3A_114 : memref<80x16xf32, #tpu.memory_space<hbm>>)
        tpu.yield
      }) : () -> ()
    }
    %scan3A_7 = arith.constant 125 : i32
    return
  }
}

#map = affine_map<(d0, d1) -> (0, 0)>
#map1 = affine_map<(d0, d1) -> (0)>
module attributes {stable_mosaic.version = 14 : i64} {
  func.func @_sc_gather_body(%arg0: i32, %arg1: i32, %arg2: memref<10000x128xf32, #tpu.memory_space<hbm>>, %arg3: memref<10000x128xf32, #tpu.memory_space<hbm>>, %arg4: memref<1250x128xf32, #tpu.memory_space<hbm>>, %arg5: memref<320000xi32, #tpu.memory_space<hbm>>, %arg6: memref<320000xi32, #tpu.memory_space<hbm>>, %arg7: memref<320000x128xf32, #tpu.memory_space<hbm>>, %arg8: memref<320000x16xf32, #tpu.memory_space<hbm>>, %arg9: memref<80xi32, #tpu.memory_space<vmem>>, %arg10: memref<80xi32, #tpu.memory_space<vmem>>, %arg11: memref<80xi32, #tpu.memory_space<vmem>>, %arg12: memref<80xi32, #tpu.memory_space<vmem>>, %arg13: memref<80x128xf32, #tpu.memory_space<vmem>>, %arg14: memref<80x128xf32, #tpu.memory_space<vmem>>, %arg15: memref<80x128xf32, #tpu.memory_space<vmem>>, %arg16: memref<80x128xf32, #tpu.memory_space<vmem>>, %arg17: memref<80x16xf32, #tpu.memory_space<vmem>>, %arg18: memref<!tpu.dma_semaphore, #tpu.memory_space<semaphore_mem>>, %arg19: memref<!tpu.dma_semaphore, #tpu.memory_space<semaphore_mem>>, %arg20: memref<!tpu.dma_semaphore, #tpu.memory_space<semaphore_mem>>, %arg21: memref<!tpu.dma_semaphore, #tpu.memory_space<semaphore_mem>>) attributes {dimension_semantics = [#tpu.dimension_semantics<core_parallel>, #tpu.dimension_semantics<subcore_parallel>], iteration_bounds = array<i64: 2, 16>, scalar_prefetch = 0 : i64, scratch_operands = 13 : i64, tpu.core_type = #tpu.core_type<sc_vector_subcore>, window_params = [{transform_indices = #map}, {transform_indices = #map}, {transform_indices = #map}, {transform_indices = #map1}, {transform_indices = #map1}, {transform_indices = #map}, {transform_indices = #map}]} {
    %mul3A = arith.constant 2 : i32
    %mul3A_0 = arith.muli %arg1, %mul3A : i32
    %add3A = arith.addi %mul3A_0, %arg0 : i32
    %mul3A_1 = arith.constant 10000 : i32
    %mul3A_2 = arith.muli %add3A, %mul3A_1 : i32
    %scan3A = arith.constant 0 : i32
    %scan3A_3 = arith.constant 0 : i32
    %scan3A_4 = arith.constant 125 : i32
    %scan3A_5 = arith.addi %scan3A_3, %scan3A_4 : i32
    %scan3A_6 = arith.constant 1 : i32
    scf.for %scan3A_8 = %scan3A_3 to %scan3A_5 step %scan3A_6  : i32 {
      %mul3A_9 = arith.constant 80 : i32
      %mul3A_10 = arith.muli %scan3A_8, %mul3A_9 : i32
      %add3A_11 = arith.addi %mul3A_2, %mul3A_10 : i32
      "tpu.region"() ({
        %run_scoped3A = tpu.sem_alloc : memref<!tpu.dma_semaphore, #tpu.memory_space<semaphore_mem>>
        %dma_start3A_107 = tpu.memref_slice %arg5[%add3A_11] : memref<320000xi32, #tpu.memory_space<hbm>> -> memref<80xi32, #tpu.memory_space<hbm>>
        %dma_start3A_108 = tpu.memref_slice %arg5[%add3A_11] : memref<320000xi32, #tpu.memory_space<hbm>> -> memref<80xi32, #tpu.memory_space<hbm>>
        tpu.enqueue_dma source(%dma_start3A_108 : memref<80xi32, #tpu.memory_space<hbm>>) target(%arg9 : memref<80xi32, #tpu.memory_space<vmem>>) target_semaphore(%run_scoped3A : memref<!tpu.dma_semaphore, #tpu.memory_space<semaphore_mem>>)
        %dma_wait3A_109 = tpu.memref_slice %arg5[%add3A_11] : memref<320000xi32, #tpu.memory_space<hbm>> -> memref<80xi32, #tpu.memory_space<hbm>>
        %dma_wait3A_110 = tpu.memref_slice %arg5[%add3A_11] : memref<320000xi32, #tpu.memory_space<hbm>> -> memref<80xi32, #tpu.memory_space<hbm>>
        tpu.wait_dma2 semaphore(%run_scoped3A : memref<!tpu.dma_semaphore, #tpu.memory_space<semaphore_mem>>) src(%dma_wait3A_110 : memref<80xi32, #tpu.memory_space<hbm>>) dst(%arg9 : memref<80xi32, #tpu.memory_space<vmem>>)
        tpu.yield
      }) : () -> ()
      "tpu.region"() ({
        %run_scoped3A = tpu.sem_alloc : memref<!tpu.dma_semaphore, #tpu.memory_space<semaphore_mem>>
        %dma_start3A_107 = tpu.memref_slice %arg6[%add3A_11] : memref<320000xi32, #tpu.memory_space<hbm>> -> memref<80xi32, #tpu.memory_space<hbm>>
        %dma_start3A_108 = tpu.memref_slice %arg6[%add3A_11] : memref<320000xi32, #tpu.memory_space<hbm>> -> memref<80xi32, #tpu.memory_space<hbm>>
        tpu.enqueue_dma source(%dma_start3A_108 : memref<80xi32, #tpu.memory_space<hbm>>) target(%arg10 : memref<80xi32, #tpu.memory_space<vmem>>) target_semaphore(%run_scoped3A : memref<!tpu.dma_semaphore, #tpu.memory_space<semaphore_mem>>)
        %dma_wait3A_109 = tpu.memref_slice %arg6[%add3A_11] : memref<320000xi32, #tpu.memory_space<hbm>> -> memref<80xi32, #tpu.memory_space<hbm>>
        %dma_wait3A_110 = tpu.memref_slice %arg6[%add3A_11] : memref<320000xi32, #tpu.memory_space<hbm>> -> memref<80xi32, #tpu.memory_space<hbm>>
        tpu.wait_dma2 semaphore(%run_scoped3A : memref<!tpu.dma_semaphore, #tpu.memory_space<semaphore_mem>>) src(%dma_wait3A_110 : memref<80xi32, #tpu.memory_space<hbm>>) dst(%arg10 : memref<80xi32, #tpu.memory_space<vmem>>)
        tpu.yield
      }) : () -> ()
      %get3A = arith.constant 0 : index
      %get3A_12 = tpu.vector_load %arg9[%get3A] {strides = array<i32>} : memref<80xi32, #tpu.memory_space<vmem>>, vector<16xi32>,
      %shift_right_logical3A = arith.constant 3 : i32
      %shift_right_logical3A_13 = vector.broadcast %shift_right_logical3A : i32 to vector<16xi32>
      %shift_right_logical3A_14 = arith.shrui %get3A_12, %shift_right_logical3A_13 : vector<16xi32>
      %swap3A = arith.constant 0 : index
      %swap3A_15 = tpu.vector_load %arg11[%swap3A] {strides = array<i32>} : memref<80xi32, #tpu.memory_space<vmem>>, vector<16xi32>,
      tpu.vector_store %arg11[%swap3A], %shift_right_logical3A_14 {strides = array<i32>} : memref<80xi32, #tpu.memory_space<vmem>>, vector<16xi32>,
      %get3A_16 = arith.constant 0 : index
      %get3A_17 = tpu.vector_load %arg10[%get3A_16] {strides = array<i32>} : memref<80xi32, #tpu.memory_space<vmem>>, vector<16xi32>,
      %shift_right_logical3A_18 = arith.constant 3 : i32
      %shift_right_logical3A_19 = vector.broadcast %shift_right_logical3A_18 : i32 to vector<16xi32>
      %shift_right_logical3A_20 = arith.shrui %get3A_17, %shift_right_logical3A_19 : vector<16xi32>
      %swap3A_21 = arith.constant 0 : index
      %swap3A_22 = tpu.vector_load %arg12[%swap3A_21] {strides = array<i32>} : memref<80xi32, #tpu.memory_space<vmem>>, vector<16xi32>,
      tpu.vector_store %arg12[%swap3A_21], %shift_right_logical3A_20 {strides = array<i32>} : memref<80xi32, #tpu.memory_space<vmem>>, vector<16xi32>,
      %get3A_23 = arith.constant 16 : index
      %get3A_24 = tpu.vector_load %arg9[%get3A_23] {strides = array<i32>} : memref<80xi32, #tpu.memory_space<vmem>>, vector<16xi32>,
      %shift_right_logical3A_25 = arith.constant 3 : i32
      %shift_right_logical3A_26 = vector.broadcast %shift_right_logical3A_25 : i32 to vector<16xi32>
      %shift_right_logical3A_27 = arith.shrui %get3A_24, %shift_right_logical3A_26 : vector<16xi32>
      %swap3A_28 = arith.constant 16 : index
      %swap3A_29 = tpu.vector_load %arg11[%swap3A_28] {strides = array<i32>} : memref<80xi32, #tpu.memory_space<vmem>>, vector<16xi32>,
      tpu.vector_store %arg11[%swap3A_28], %shift_right_logical3A_27 {strides = array<i32>} : memref<80xi32, #tpu.memory_space<vmem>>, vector<16xi32>,
      %get3A_30 = arith.constant 16 : index
      %get3A_31 = tpu.vector_load %arg10[%get3A_30] {strides = array<i32>} : memref<80xi32, #tpu.memory_space<vmem>>, vector<16xi32>,
      %shift_right_logical3A_32 = arith.constant 3 : i32
      %shift_right_logical3A_33 = vector.broadcast %shift_right_logical3A_32 : i32 to vector<16xi32>
      %shift_right_logical3A_34 = arith.shrui %get3A_31, %shift_right_logical3A_33 : vector<16xi32>
      %swap3A_35 = arith.constant 16 : index
      %swap3A_36 = tpu.vector_load %arg12[%swap3A_35] {strides = array<i32>} : memref<80xi32, #tpu.memory_space<vmem>>, vector<16xi32>,
      tpu.vector_store %arg12[%swap3A_35], %shift_right_logical3A_34 {strides = array<i32>} : memref<80xi32, #tpu.memory_space<vmem>>, vector<16xi32>,
      %get3A_37 = arith.constant 32 : index
      %get3A_38 = tpu.vector_load %arg9[%get3A_37] {strides = array<i32>} : memref<80xi32, #tpu.memory_space<vmem>>, vector<16xi32>,
      %shift_right_logical3A_39 = arith.constant 3 : i32
      %shift_right_logical3A_40 = vector.broadcast %shift_right_logical3A_39 : i32 to vector<16xi32>
      %shift_right_logical3A_41 = arith.shrui %get3A_38, %shift_right_logical3A_40 : vector<16xi32>
      %swap3A_42 = arith.constant 32 : index
      %swap3A_43 = tpu.vector_load %arg11[%swap3A_42] {strides = array<i32>} : memref<80xi32, #tpu.memory_space<vmem>>, vector<16xi32>,
      tpu.vector_store %arg11[%swap3A_42], %shift_right_logical3A_41 {strides = array<i32>} : memref<80xi32, #tpu.memory_space<vmem>>, vector<16xi32>,
      %get3A_44 = arith.constant 32 : index
      %get3A_45 = tpu.vector_load %arg10[%get3A_44] {strides = array<i32>} : memref<80xi32, #tpu.memory_space<vmem>>, vector<16xi32>,
      %shift_right_logical3A_46 = arith.constant 3 : i32
      %shift_right_logical3A_47 = vector.broadcast %shift_right_logical3A_46 : i32 to vector<16xi32>
      %shift_right_logical3A_48 = arith.shrui %get3A_45, %shift_right_logical3A_47 : vector<16xi32>
      %swap3A_49 = arith.constant 32 : index
      %swap3A_50 = tpu.vector_load %arg12[%swap3A_49] {strides = array<i32>} : memref<80xi32, #tpu.memory_space<vmem>>, vector<16xi32>,
      tpu.vector_store %arg12[%swap3A_49], %shift_right_logical3A_48 {strides = array<i32>} : memref<80xi32, #tpu.memory_space<vmem>>, vector<16xi32>,
      %get3A_51 = arith.constant 48 : index
      %get3A_52 = tpu.vector_load %arg9[%get3A_51] {strides = array<i32>} : memref<80xi32, #tpu.memory_space<vmem>>, vector<16xi32>,
      %shift_right_logical3A_53 = arith.constant 3 : i32
      %shift_right_logical3A_54 = vector.broadcast %shift_right_logical3A_53 : i32 to vector<16xi32>
      %shift_right_logical3A_55 = arith.shrui %get3A_52, %shift_right_logical3A_54 : vector<16xi32>
      %swap3A_56 = arith.constant 48 : index
      %swap3A_57 = tpu.vector_load %arg11[%swap3A_56] {strides = array<i32>} : memref<80xi32, #tpu.memory_space<vmem>>, vector<16xi32>,
      tpu.vector_store %arg11[%swap3A_56], %shift_right_logical3A_55 {strides = array<i32>} : memref<80xi32, #tpu.memory_space<vmem>>, vector<16xi32>,
      %get3A_58 = arith.constant 48 : index
      %get3A_59 = tpu.vector_load %arg10[%get3A_58] {strides = array<i32>} : memref<80xi32, #tpu.memory_space<vmem>>, vector<16xi32>,
      %shift_right_logical3A_60 = arith.constant 3 : i32
      %shift_right_logical3A_61 = vector.broadcast %shift_right_logical3A_60 : i32 to vector<16xi32>
      %shift_right_logical3A_62 = arith.shrui %get3A_59, %shift_right_logical3A_61 : vector<16xi32>
      %swap3A_63 = arith.constant 48 : index
      %swap3A_64 = tpu.vector_load %arg12[%swap3A_63] {strides = array<i32>} : memref<80xi32, #tpu.memory_space<vmem>>, vector<16xi32>,
      tpu.vector_store %arg12[%swap3A_63], %shift_right_logical3A_62 {strides = array<i32>} : memref<80xi32, #tpu.memory_space<vmem>>, vector<16xi32>,
      %get3A_65 = arith.constant 64 : index
      %get3A_66 = tpu.vector_load %arg9[%get3A_65] {strides = array<i32>} : memref<80xi32, #tpu.memory_space<vmem>>, vector<16xi32>,
      %shift_right_logical3A_67 = arith.constant 3 : i32
      %shift_right_logical3A_68 = vector.broadcast %shift_right_logical3A_67 : i32 to vector<16xi32>
      %shift_right_logical3A_69 = arith.shrui %get3A_66, %shift_right_logical3A_68 : vector<16xi32>
      %swap3A_70 = arith.constant 64 : index
      %swap3A_71 = tpu.vector_load %arg11[%swap3A_70] {strides = array<i32>} : memref<80xi32, #tpu.memory_space<vmem>>, vector<16xi32>,
      tpu.vector_store %arg11[%swap3A_70], %shift_right_logical3A_69 {strides = array<i32>} : memref<80xi32, #tpu.memory_space<vmem>>, vector<16xi32>,
      %get3A_72 = arith.constant 64 : index
      %get3A_73 = tpu.vector_load %arg10[%get3A_72] {strides = array<i32>} : memref<80xi32, #tpu.memory_space<vmem>>, vector<16xi32>,
      %shift_right_logical3A_74 = arith.constant 3 : i32
      %shift_right_logical3A_75 = vector.broadcast %shift_right_logical3A_74 : i32 to vector<16xi32>
      %shift_right_logical3A_76 = arith.shrui %get3A_73, %shift_right_logical3A_75 : vector<16xi32>
      %swap3A_77 = arith.constant 64 : index
      %swap3A_78 = tpu.vector_load %arg12[%swap3A_77] {strides = array<i32>} : memref<80xi32, #tpu.memory_space<vmem>>, vector<16xi32>,
      tpu.vector_store %arg12[%swap3A_77], %shift_right_logical3A_76 {strides = array<i32>} : memref<80xi32, #tpu.memory_space<vmem>>, vector<16xi32>,
      %dma_start3A = arith.constant 0 : i32
      %dma_start3A_79 = arith.constant 0 : i32
      %dma_start3A_80 = tpu.memref_slice %arg2[%dma_start3A, %dma_start3A_79] : memref<10000x128xf32, #tpu.memory_space<hbm>> -> memref<10000x128xf32, #tpu.memory_space<hbm>>
      tpu.enqueue_indirect_dma source(%dma_start3A_80 : memref<10000x128xf32, #tpu.memory_space<hbm>>) target(%arg13 : memref<80x128xf32, #tpu.memory_space<vmem>>) offsets(%arg10 : memref<80xi32, #tpu.memory_space<vmem>>) semaphore(%arg18 : memref<!tpu.dma_semaphore, #tpu.memory_space<semaphore_mem>>)
      %dma_start3A_81 = arith.constant 0 : i32
      %dma_start3A_82 = arith.constant 0 : i32
      %dma_start3A_83 = tpu.memref_slice %arg3[%dma_start3A_81, %dma_start3A_82] : memref<10000x128xf32, #tpu.memory_space<hbm>> -> memref<10000x128xf32, #tpu.memory_space<hbm>>
      tpu.enqueue_indirect_dma source(%dma_start3A_83 : memref<10000x128xf32, #tpu.memory_space<hbm>>) target(%arg14 : memref<80x128xf32, #tpu.memory_space<vmem>>) offsets(%arg9 : memref<80xi32, #tpu.memory_space<vmem>>) semaphore(%arg19 : memref<!tpu.dma_semaphore, #tpu.memory_space<semaphore_mem>>)
      %dma_start3A_84 = arith.constant 0 : i32
      %dma_start3A_85 = arith.constant 0 : i32
      %dma_start3A_86 = tpu.memref_slice %arg4[%dma_start3A_84, %dma_start3A_85] : memref<1250x128xf32, #tpu.memory_space<hbm>> -> memref<1250x128xf32, #tpu.memory_space<hbm>>
      tpu.enqueue_indirect_dma source(%dma_start3A_86 : memref<1250x128xf32, #tpu.memory_space<hbm>>) target(%arg15 : memref<80x128xf32, #tpu.memory_space<vmem>>) offsets(%arg11 : memref<80xi32, #tpu.memory_space<vmem>>) semaphore(%arg20 : memref<!tpu.dma_semaphore, #tpu.memory_space<semaphore_mem>>)
      %dma_start3A_87 = arith.constant 0 : i32
      %dma_start3A_88 = arith.constant 0 : i32
      %dma_start3A_89 = tpu.memref_slice %arg4[%dma_start3A_87, %dma_start3A_88] : memref<1250x128xf32, #tpu.memory_space<hbm>> -> memref<1250x128xf32, #tpu.memory_space<hbm>>
      tpu.enqueue_indirect_dma source(%dma_start3A_89 : memref<1250x128xf32, #tpu.memory_space<hbm>>) target(%arg16 : memref<80x128xf32, #tpu.memory_space<vmem>>) offsets(%arg12 : memref<80xi32, #tpu.memory_space<vmem>>) semaphore(%arg21 : memref<!tpu.dma_semaphore, #tpu.memory_space<semaphore_mem>>)
      %dma_wait3A = arith.constant 0 : i32
      %dma_wait3A_90 = arith.constant 0 : i32
      %dma_wait3A_91 = tpu.memref_slice %arg2[%dma_wait3A, %dma_wait3A_90] : memref<10000x128xf32, #tpu.memory_space<hbm>> -> memref<10000x128xf32, #tpu.memory_space<hbm>>
      tpu.wait_indirect_dma semaphore(%arg18 : memref<!tpu.dma_semaphore, #tpu.memory_space<semaphore_mem>>) src(%dma_wait3A_91 : memref<10000x128xf32, #tpu.memory_space<hbm>>) dst(%arg13 : memref<80x128xf32, #tpu.memory_space<vmem>>)
      %dma_wait3A_92 = arith.constant 0 : i32
      %dma_wait3A_93 = arith.constant 0 : i32
      %dma_wait3A_94 = tpu.memref_slice %arg3[%dma_wait3A_92, %dma_wait3A_93] : memref<10000x128xf32, #tpu.memory_space<hbm>> -> memref<10000x128xf32, #tpu.memory_space<hbm>>
      tpu.wait_indirect_dma semaphore(%arg19 : memref<!tpu.dma_semaphore, #tpu.memory_space<semaphore_mem>>) src(%dma_wait3A_94 : memref<10000x128xf32, #tpu.memory_space<hbm>>) dst(%arg14 : memref<80x128xf32, #tpu.memory_space<vmem>>)
      %dma_wait3A_95 = arith.constant 0 : i32
      %dma_wait3A_96 = arith.constant 0 : i32
      %dma_wait3A_97 = tpu.memref_slice %arg4[%dma_wait3A_95, %dma_wait3A_96] : memref<1250x128xf32, #tpu.memory_space<hbm>> -> memref<1250x128xf32, #tpu.memory_space<hbm>>
      tpu.wait_indirect_dma semaphore(%arg20 : memref<!tpu.dma_semaphore, #tpu.memory_space<semaphore_mem>>) src(%dma_wait3A_97 : memref<1250x128xf32, #tpu.memory_space<hbm>>) dst(%arg15 : memref<80x128xf32, #tpu.memory_space<vmem>>)
      %dma_wait3A_98 = arith.constant 0 : i32
      %dma_wait3A_99 = arith.constant 0 : i32
      %dma_wait3A_100 = tpu.memref_slice %arg4[%dma_wait3A_98, %dma_wait3A_99] : memref<1250x128xf32, #tpu.memory_space<hbm>> -> memref<1250x128xf32, #tpu.memory_space<hbm>>
      tpu.wait_indirect_dma semaphore(%arg21 : memref<!tpu.dma_semaphore, #tpu.memory_space<semaphore_mem>>) src(%dma_wait3A_100 : memref<1250x128xf32, #tpu.memory_space<hbm>>) dst(%arg16 : memref<80x128xf32, #tpu.memory_space<vmem>>)
      %iota3A = tpu.iota {dimensions = array<i32: 0>} : vector<16xi32>
      %scan3A_101 = arith.constant 0 : i32
      %scan3A_102 = arith.constant 0 : i32
      %scan3A_103 = arith.constant 80 : i32
      %scan3A_104 = arith.addi %scan3A_102, %scan3A_103 : i32
      %scan3A_105 = arith.constant 1 : i32
      scf.for %scan3A_107 = %scan3A_102 to %scan3A_104 step %scan3A_105  : i32 {
        %get3A_108 = arith.index_cast %scan3A_107 : i32 to index
        %get3A_109 = arith.constant 0 : index
        %get3A_110 = tpu.vector_load %arg13[%get3A_108, %get3A_109] {strides = array<i32>} : memref<80x128xf32, #tpu.memory_space<vmem>>, vector<16xf32>,
        %get3A_111 = arith.index_cast %scan3A_107 : i32 to index
        %get3A_112 = arith.constant 0 : index
        %get3A_113 = tpu.vector_load %arg14[%get3A_111, %get3A_112] {strides = array<i32>} : memref<80x128xf32, #tpu.memory_space<vmem>>, vector<16xf32>,
        %add3A_114 = arith.addf %get3A_110, %get3A_113 : vector<16xf32>
        %swap3A_115 = arith.index_cast %scan3A_107 : i32 to index
        %swap3A_116 = arith.constant 0 : index
        %swap3A_117 = tpu.vector_load %arg13[%swap3A_115, %swap3A_116] {strides = array<i32>} : memref<80x128xf32, #tpu.memory_space<vmem>>, vector<16xf32>,
        tpu.vector_store %arg13[%swap3A_115, %swap3A_116], %add3A_114 {strides = array<i32>} : memref<80x128xf32, #tpu.memory_space<vmem>>, vector<16xf32>,
        %get3A_118 = arith.index_cast %scan3A_107 : i32 to index
        %get3A_119 = arith.constant 16 : index
        %get3A_120 = tpu.vector_load %arg13[%get3A_118, %get3A_119] {strides = array<i32>} : memref<80x128xf32, #tpu.memory_space<vmem>>, vector<16xf32>,
        %get3A_121 = arith.index_cast %scan3A_107 : i32 to index
        %get3A_122 = arith.constant 16 : index
        %get3A_123 = tpu.vector_load %arg14[%get3A_121, %get3A_122] {strides = array<i32>} : memref<80x128xf32, #tpu.memory_space<vmem>>, vector<16xf32>,
        %add3A_124 = arith.addf %get3A_120, %get3A_123 : vector<16xf32>
        %swap3A_125 = arith.index_cast %scan3A_107 : i32 to index
        %swap3A_126 = arith.constant 16 : index
        %swap3A_127 = tpu.vector_load %arg13[%swap3A_125, %swap3A_126] {strides = array<i32>} : memref<80x128xf32, #tpu.memory_space<vmem>>, vector<16xf32>,
        tpu.vector_store %arg13[%swap3A_125, %swap3A_126], %add3A_124 {strides = array<i32>} : memref<80x128xf32, #tpu.memory_space<vmem>>, vector<16xf32>,
        %get3A_128 = arith.index_cast %scan3A_107 : i32 to index
        %get3A_129 = arith.constant 32 : index
        %get3A_130 = tpu.vector_load %arg13[%get3A_128, %get3A_129] {strides = array<i32>} : memref<80x128xf32, #tpu.memory_space<vmem>>, vector<16xf32>,
        %get3A_131 = arith.index_cast %scan3A_107 : i32 to index
        %get3A_132 = arith.constant 32 : index
        %get3A_133 = tpu.vector_load %arg14[%get3A_131, %get3A_132] {strides = array<i32>} : memref<80x128xf32, #tpu.memory_space<vmem>>, vector<16xf32>,
        %add3A_134 = arith.addf %get3A_130, %get3A_133 : vector<16xf32>
        %swap3A_135 = arith.index_cast %scan3A_107 : i32 to index
        %swap3A_136 = arith.constant 32 : index
        %swap3A_137 = tpu.vector_load %arg13[%swap3A_135, %swap3A_136] {strides = array<i32>} : memref<80x128xf32, #tpu.memory_space<vmem>>, vector<16xf32>,
        tpu.vector_store %arg13[%swap3A_135, %swap3A_136], %add3A_134 {strides = array<i32>} : memref<80x128xf32, #tpu.memory_space<vmem>>, vector<16xf32>,
        %get3A_138 = arith.index_cast %scan3A_107 : i32 to index
        %get3A_139 = arith.constant 48 : index
        %get3A_140 = tpu.vector_load %arg13[%get3A_138, %get3A_139] {strides = array<i32>} : memref<80x128xf32, #tpu.memory_space<vmem>>, vector<16xf32>,
        %get3A_141 = arith.index_cast %scan3A_107 : i32 to index
        %get3A_142 = arith.constant 48 : index
        %get3A_143 = tpu.vector_load %arg14[%get3A_141, %get3A_142] {strides = array<i32>} : memref<80x128xf32, #tpu.memory_space<vmem>>, vector<16xf32>,
        %add3A_144 = arith.addf %get3A_140, %get3A_143 : vector<16xf32>
        %swap3A_145 = arith.index_cast %scan3A_107 : i32 to index
        %swap3A_146 = arith.constant 48 : index
        %swap3A_147 = tpu.vector_load %arg13[%swap3A_145, %swap3A_146] {strides = array<i32>} : memref<80x128xf32, #tpu.memory_space<vmem>>, vector<16xf32>,
        tpu.vector_store %arg13[%swap3A_145, %swap3A_146], %add3A_144 {strides = array<i32>} : memref<80x128xf32, #tpu.memory_space<vmem>>, vector<16xf32>,
        %get3A_148 = arith.index_cast %scan3A_107 : i32 to index
        %get3A_149 = arith.constant 64 : index
        %get3A_150 = tpu.vector_load %arg13[%get3A_148, %get3A_149] {strides = array<i32>} : memref<80x128xf32, #tpu.memory_space<vmem>>, vector<16xf32>,
        %get3A_151 = arith.index_cast %scan3A_107 : i32 to index
        %get3A_152 = arith.constant 64 : index
        %get3A_153 = tpu.vector_load %arg14[%get3A_151, %get3A_152] {strides = array<i32>} : memref<80x128xf32, #tpu.memory_space<vmem>>, vector<16xf32>,
        %add3A_154 = arith.addf %get3A_150, %get3A_153 : vector<16xf32>
        %swap3A_155 = arith.index_cast %scan3A_107 : i32 to index
        %swap3A_156 = arith.constant 64 : index
        %swap3A_157 = tpu.vector_load %arg13[%swap3A_155, %swap3A_156] {strides = array<i32>} : memref<80x128xf32, #tpu.memory_space<vmem>>, vector<16xf32>,
        tpu.vector_store %arg13[%swap3A_155, %swap3A_156], %add3A_154 {strides = array<i32>} : memref<80x128xf32, #tpu.memory_space<vmem>>, vector<16xf32>,
        %get3A_158 = arith.index_cast %scan3A_107 : i32 to index
        %get3A_159 = arith.constant 80 : index
        %get3A_160 = tpu.vector_load %arg13[%get3A_158, %get3A_159] {strides = array<i32>} : memref<80x128xf32, #tpu.memory_space<vmem>>, vector<16xf32>,
        %get3A_161 = arith.index_cast %scan3A_107 : i32 to index
        %get3A_162 = arith.constant 80 : index
        %get3A_163 = tpu.vector_load %arg14[%get3A_161, %get3A_162] {strides = array<i32>} : memref<80x128xf32, #tpu.memory_space<vmem>>, vector<16xf32>,
        %add3A_164 = arith.addf %get3A_160, %get3A_163 : vector<16xf32>
        %swap3A_165 = arith.index_cast %scan3A_107 : i32 to index
        %swap3A_166 = arith.constant 80 : index
        %swap3A_167 = tpu.vector_load %arg13[%swap3A_165, %swap3A_166] {strides = array<i32>} : memref<80x128xf32, #tpu.memory_space<vmem>>, vector<16xf32>,
        tpu.vector_store %arg13[%swap3A_165, %swap3A_166], %add3A_164 {strides = array<i32>} : memref<80x128xf32, #tpu.memory_space<vmem>>, vector<16xf32>,
        %get3A_168 = arith.index_cast %scan3A_107 : i32 to index
        %get3A_169 = arith.constant 96 : index
        %get3A_170 = tpu.vector_load %arg13[%get3A_168, %get3A_169] {strides = array<i32>} : memref<80x128xf32, #tpu.memory_space<vmem>>, vector<16xf32>,
        %get3A_171 = arith.index_cast %scan3A_107 : i32 to index
        %get3A_172 = arith.constant 96 : index
        %get3A_173 = tpu.vector_load %arg14[%get3A_171, %get3A_172] {strides = array<i32>} : memref<80x128xf32, #tpu.memory_space<vmem>>, vector<16xf32>,
        %add3A_174 = arith.addf %get3A_170, %get3A_173 : vector<16xf32>
        %swap3A_175 = arith.index_cast %scan3A_107 : i32 to index
        %swap3A_176 = arith.constant 96 : index
        %swap3A_177 = tpu.vector_load %arg13[%swap3A_175, %swap3A_176] {strides = array<i32>} : memref<80x128xf32, #tpu.memory_space<vmem>>, vector<16xf32>,
        tpu.vector_store %arg13[%swap3A_175, %swap3A_176], %add3A_174 {strides = array<i32>} : memref<80x128xf32, #tpu.memory_space<vmem>>, vector<16xf32>,
        %get3A_178 = arith.index_cast %scan3A_107 : i32 to index
        %get3A_179 = arith.constant 112 : index
        %get3A_180 = tpu.vector_load %arg13[%get3A_178, %get3A_179] {strides = array<i32>} : memref<80x128xf32, #tpu.memory_space<vmem>>, vector<16xf32>,
        %get3A_181 = arith.index_cast %scan3A_107 : i32 to index
        %get3A_182 = arith.constant 112 : index
        %get3A_183 = tpu.vector_load %arg14[%get3A_181, %get3A_182] {strides = array<i32>} : memref<80x128xf32, #tpu.memory_space<vmem>>, vector<16xf32>,
        %add3A_184 = arith.addf %get3A_180, %get3A_183 : vector<16xf32>
        %swap3A_185 = arith.index_cast %scan3A_107 : i32 to index
        %swap3A_186 = arith.constant 112 : index
        %swap3A_187 = tpu.vector_load %arg13[%swap3A_185, %swap3A_186] {strides = array<i32>} : memref<80x128xf32, #tpu.memory_space<vmem>>, vector<16xf32>,
        tpu.vector_store %arg13[%swap3A_185, %swap3A_186], %add3A_184 {strides = array<i32>} : memref<80x128xf32, #tpu.memory_space<vmem>>, vector<16xf32>,
        %and3A = arith.constant -16 : i32
        %and3A_188 = arith.andi %scan3A_107, %and3A : i32
        %sub3A = arith.subi %scan3A_107, %and3A_188 : i32
        %eq3A = vector.broadcast %sub3A : i32 to vector<16xi32>
        %eq3A_189 = arith.cmpi eq, %iota3A, %eq3A : vector<16xi32>
        %get3A_190 = arith.index_cast %and3A_188 : i32 to index
        %get3A_191 = tpu.vector_load %arg9[%get3A_190] {strides = array<i32>} : memref<80xi32, #tpu.memory_space<vmem>>, vector<16xi32>,
        %jit3A = arith.constant 0 : i32
        %broadcast_in_dim3A = vector.broadcast %jit3A : i32 to vector<16xi32>
        %select_n3A = arith.select %eq3A_189, %get3A_191, %broadcast_in_dim3A : vector<16xi1>, vector<16xi32>
        %reduce_sum3A = arith.constant true
        %reduce_sum3A_192 = vector.broadcast %reduce_sum3A : i1 to vector<16xi1>
        %reduce_sum3A_193 = tpu.scan <sum>, %select_n3A masked %reduce_sum3A_192 : vector<16xi32>, vector<16xi1> -> vector<16xi32>
        %reduce_sum3A_194 = vector.extract %reduce_sum3A_193[15] : i32 from vector<16xi32>
        %get3A_195 = arith.index_cast %and3A_188 : i32 to index
        %get3A_196 = tpu.vector_load %arg10[%get3A_195] {strides = array<i32>} : memref<80xi32, #tpu.memory_space<vmem>>, vector<16xi32>,
        %jit3A_197 = arith.constant 0 : i32
        %broadcast_in_dim3A_198 = vector.broadcast %jit3A_197 : i32 to vector<16xi32>
        %select_n3A_199 = arith.select %eq3A_189, %get3A_196, %broadcast_in_dim3A_198 : vector<16xi1>, vector<16xi32>
        %reduce_sum3A_200 = arith.constant true
        %reduce_sum3A_201 = vector.broadcast %reduce_sum3A_200 : i1 to vector<16xi1>
        %reduce_sum3A_202 = tpu.scan <sum>, %select_n3A_199 masked %reduce_sum3A_201 : vector<16xi32>, vector<16xi1> -> vector<16xi32>
        %reduce_sum3A_203 = vector.extract %reduce_sum3A_202[15] : i32 from vector<16xi32>
        %and3A_204 = arith.constant 7 : i32
        %and3A_205 = arith.andi %reduce_sum3A_194, %and3A_204 : i32
        %mul3A_206 = arith.constant 16 : i32
        %mul3A_207 = arith.muli %and3A_205, %mul3A_206 : i32
        %and3A_208 = arith.constant 7 : i32
        %and3A_209 = arith.andi %reduce_sum3A_203, %and3A_208 : i32
        %mul3A_210 = arith.constant 16 : i32
        %mul3A_211 = arith.muli %and3A_209, %mul3A_210 : i32
        %get3A_212 = arith.index_cast %scan3A_107 : i32 to index
        %get3A_213 = arith.index_cast %mul3A_207 : i32 to index
        %get3A_214 = tpu.vector_load %arg15[%get3A_212, %get3A_213] {strides = array<i32>} : memref<80x128xf32, #tpu.memory_space<vmem>>, vector<16xf32>,
        %get3A_215 = arith.index_cast %scan3A_107 : i32 to index
        %get3A_216 = arith.index_cast %mul3A_211 : i32 to index
        %get3A_217 = tpu.vector_load %arg16[%get3A_215, %get3A_216] {strides = array<i32>} : memref<80x128xf32, #tpu.memory_space<vmem>>, vector<16xf32>,
        %sub3A_218 = arith.subf %get3A_214, %get3A_217 : vector<16xf32>
        %swap3A_219 = arith.index_cast %scan3A_107 : i32 to index
        %swap3A_220 = arith.constant 0 : index
        %swap3A_221 = tpu.vector_load %arg17[%swap3A_219, %swap3A_220] {strides = array<i32>} : memref<80x16xf32, #tpu.memory_space<vmem>>, vector<16xf32>,
        tpu.vector_store %arg17[%swap3A_219, %swap3A_220], %sub3A_218 {strides = array<i32>} : memref<80x16xf32, #tpu.memory_space<vmem>>, vector<16xf32>,
      }
      %scan3A_106 = arith.constant 80 : i32
      "tpu.region"() ({
        %run_scoped3A = tpu.sem_alloc : memref<!tpu.dma_semaphore, #tpu.memory_space<semaphore_mem>>
        %dma_start3A_107 = arith.constant 0 : i32
        %dma_start3A_108 = tpu.memref_slice %arg7[%add3A_11, %dma_start3A_107] : memref<320000x128xf32, #tpu.memory_space<hbm>> -> memref<80x128xf32, #tpu.memory_space<hbm>>
        %dma_start3A_109 = arith.constant 0 : i32
        %dma_start3A_110 = tpu.memref_slice %arg7[%add3A_11, %dma_start3A_109] : memref<320000x128xf32, #tpu.memory_space<hbm>> -> memref<80x128xf32, #tpu.memory_space<hbm>>
        tpu.enqueue_dma source(%arg13 : memref<80x128xf32, #tpu.memory_space<vmem>>) target(%dma_start3A_110 : memref<80x128xf32, #tpu.memory_space<hbm>>) target_semaphore(%run_scoped3A : memref<!tpu.dma_semaphore, #tpu.memory_space<semaphore_mem>>)
        %dma_wait3A_111 = arith.constant 0 : i32
        %dma_wait3A_112 = tpu.memref_slice %arg7[%add3A_11, %dma_wait3A_111] : memref<320000x128xf32, #tpu.memory_space<hbm>> -> memref<80x128xf32, #tpu.memory_space<hbm>>
        %dma_wait3A_113 = arith.constant 0 : i32
        %dma_wait3A_114 = tpu.memref_slice %arg7[%add3A_11, %dma_wait3A_113] : memref<320000x128xf32, #tpu.memory_space<hbm>> -> memref<80x128xf32, #tpu.memory_space<hbm>>
        tpu.wait_dma2 semaphore(%run_scoped3A : memref<!tpu.dma_semaphore, #tpu.memory_space<semaphore_mem>>) src(%arg13 : memref<80x128xf32, #tpu.memory_space<vmem>>) dst(%dma_wait3A_114 : memref<80x128xf32, #tpu.memory_space<hbm>>)
        tpu.yield
      }) : () -> ()
      "tpu.region"() ({
        %run_scoped3A = tpu.sem_alloc : memref<!tpu.dma_semaphore, #tpu.memory_space<semaphore_mem>>
        %dma_start3A_107 = arith.constant 0 : i32
        %dma_start3A_108 = tpu.memref_slice %arg8[%add3A_11, %dma_start3A_107] : memref<320000x16xf32, #tpu.memory_space<hbm>> -> memref<80x16xf32, #tpu.memory_space<hbm>>
        %dma_start3A_109 = arith.constant 0 : i32
        %dma_start3A_110 = tpu.memref_slice %arg8[%add3A_11, %dma_start3A_109] : memref<320000x16xf32, #tpu.memory_space<hbm>> -> memref<80x16xf32, #tpu.memory_space<hbm>>
        tpu.enqueue_dma source(%arg17 : memref<80x16xf32, #tpu.memory_space<vmem>>) target(%dma_start3A_110 : memref<80x16xf32, #tpu.memory_space<hbm>>) target_semaphore(%run_scoped3A : memref<!tpu.dma_semaphore, #tpu.memory_space<semaphore_mem>>)
        %dma_wait3A_111 = arith.constant 0 : i32
        %dma_wait3A_112 = tpu.memref_slice %arg8[%add3A_11, %dma_wait3A_111] : memref<320000x16xf32, #tpu.memory_space<hbm>> -> memref<80x16xf32, #tpu.memory_space<hbm>>
        %dma_wait3A_113 = arith.constant 0 : i32
        %dma_wait3A_114 = tpu.memref_slice %arg8[%add3A_11, %dma_wait3A_113] : memref<320000x16xf32, #tpu.memory_space<hbm>> -> memref<80x16xf32, #tpu.memory_space<hbm>>
        tpu.wait_dma2 semaphore(%run_scoped3A : memref<!tpu.dma_semaphore, #tpu.memory_space<semaphore_mem>>) src(%arg17 : memref<80x16xf32, #tpu.memory_space<vmem>>) dst(%dma_wait3A_114 : memref<80x16xf32, #tpu.memory_space<hbm>>)
        tpu.yield
      }) : () -> ()
    }
    %scan3A_7 = arith.constant 125 : i32
    return
  }
}

#map = affine_map<(d0, d1) -> (0, 0)>
#map1 = affine_map<(d0, d1) -> (0)>
module attributes {stable_mosaic.version = 14 : i64} {
  func.func @_sc_scatter_body(%arg0: i32, %arg1: i32, %arg2: memref<320000x128xf32, #tpu.memory_space<hbm>>, %arg3: memref<320000x16xf32, #tpu.memory_space<hbm>>, %arg4: memref<320000xi32, #tpu.memory_space<hbm>>, %arg5: memref<20000x128xf32, #tpu.memory_space<hbm>>, %arg6: memref<20000x16xf32, #tpu.memory_space<hbm>>, %arg7: memref<10000x128xf32, #tpu.memory_space<vmem_shared>>, %arg8: memref<10000x16xf32, #tpu.memory_space<vmem_shared>>, %arg9: memref<80xi32, #tpu.memory_space<vmem>>, %arg10: memref<80xi32, #tpu.memory_space<vmem>>, %arg11: memref<80x128xf32, #tpu.memory_space<vmem>>, %arg12: memref<80x16xf32, #tpu.memory_space<vmem>>, %arg13: memref<!tpu.dma_semaphore, #tpu.memory_space<semaphore_mem>>) attributes {dimension_semantics = [#tpu.dimension_semantics<core_parallel>, #tpu.dimension_semantics<subcore_parallel>], iteration_bounds = array<i64: 2, 16>, scalar_prefetch = 0 : i64, scratch_operands = 7 : i64, tpu.core_type = #tpu.core_type<sc_vector_subcore>, window_params = [{transform_indices = #map}, {transform_indices = #map}, {transform_indices = #map1}, {transform_indices = #map}, {transform_indices = #map}]} {
    %mul3A = arith.constant 2 : i32
    %mul3A_0 = arith.muli %arg1, %mul3A : i32
    %add3A = arith.addi %mul3A_0, %arg0 : i32
    %mul3A_1 = arith.constant 10000 : i32
    %mul3A_2 = arith.muli %add3A, %mul3A_1 : i32
    %sub3A = arith.constant 125 : i32
    %sub3A_3 = arith.subi %sub3A, %arg1 : i32
    %add3A_4 = arith.constant 16 : i32
    %add3A_5 = arith.addi %sub3A_3, %add3A_4 : i32
    %sub3A_6 = arith.constant 1 : i32
    %sub3A_7 = arith.subi %add3A_5, %sub3A_6 : i32
    %jit3A = arith.constant 16 : i32
    %div3A = arith.divsi %sub3A_7, %jit3A : i32
    %sign3A = arith.constant 0 : i32
    %sign3A_8 = arith.cmpi sgt, %sub3A_7, %sign3A : i32
    %sign3A_9 = arith.extui %sign3A_8 : i1 to i32
    %sign3A_10 = arith.constant 0 : i32
    %sign3A_11 = arith.cmpi slt, %sub3A_7, %sign3A_10 : i32
    %sign3A_12 = arith.extui %sign3A_11 : i1 to i32
    %sign3A_13 = arith.subi %sign3A_9, %sign3A_12 : i32
    %sign3A_14 = arith.constant 0 : i32
    %sign3A_15 = arith.cmpi sgt, %jit3A, %sign3A_14 : i32
    %sign3A_16 = arith.extui %sign3A_15 : i1 to i32
    %sign3A_17 = arith.constant 0 : i32
    %sign3A_18 = arith.cmpi slt, %jit3A, %sign3A_17 : i32
    %sign3A_19 = arith.extui %sign3A_18 : i1 to i32
    %sign3A_20 = arith.subi %sign3A_16, %sign3A_19 : i32
    %ne3A = arith.cmpi ne, %sign3A_13, %sign3A_20 : i32
    %rem3A = arith.remsi %sub3A_7, %jit3A : i32
    %ne3A_21 = arith.constant 0 : i32
    %ne3A_22 = arith.cmpi ne, %rem3A, %ne3A_21 : i32
    %and3A = arith.andi %ne3A, %ne3A_22 : i1
    %sub3A_23 = arith.constant 1 : i32
    %sub3A_24 = arith.subi %div3A, %sub3A_23 : i32
    %select_n3A = arith.select %and3A, %sub3A_24, %div3A : i32
    %iota3A = tpu.iota {dimensions = array<i32: 0>} : vector<16xi32>
    %scan3A = arith.constant 0 : i32
    %scan3A_25 = arith.constant 0 : i32
    %scan3A_26 = arith.constant 80 : i32
    %scan3A_27 = arith.addi %scan3A_25, %scan3A_26 : i32
    %scan3A_28 = arith.constant 1 : i32
    scf.for %scan3A_56 = %scan3A_25 to %scan3A_27 step %scan3A_28  : i32 {
      %broadcast_in_dim3A = arith.constant 0.000000e+00 : f32
      %broadcast_in_dim3A_57 = vector.broadcast %broadcast_in_dim3A : f32 to vector<16xf32>
      %swap3A = arith.index_cast %scan3A_56 : i32 to index
      %swap3A_58 = arith.constant 0 : index
      %swap3A_59 = tpu.vector_load %arg11[%swap3A, %swap3A_58] {strides = array<i32>} : memref<80x128xf32, #tpu.memory_space<vmem>>, vector<16xf32>,
      tpu.vector_store %arg11[%swap3A, %swap3A_58], %broadcast_in_dim3A_57 {strides = array<i32>} : memref<80x128xf32, #tpu.memory_space<vmem>>, vector<16xf32>,
      %broadcast_in_dim3A_60 = arith.constant 0.000000e+00 : f32
      %broadcast_in_dim3A_61 = vector.broadcast %broadcast_in_dim3A_60 : f32 to vector<16xf32>
      %swap3A_62 = arith.index_cast %scan3A_56 : i32 to index
      %swap3A_63 = arith.constant 16 : index
      %swap3A_64 = tpu.vector_load %arg11[%swap3A_62, %swap3A_63] {strides = array<i32>} : memref<80x128xf32, #tpu.memory_space<vmem>>, vector<16xf32>,
      tpu.vector_store %arg11[%swap3A_62, %swap3A_63], %broadcast_in_dim3A_61 {strides = array<i32>} : memref<80x128xf32, #tpu.memory_space<vmem>>, vector<16xf32>,
      %broadcast_in_dim3A_65 = arith.constant 0.000000e+00 : f32
      %broadcast_in_dim3A_66 = vector.broadcast %broadcast_in_dim3A_65 : f32 to vector<16xf32>
      %swap3A_67 = arith.index_cast %scan3A_56 : i32 to index
      %swap3A_68 = arith.constant 32 : index
      %swap3A_69 = tpu.vector_load %arg11[%swap3A_67, %swap3A_68] {strides = array<i32>} : memref<80x128xf32, #tpu.memory_space<vmem>>, vector<16xf32>,
      tpu.vector_store %arg11[%swap3A_67, %swap3A_68], %broadcast_in_dim3A_66 {strides = array<i32>} : memref<80x128xf32, #tpu.memory_space<vmem>>, vector<16xf32>,
      %broadcast_in_dim3A_70 = arith.constant 0.000000e+00 : f32
      %broadcast_in_dim3A_71 = vector.broadcast %broadcast_in_dim3A_70 : f32 to vector<16xf32>
      %swap3A_72 = arith.index_cast %scan3A_56 : i32 to index
      %swap3A_73 = arith.constant 48 : index
      %swap3A_74 = tpu.vector_load %arg11[%swap3A_72, %swap3A_73] {strides = array<i32>} : memref<80x128xf32, #tpu.memory_space<vmem>>, vector<16xf32>,
      tpu.vector_store %arg11[%swap3A_72, %swap3A_73], %broadcast_in_dim3A_71 {strides = array<i32>} : memref<80x128xf32, #tpu.memory_space<vmem>>, vector<16xf32>,
      %broadcast_in_dim3A_75 = arith.constant 0.000000e+00 : f32
      %broadcast_in_dim3A_76 = vector.broadcast %broadcast_in_dim3A_75 : f32 to vector<16xf32>
      %swap3A_77 = arith.index_cast %scan3A_56 : i32 to index
      %swap3A_78 = arith.constant 64 : index
      %swap3A_79 = tpu.vector_load %arg11[%swap3A_77, %swap3A_78] {strides = array<i32>} : memref<80x128xf32, #tpu.memory_space<vmem>>, vector<16xf32>,
      tpu.vector_store %arg11[%swap3A_77, %swap3A_78], %broadcast_in_dim3A_76 {strides = array<i32>} : memref<80x128xf32, #tpu.memory_space<vmem>>, vector<16xf32>,
      %broadcast_in_dim3A_80 = arith.constant 0.000000e+00 : f32
      %broadcast_in_dim3A_81 = vector.broadcast %broadcast_in_dim3A_80 : f32 to vector<16xf32>
      %swap3A_82 = arith.index_cast %scan3A_56 : i32 to index
      %swap3A_83 = arith.constant 80 : index
      %swap3A_84 = tpu.vector_load %arg11[%swap3A_82, %swap3A_83] {strides = array<i32>} : memref<80x128xf32, #tpu.memory_space<vmem>>, vector<16xf32>,
      tpu.vector_store %arg11[%swap3A_82, %swap3A_83], %broadcast_in_dim3A_81 {strides = array<i32>} : memref<80x128xf32, #tpu.memory_space<vmem>>, vector<16xf32>,
      %broadcast_in_dim3A_85 = arith.constant 0.000000e+00 : f32
      %broadcast_in_dim3A_86 = vector.broadcast %broadcast_in_dim3A_85 : f32 to vector<16xf32>
      %swap3A_87 = arith.index_cast %scan3A_56 : i32 to index
      %swap3A_88 = arith.constant 96 : index
      %swap3A_89 = tpu.vector_load %arg11[%swap3A_87, %swap3A_88] {strides = array<i32>} : memref<80x128xf32, #tpu.memory_space<vmem>>, vector<16xf32>,
      tpu.vector_store %arg11[%swap3A_87, %swap3A_88], %broadcast_in_dim3A_86 {strides = array<i32>} : memref<80x128xf32, #tpu.memory_space<vmem>>, vector<16xf32>,
      %broadcast_in_dim3A_90 = arith.constant 0.000000e+00 : f32
      %broadcast_in_dim3A_91 = vector.broadcast %broadcast_in_dim3A_90 : f32 to vector<16xf32>
      %swap3A_92 = arith.index_cast %scan3A_56 : i32 to index
      %swap3A_93 = arith.constant 112 : index
      %swap3A_94 = tpu.vector_load %arg11[%swap3A_92, %swap3A_93] {strides = array<i32>} : memref<80x128xf32, #tpu.memory_space<vmem>>, vector<16xf32>,
      tpu.vector_store %arg11[%swap3A_92, %swap3A_93], %broadcast_in_dim3A_91 {strides = array<i32>} : memref<80x128xf32, #tpu.memory_space<vmem>>, vector<16xf32>,
      %broadcast_in_dim3A_95 = arith.constant 0.000000e+00 : f32
      %broadcast_in_dim3A_96 = vector.broadcast %broadcast_in_dim3A_95 : f32 to vector<16xf32>
      %swap3A_97 = arith.index_cast %scan3A_56 : i32 to index
      %swap3A_98 = arith.constant 0 : index
      %swap3A_99 = tpu.vector_load %arg12[%swap3A_97, %swap3A_98] {strides = array<i32>} : memref<80x16xf32, #tpu.memory_space<vmem>>, vector<16xf32>,
      tpu.vector_store %arg12[%swap3A_97, %swap3A_98], %broadcast_in_dim3A_96 {strides = array<i32>} : memref<80x16xf32, #tpu.memory_space<vmem>>, vector<16xf32>,
    }
    %scan3A_29 = arith.constant 80 : i32
    %while3A = arith.constant 0 : i32
    %while3A_30 = arith.constant 0 : i32
    %while3A_31 = arith.subi %select_n3A, %while3A_30 : i32
    %while3A_32 = arith.addi %while3A_30, %while3A_31 : i32
    %while3A_33 = arith.constant 1 : i32
    %while3A_34 = arith.divsi %while3A_31, %while3A_33 : i32
    %while3A_35 = arith.muli %while3A_34, %while3A_33 : i32
    %while3A_36 = arith.addi %while3A_30, %while3A_35 : i32
    %while3A_37 = arith.constant 1 : i32
    scf.for %while3A_56 = %while3A_30 to %while3A_36 step %while3A_37  : i32 {
      %mul3A_57 = arith.constant 16 : i32
      %mul3A_58 = arith.muli %while3A_56, %mul3A_57 : i32
      %add3A_59 = arith.addi %arg1, %mul3A_58 : i32
      %mul3A_60 = arith.constant 80 : i32
      %mul3A_61 = arith.muli %add3A_59, %mul3A_60 : i32
      %add3A_62 = arith.constant 0 : i32
      %add3A_63 = arith.addi %mul3A_61, %add3A_62 : i32
      %add3A_64 = vector.broadcast %add3A_63 : i32 to vector<16xi32>
      %add3A_65 = arith.addi %iota3A, %add3A_64 : vector<16xi32>
      %swap3A = arith.constant 0 : index
      %swap3A_66 = tpu.vector_load %arg10[%swap3A] {strides = array<i32>} : memref<80xi32, #tpu.memory_space<vmem>>, vector<16xi32>,
      tpu.vector_store %arg10[%swap3A], %add3A_65 {strides = array<i32>} : memref<80xi32, #tpu.memory_space<vmem>>, vector<16xi32>,
      %add3A_67 = arith.constant 16 : i32
      %add3A_68 = arith.addi %mul3A_61, %add3A_67 : i32
      %add3A_69 = vector.broadcast %add3A_68 : i32 to vector<16xi32>
      %add3A_70 = arith.addi %iota3A, %add3A_69 : vector<16xi32>
      %swap3A_71 = arith.constant 16 : index
      %swap3A_72 = tpu.vector_load %arg10[%swap3A_71] {strides = array<i32>} : memref<80xi32, #tpu.memory_space<vmem>>, vector<16xi32>,
      tpu.vector_store %arg10[%swap3A_71], %add3A_70 {strides = array<i32>} : memref<80xi32, #tpu.memory_space<vmem>>, vector<16xi32>,
      %add3A_73 = arith.constant 32 : i32
      %add3A_74 = arith.addi %mul3A_61, %add3A_73 : i32
      %add3A_75 = vector.broadcast %add3A_74 : i32 to vector<16xi32>
      %add3A_76 = arith.addi %iota3A, %add3A_75 : vector<16xi32>
      %swap3A_77 = arith.constant 32 : index
      %swap3A_78 = tpu.vector_load %arg10[%swap3A_77] {strides = array<i32>} : memref<80xi32, #tpu.memory_space<vmem>>, vector<16xi32>,
      tpu.vector_store %arg10[%swap3A_77], %add3A_76 {strides = array<i32>} : memref<80xi32, #tpu.memory_space<vmem>>, vector<16xi32>,
      %add3A_79 = arith.constant 48 : i32
      %add3A_80 = arith.addi %mul3A_61, %add3A_79 : i32
      %add3A_81 = vector.broadcast %add3A_80 : i32 to vector<16xi32>
      %add3A_82 = arith.addi %iota3A, %add3A_81 : vector<16xi32>
      %swap3A_83 = arith.constant 48 : index
      %swap3A_84 = tpu.vector_load %arg10[%swap3A_83] {strides = array<i32>} : memref<80xi32, #tpu.memory_space<vmem>>, vector<16xi32>,
      tpu.vector_store %arg10[%swap3A_83], %add3A_82 {strides = array<i32>} : memref<80xi32, #tpu.memory_space<vmem>>, vector<16xi32>,
      %add3A_85 = arith.constant 64 : i32
      %add3A_86 = arith.addi %mul3A_61, %add3A_85 : i32
      %add3A_87 = vector.broadcast %add3A_86 : i32 to vector<16xi32>
      %add3A_88 = arith.addi %iota3A, %add3A_87 : vector<16xi32>
      %swap3A_89 = arith.constant 64 : index
      %swap3A_90 = tpu.vector_load %arg10[%swap3A_89] {strides = array<i32>} : memref<80xi32, #tpu.memory_space<vmem>>, vector<16xi32>,
      tpu.vector_store %arg10[%swap3A_89], %add3A_88 {strides = array<i32>} : memref<80xi32, #tpu.memory_space<vmem>>, vector<16xi32>,
      "tpu.region"() ({
        %run_scoped3A = tpu.sem_alloc : memref<!tpu.dma_semaphore, #tpu.memory_space<semaphore_mem>>
        %dma_start3A = arith.constant 0 : i32
        %dma_start3A_91 = arith.constant 0 : i32
        %dma_start3A_92 = tpu.memref_slice %arg7[%dma_start3A, %dma_start3A_91] : memref<10000x128xf32, #tpu.memory_space<vmem_shared>> -> memref<10000x128xf32, #tpu.memory_space<vmem_shared>>
        tpu.enqueue_indirect_dma source(%arg11 : memref<80x128xf32, #tpu.memory_space<vmem>>) target(%dma_start3A_92 : memref<10000x128xf32, #tpu.memory_space<vmem_shared>>) offsets(%arg10 : memref<80xi32, #tpu.memory_space<vmem>>) semaphore(%run_scoped3A : memref<!tpu.dma_semaphore, #tpu.memory_space<semaphore_mem>>)
        %dma_wait3A = arith.constant 0 : i32
        %dma_wait3A_93 = arith.constant 0 : i32
        %dma_wait3A_94 = tpu.memref_slice %arg7[%dma_wait3A, %dma_wait3A_93] : memref<10000x128xf32, #tpu.memory_space<vmem_shared>> -> memref<10000x128xf32, #tpu.memory_space<vmem_shared>>
        tpu.wait_indirect_dma semaphore(%run_scoped3A : memref<!tpu.dma_semaphore, #tpu.memory_space<semaphore_mem>>) src(%arg11 : memref<80x128xf32, #tpu.memory_space<vmem>>) dst(%dma_wait3A_94 : memref<10000x128xf32, #tpu.memory_space<vmem_shared>>)
        tpu.yield
      }) : () -> ()
      "tpu.region"() ({
        %run_scoped3A = tpu.sem_alloc : memref<!tpu.dma_semaphore, #tpu.memory_space<semaphore_mem>>
        %dma_start3A = arith.constant 0 : i32
        %dma_start3A_91 = arith.constant 0 : i32
        %dma_start3A_92 = tpu.memref_slice %arg8[%dma_start3A, %dma_start3A_91] : memref<10000x16xf32, #tpu.memory_space<vmem_shared>> -> memref<10000x16xf32, #tpu.memory_space<vmem_shared>>
        tpu.enqueue_indirect_dma source(%arg12 : memref<80x16xf32, #tpu.memory_space<vmem>>) target(%dma_start3A_92 : memref<10000x16xf32, #tpu.memory_space<vmem_shared>>) offsets(%arg10 : memref<80xi32, #tpu.memory_space<vmem>>) semaphore(%run_scoped3A : memref<!tpu.dma_semaphore, #tpu.memory_space<semaphore_mem>>)
        %dma_wait3A = arith.constant 0 : i32
        %dma_wait3A_93 = arith.constant 0 : i32
        %dma_wait3A_94 = tpu.memref_slice %arg8[%dma_wait3A, %dma_wait3A_93] : memref<10000x16xf32, #tpu.memory_space<vmem_shared>> -> memref<10000x16xf32, #tpu.memory_space<vmem_shared>>
        tpu.wait_indirect_dma semaphore(%run_scoped3A : memref<!tpu.dma_semaphore, #tpu.memory_space<semaphore_mem>>) src(%arg12 : memref<80x16xf32, #tpu.memory_space<vmem>>) dst(%dma_wait3A_94 : memref<10000x16xf32, #tpu.memory_space<vmem_shared>>)
        tpu.yield
      }) : () -> ()
    }
    %while3A_38 = arith.constant 1 : i32
    scf.for %while3A_56 = %while3A_36 to %while3A_32 step %while3A_38  : i32 {
      %mul3A_57 = arith.constant 16 : i32
      %mul3A_58 = arith.muli %while3A_56, %mul3A_57 : i32
      %add3A_59 = arith.addi %arg1, %mul3A_58 : i32
      %mul3A_60 = arith.constant 80 : i32
      %mul3A_61 = arith.muli %add3A_59, %mul3A_60 : i32
      %add3A_62 = arith.constant 0 : i32
      %add3A_63 = arith.addi %mul3A_61, %add3A_62 : i32
      %add3A_64 = vector.broadcast %add3A_63 : i32 to vector<16xi32>
      %add3A_65 = arith.addi %iota3A, %add3A_64 : vector<16xi32>
      %swap3A = arith.constant 0 : index
      %swap3A_66 = tpu.vector_load %arg10[%swap3A] {strides = array<i32>} : memref<80xi32, #tpu.memory_space<vmem>>, vector<16xi32>,
      tpu.vector_store %arg10[%swap3A], %add3A_65 {strides = array<i32>} : memref<80xi32, #tpu.memory_space<vmem>>, vector<16xi32>,
      %add3A_67 = arith.constant 16 : i32
      %add3A_68 = arith.addi %mul3A_61, %add3A_67 : i32
      %add3A_69 = vector.broadcast %add3A_68 : i32 to vector<16xi32>
      %add3A_70 = arith.addi %iota3A, %add3A_69 : vector<16xi32>
      %swap3A_71 = arith.constant 16 : index
      %swap3A_72 = tpu.vector_load %arg10[%swap3A_71] {strides = array<i32>} : memref<80xi32, #tpu.memory_space<vmem>>, vector<16xi32>,
      tpu.vector_store %arg10[%swap3A_71], %add3A_70 {strides = array<i32>} : memref<80xi32, #tpu.memory_space<vmem>>, vector<16xi32>,
      %add3A_73 = arith.constant 32 : i32
      %add3A_74 = arith.addi %mul3A_61, %add3A_73 : i32
      %add3A_75 = vector.broadcast %add3A_74 : i32 to vector<16xi32>
      %add3A_76 = arith.addi %iota3A, %add3A_75 : vector<16xi32>
      %swap3A_77 = arith.constant 32 : index
      %swap3A_78 = tpu.vector_load %arg10[%swap3A_77] {strides = array<i32>} : memref<80xi32, #tpu.memory_space<vmem>>, vector<16xi32>,
      tpu.vector_store %arg10[%swap3A_77], %add3A_76 {strides = array<i32>} : memref<80xi32, #tpu.memory_space<vmem>>, vector<16xi32>,
      %add3A_79 = arith.constant 48 : i32
      %add3A_80 = arith.addi %mul3A_61, %add3A_79 : i32
      %add3A_81 = vector.broadcast %add3A_80 : i32 to vector<16xi32>
      %add3A_82 = arith.addi %iota3A, %add3A_81 : vector<16xi32>
      %swap3A_83 = arith.constant 48 : index
      %swap3A_84 = tpu.vector_load %arg10[%swap3A_83] {strides = array<i32>} : memref<80xi32, #tpu.memory_space<vmem>>, vector<16xi32>,
      tpu.vector_store %arg10[%swap3A_83], %add3A_82 {strides = array<i32>} : memref<80xi32, #tpu.memory_space<vmem>>, vector<16xi32>,
      %add3A_85 = arith.constant 64 : i32
      %add3A_86 = arith.addi %mul3A_61, %add3A_85 : i32
      %add3A_87 = vector.broadcast %add3A_86 : i32 to vector<16xi32>
      %add3A_88 = arith.addi %iota3A, %add3A_87 : vector<16xi32>
      %swap3A_89 = arith.constant 64 : index
      %swap3A_90 = tpu.vector_load %arg10[%swap3A_89] {strides = array<i32>} : memref<80xi32, #tpu.memory_space<vmem>>, vector<16xi32>,
      tpu.vector_store %arg10[%swap3A_89], %add3A_88 {strides = array<i32>} : memref<80xi32, #tpu.memory_space<vmem>>, vector<16xi32>,
      "tpu.region"() ({
        %run_scoped3A = tpu.sem_alloc : memref<!tpu.dma_semaphore, #tpu.memory_space<semaphore_mem>>
        %dma_start3A = arith.constant 0 : i32
        %dma_start3A_91 = arith.constant 0 : i32
        %dma_start3A_92 = tpu.memref_slice %arg7[%dma_start3A, %dma_start3A_91] : memref<10000x128xf32, #tpu.memory_space<vmem_shared>> -> memref<10000x128xf32, #tpu.memory_space<vmem_shared>>
        tpu.enqueue_indirect_dma source(%arg11 : memref<80x128xf32, #tpu.memory_space<vmem>>) target(%dma_start3A_92 : memref<10000x128xf32, #tpu.memory_space<vmem_shared>>) offsets(%arg10 : memref<80xi32, #tpu.memory_space<vmem>>) semaphore(%run_scoped3A : memref<!tpu.dma_semaphore, #tpu.memory_space<semaphore_mem>>)
        %dma_wait3A = arith.constant 0 : i32
        %dma_wait3A_93 = arith.constant 0 : i32
        %dma_wait3A_94 = tpu.memref_slice %arg7[%dma_wait3A, %dma_wait3A_93] : memref<10000x128xf32, #tpu.memory_space<vmem_shared>> -> memref<10000x128xf32, #tpu.memory_space<vmem_shared>>
        tpu.wait_indirect_dma semaphore(%run_scoped3A : memref<!tpu.dma_semaphore, #tpu.memory_space<semaphore_mem>>) src(%arg11 : memref<80x128xf32, #tpu.memory_space<vmem>>) dst(%dma_wait3A_94 : memref<10000x128xf32, #tpu.memory_space<vmem_shared>>)
        tpu.yield
      }) : () -> ()
      "tpu.region"() ({
        %run_scoped3A = tpu.sem_alloc : memref<!tpu.dma_semaphore, #tpu.memory_space<semaphore_mem>>
        %dma_start3A = arith.constant 0 : i32
        %dma_start3A_91 = arith.constant 0 : i32
        %dma_start3A_92 = tpu.memref_slice %arg8[%dma_start3A, %dma_start3A_91] : memref<10000x16xf32, #tpu.memory_space<vmem_shared>> -> memref<10000x16xf32, #tpu.memory_space<vmem_shared>>
        tpu.enqueue_indirect_dma source(%arg12 : memref<80x16xf32, #tpu.memory_space<vmem>>) target(%dma_start3A_92 : memref<10000x16xf32, #tpu.memory_space<vmem_shared>>) offsets(%arg10 : memref<80xi32, #tpu.memory_space<vmem>>) semaphore(%run_scoped3A : memref<!tpu.dma_semaphore, #tpu.memory_space<semaphore_mem>>)
        %dma_wait3A = arith.constant 0 : i32
        %dma_wait3A_93 = arith.constant 0 : i32
        %dma_wait3A_94 = tpu.memref_slice %arg8[%dma_wait3A, %dma_wait3A_93] : memref<10000x16xf32, #tpu.memory_space<vmem_shared>> -> memref<10000x16xf32, #tpu.memory_space<vmem_shared>>
        tpu.wait_indirect_dma semaphore(%run_scoped3A : memref<!tpu.dma_semaphore, #tpu.memory_space<semaphore_mem>>) src(%arg12 : memref<80x16xf32, #tpu.memory_space<vmem>>) dst(%dma_wait3A_94 : memref<10000x16xf32, #tpu.memory_space<vmem_shared>>)
        tpu.yield
      }) : () -> ()
    }
    %barrier3A = arith.constant 0 : index
    tpu.barrier barrier_id(%barrier3A)
    %scan3A_39 = arith.constant 0 : i32
    %scan3A_40 = arith.constant 0 : i32
    %scan3A_41 = arith.constant 125 : i32
    %scan3A_42 = arith.addi %scan3A_40, %scan3A_41 : i32
    %scan3A_43 = arith.constant 1 : i32
    scf.for %scan3A_56 = %scan3A_40 to %scan3A_42 step %scan3A_43  : i32 {
      %mul3A_57 = arith.constant 80 : i32
      %mul3A_58 = arith.muli %scan3A_56, %mul3A_57 : i32
      %add3A_59 = arith.addi %mul3A_2, %mul3A_58 : i32
      "tpu.region"() ({
        %run_scoped3A = tpu.sem_alloc : memref<!tpu.dma_semaphore, #tpu.memory_space<semaphore_mem>>
        %dma_start3A = tpu.memref_slice %arg4[%add3A_59] : memref<320000xi32, #tpu.memory_space<hbm>> -> memref<80xi32, #tpu.memory_space<hbm>>
        %dma_start3A_60 = tpu.memref_slice %arg4[%add3A_59] : memref<320000xi32, #tpu.memory_space<hbm>> -> memref<80xi32, #tpu.memory_space<hbm>>
        tpu.enqueue_dma source(%dma_start3A_60 : memref<80xi32, #tpu.memory_space<hbm>>) target(%arg9 : memref<80xi32, #tpu.memory_space<vmem>>) target_semaphore(%run_scoped3A : memref<!tpu.dma_semaphore, #tpu.memory_space<semaphore_mem>>)
        %dma_wait3A = tpu.memref_slice %arg4[%add3A_59] : memref<320000xi32, #tpu.memory_space<hbm>> -> memref<80xi32, #tpu.memory_space<hbm>>
        %dma_wait3A_61 = tpu.memref_slice %arg4[%add3A_59] : memref<320000xi32, #tpu.memory_space<hbm>> -> memref<80xi32, #tpu.memory_space<hbm>>
        tpu.wait_dma2 semaphore(%run_scoped3A : memref<!tpu.dma_semaphore, #tpu.memory_space<semaphore_mem>>) src(%dma_wait3A_61 : memref<80xi32, #tpu.memory_space<hbm>>) dst(%arg9 : memref<80xi32, #tpu.memory_space<vmem>>)
        tpu.yield
      }) : () -> ()
      "tpu.region"() ({
        %run_scoped3A = tpu.sem_alloc : memref<!tpu.dma_semaphore, #tpu.memory_space<semaphore_mem>>
        %dma_start3A = arith.constant 0 : i32
        %dma_start3A_60 = tpu.memref_slice %arg2[%add3A_59, %dma_start3A] : memref<320000x128xf32, #tpu.memory_space<hbm>> -> memref<80x128xf32, #tpu.memory_space<hbm>>
        %dma_start3A_61 = arith.constant 0 : i32
        %dma_start3A_62 = tpu.memref_slice %arg2[%add3A_59, %dma_start3A_61] : memref<320000x128xf32, #tpu.memory_space<hbm>> -> memref<80x128xf32, #tpu.memory_space<hbm>>
        tpu.enqueue_dma source(%dma_start3A_62 : memref<80x128xf32, #tpu.memory_space<hbm>>) target(%arg11 : memref<80x128xf32, #tpu.memory_space<vmem>>) target_semaphore(%run_scoped3A : memref<!tpu.dma_semaphore, #tpu.memory_space<semaphore_mem>>)
        %dma_wait3A = arith.constant 0 : i32
        %dma_wait3A_63 = tpu.memref_slice %arg2[%add3A_59, %dma_wait3A] : memref<320000x128xf32, #tpu.memory_space<hbm>> -> memref<80x128xf32, #tpu.memory_space<hbm>>
        %dma_wait3A_64 = arith.constant 0 : i32
        %dma_wait3A_65 = tpu.memref_slice %arg2[%add3A_59, %dma_wait3A_64] : memref<320000x128xf32, #tpu.memory_space<hbm>> -> memref<80x128xf32, #tpu.memory_space<hbm>>
        tpu.wait_dma2 semaphore(%run_scoped3A : memref<!tpu.dma_semaphore, #tpu.memory_space<semaphore_mem>>) src(%dma_wait3A_65 : memref<80x128xf32, #tpu.memory_space<hbm>>) dst(%arg11 : memref<80x128xf32, #tpu.memory_space<vmem>>)
        tpu.yield
      }) : () -> ()
      "tpu.region"() ({
        %run_scoped3A = tpu.sem_alloc : memref<!tpu.dma_semaphore, #tpu.memory_space<semaphore_mem>>
        %dma_start3A = arith.constant 0 : i32
        %dma_start3A_60 = tpu.memref_slice %arg3[%add3A_59, %dma_start3A] : memref<320000x16xf32, #tpu.memory_space<hbm>> -> memref<80x16xf32, #tpu.memory_space<hbm>>
        %dma_start3A_61 = arith.constant 0 : i32
        %dma_start3A_62 = tpu.memref_slice %arg3[%add3A_59, %dma_start3A_61] : memref<320000x16xf32, #tpu.memory_space<hbm>> -> memref<80x16xf32, #tpu.memory_space<hbm>>
        tpu.enqueue_dma source(%dma_start3A_62 : memref<80x16xf32, #tpu.memory_space<hbm>>) target(%arg12 : memref<80x16xf32, #tpu.memory_space<vmem>>) target_semaphore(%run_scoped3A : memref<!tpu.dma_semaphore, #tpu.memory_space<semaphore_mem>>)
        %dma_wait3A = arith.constant 0 : i32
        %dma_wait3A_63 = tpu.memref_slice %arg3[%add3A_59, %dma_wait3A] : memref<320000x16xf32, #tpu.memory_space<hbm>> -> memref<80x16xf32, #tpu.memory_space<hbm>>
        %dma_wait3A_64 = arith.constant 0 : i32
        %dma_wait3A_65 = tpu.memref_slice %arg3[%add3A_59, %dma_wait3A_64] : memref<320000x16xf32, #tpu.memory_space<hbm>> -> memref<80x16xf32, #tpu.memory_space<hbm>>
        tpu.wait_dma2 semaphore(%run_scoped3A : memref<!tpu.dma_semaphore, #tpu.memory_space<semaphore_mem>>) src(%dma_wait3A_65 : memref<80x16xf32, #tpu.memory_space<hbm>>) dst(%arg12 : memref<80x16xf32, #tpu.memory_space<vmem>>)
        tpu.yield
      }) : () -> ()
      "tpu.region"() ({
        %run_scoped3A = tpu.sem_alloc : memref<!tpu.dma_semaphore, #tpu.memory_space<semaphore_mem>>
        %dma_start3A = arith.constant 0 : i32
        %dma_start3A_60 = arith.constant 0 : i32
        %dma_start3A_61 = tpu.memref_slice %arg7[%dma_start3A, %dma_start3A_60] : memref<10000x128xf32, #tpu.memory_space<vmem_shared>> -> memref<10000x128xf32, #tpu.memory_space<vmem_shared>>
        tpu.enqueue_indirect_dma source(%arg11 : memref<80x128xf32, #tpu.memory_space<vmem>>) target(%dma_start3A_61 : memref<10000x128xf32, #tpu.memory_space<vmem_shared>>) offsets(%arg9 : memref<80xi32, #tpu.memory_space<vmem>>) semaphore(%run_scoped3A : memref<!tpu.dma_semaphore, #tpu.memory_space<semaphore_mem>>) {add = true}
        %dma_wait3A = arith.constant 0 : i32
        %dma_wait3A_62 = arith.constant 0 : i32
        %dma_wait3A_63 = tpu.memref_slice %arg7[%dma_wait3A, %dma_wait3A_62] : memref<10000x128xf32, #tpu.memory_space<vmem_shared>> -> memref<10000x128xf32, #tpu.memory_space<vmem_shared>>
        tpu.wait_indirect_dma semaphore(%run_scoped3A : memref<!tpu.dma_semaphore, #tpu.memory_space<semaphore_mem>>) src(%arg11 : memref<80x128xf32, #tpu.memory_space<vmem>>) dst(%dma_wait3A_63 : memref<10000x128xf32, #tpu.memory_space<vmem_shared>>)
        tpu.yield
      }) : () -> ()
      "tpu.region"() ({
        %run_scoped3A = tpu.sem_alloc : memref<!tpu.dma_semaphore, #tpu.memory_space<semaphore_mem>>
        %dma_start3A = arith.constant 0 : i32
        %dma_start3A_60 = arith.constant 0 : i32
        %dma_start3A_61 = tpu.memref_slice %arg8[%dma_start3A, %dma_start3A_60] : memref<10000x16xf32, #tpu.memory_space<vmem_shared>> -> memref<10000x16xf32, #tpu.memory_space<vmem_shared>>
        tpu.enqueue_indirect_dma source(%arg12 : memref<80x16xf32, #tpu.memory_space<vmem>>) target(%dma_start3A_61 : memref<10000x16xf32, #tpu.memory_space<vmem_shared>>) offsets(%arg9 : memref<80xi32, #tpu.memory_space<vmem>>) semaphore(%run_scoped3A : memref<!tpu.dma_semaphore, #tpu.memory_space<semaphore_mem>>) {add = true}
        %dma_wait3A = arith.constant 0 : i32
        %dma_wait3A_62 = arith.constant 0 : i32
        %dma_wait3A_63 = tpu.memref_slice %arg8[%dma_wait3A, %dma_wait3A_62] : memref<10000x16xf32, #tpu.memory_space<vmem_shared>> -> memref<10000x16xf32, #tpu.memory_space<vmem_shared>>
        tpu.wait_indirect_dma semaphore(%run_scoped3A : memref<!tpu.dma_semaphore, #tpu.memory_space<semaphore_mem>>) src(%arg12 : memref<80x16xf32, #tpu.memory_space<vmem>>) dst(%dma_wait3A_63 : memref<10000x16xf32, #tpu.memory_space<vmem_shared>>)
        tpu.yield
      }) : () -> ()
    }
    %scan3A_44 = arith.constant 125 : i32
    %barrier3A_45 = arith.constant 0 : index
    tpu.barrier barrier_id(%barrier3A_45)
    %while3A_46 = arith.constant 0 : i32
    %while3A_47 = arith.constant 0 : i32
    %while3A_48 = arith.subi %select_n3A, %while3A_47 : i32
    %while3A_49 = arith.addi %while3A_47, %while3A_48 : i32
    %while3A_50 = arith.constant 1 : i32
    %while3A_51 = arith.divsi %while3A_48, %while3A_50 : i32
    %while3A_52 = arith.muli %while3A_51, %while3A_50 : i32
    %while3A_53 = arith.addi %while3A_47, %while3A_52 : i32
    %while3A_54 = arith.constant 1 : i32
    scf.for %while3A_56 = %while3A_47 to %while3A_53 step %while3A_54  : i32 {
      %mul3A_57 = arith.constant 16 : i32
      %mul3A_58 = arith.muli %while3A_56, %mul3A_57 : i32
      %add3A_59 = arith.addi %arg1, %mul3A_58 : i32
      %mul3A_60 = arith.constant 80 : i32
      %mul3A_61 = arith.muli %add3A_59, %mul3A_60 : i32
      %add3A_62 = arith.constant 0 : i32
      %add3A_63 = arith.addi %mul3A_61, %add3A_62 : i32
      %add3A_64 = vector.broadcast %add3A_63 : i32 to vector<16xi32>
      %add3A_65 = arith.addi %iota3A, %add3A_64 : vector<16xi32>
      %swap3A = arith.constant 0 : index
      %swap3A_66 = tpu.vector_load %arg10[%swap3A] {strides = array<i32>} : memref<80xi32, #tpu.memory_space<vmem>>, vector<16xi32>,
      tpu.vector_store %arg10[%swap3A], %add3A_65 {strides = array<i32>} : memref<80xi32, #tpu.memory_space<vmem>>, vector<16xi32>,
      %add3A_67 = arith.constant 16 : i32
      %add3A_68 = arith.addi %mul3A_61, %add3A_67 : i32
      %add3A_69 = vector.broadcast %add3A_68 : i32 to vector<16xi32>
      %add3A_70 = arith.addi %iota3A, %add3A_69 : vector<16xi32>
      %swap3A_71 = arith.constant 16 : index
      %swap3A_72 = tpu.vector_load %arg10[%swap3A_71] {strides = array<i32>} : memref<80xi32, #tpu.memory_space<vmem>>, vector<16xi32>,
      tpu.vector_store %arg10[%swap3A_71], %add3A_70 {strides = array<i32>} : memref<80xi32, #tpu.memory_space<vmem>>, vector<16xi32>,
      %add3A_73 = arith.constant 32 : i32
      %add3A_74 = arith.addi %mul3A_61, %add3A_73 : i32
      %add3A_75 = vector.broadcast %add3A_74 : i32 to vector<16xi32>
      %add3A_76 = arith.addi %iota3A, %add3A_75 : vector<16xi32>
      %swap3A_77 = arith.constant 32 : index
      %swap3A_78 = tpu.vector_load %arg10[%swap3A_77] {strides = array<i32>} : memref<80xi32, #tpu.memory_space<vmem>>, vector<16xi32>,
      tpu.vector_store %arg10[%swap3A_77], %add3A_76 {strides = array<i32>} : memref<80xi32, #tpu.memory_space<vmem>>, vector<16xi32>,
      %add3A_79 = arith.constant 48 : i32
      %add3A_80 = arith.addi %mul3A_61, %add3A_79 : i32
      %add3A_81 = vector.broadcast %add3A_80 : i32 to vector<16xi32>
      %add3A_82 = arith.addi %iota3A, %add3A_81 : vector<16xi32>
      %swap3A_83 = arith.constant 48 : index
      %swap3A_84 = tpu.vector_load %arg10[%swap3A_83] {strides = array<i32>} : memref<80xi32, #tpu.memory_space<vmem>>, vector<16xi32>,
      tpu.vector_store %arg10[%swap3A_83], %add3A_82 {strides = array<i32>} : memref<80xi32, #tpu.memory_space<vmem>>, vector<16xi32>,
      %add3A_85 = arith.constant 64 : i32
      %add3A_86 = arith.addi %mul3A_61, %add3A_85 : i32
      %add3A_87 = vector.broadcast %add3A_86 : i32 to vector<16xi32>
      %add3A_88 = arith.addi %iota3A, %add3A_87 : vector<16xi32>
      %swap3A_89 = arith.constant 64 : index
      %swap3A_90 = tpu.vector_load %arg10[%swap3A_89] {strides = array<i32>} : memref<80xi32, #tpu.memory_space<vmem>>, vector<16xi32>,
      tpu.vector_store %arg10[%swap3A_89], %add3A_88 {strides = array<i32>} : memref<80xi32, #tpu.memory_space<vmem>>, vector<16xi32>,
      %dma_start3A = arith.constant 0 : i32
      %dma_start3A_91 = arith.constant 0 : i32
      %dma_start3A_92 = tpu.memref_slice %arg7[%dma_start3A, %dma_start3A_91] : memref<10000x128xf32, #tpu.memory_space<vmem_shared>> -> memref<10000x128xf32, #tpu.memory_space<vmem_shared>>
      tpu.enqueue_indirect_dma source(%dma_start3A_92 : memref<10000x128xf32, #tpu.memory_space<vmem_shared>>) target(%arg11 : memref<80x128xf32, #tpu.memory_space<vmem>>) offsets(%arg10 : memref<80xi32, #tpu.memory_space<vmem>>) semaphore(%arg13 : memref<!tpu.dma_semaphore, #tpu.memory_space<semaphore_mem>>)
      %dma_wait3A = arith.constant 0 : i32
      %dma_wait3A_93 = arith.constant 0 : i32
      %dma_wait3A_94 = tpu.memref_slice %arg7[%dma_wait3A, %dma_wait3A_93] : memref<10000x128xf32, #tpu.memory_space<vmem_shared>> -> memref<10000x128xf32, #tpu.memory_space<vmem_shared>>
      tpu.wait_indirect_dma semaphore(%arg13 : memref<!tpu.dma_semaphore, #tpu.memory_space<semaphore_mem>>) src(%dma_wait3A_94 : memref<10000x128xf32, #tpu.memory_space<vmem_shared>>) dst(%arg11 : memref<80x128xf32, #tpu.memory_space<vmem>>)
      %mul3A_95 = arith.constant 10000 : i32
      %mul3A_96 = arith.muli %arg0, %mul3A_95 : i32
      %add3A_97 = arith.addi %mul3A_96, %mul3A_61 : i32
      "tpu.region"() ({
        %run_scoped3A = tpu.sem_alloc : memref<!tpu.dma_semaphore, #tpu.memory_space<semaphore_mem>>
        %dma_start3A_107 = arith.constant 0 : i32
        %dma_start3A_108 = tpu.memref_slice %arg5[%add3A_97, %dma_start3A_107] : memref<20000x128xf32, #tpu.memory_space<hbm>> -> memref<80x128xf32, #tpu.memory_space<hbm>>
        %dma_start3A_109 = arith.constant 0 : i32
        %dma_start3A_110 = tpu.memref_slice %arg5[%add3A_97, %dma_start3A_109] : memref<20000x128xf32, #tpu.memory_space<hbm>> -> memref<80x128xf32, #tpu.memory_space<hbm>>
        tpu.enqueue_dma source(%arg11 : memref<80x128xf32, #tpu.memory_space<vmem>>) target(%dma_start3A_110 : memref<80x128xf32, #tpu.memory_space<hbm>>) target_semaphore(%run_scoped3A : memref<!tpu.dma_semaphore, #tpu.memory_space<semaphore_mem>>)
        %dma_wait3A_111 = arith.constant 0 : i32
        %dma_wait3A_112 = tpu.memref_slice %arg5[%add3A_97, %dma_wait3A_111] : memref<20000x128xf32, #tpu.memory_space<hbm>> -> memref<80x128xf32, #tpu.memory_space<hbm>>
        %dma_wait3A_113 = arith.constant 0 : i32
        %dma_wait3A_114 = tpu.memref_slice %arg5[%add3A_97, %dma_wait3A_113] : memref<20000x128xf32, #tpu.memory_space<hbm>> -> memref<80x128xf32, #tpu.memory_space<hbm>>
        tpu.wait_dma2 semaphore(%run_scoped3A : memref<!tpu.dma_semaphore, #tpu.memory_space<semaphore_mem>>) src(%arg11 : memref<80x128xf32, #tpu.memory_space<vmem>>) dst(%dma_wait3A_114 : memref<80x128xf32, #tpu.memory_space<hbm>>)
        tpu.yield
      }) : () -> ()
      %dma_start3A_98 = arith.constant 0 : i32
      %dma_start3A_99 = arith.constant 0 : i32
      %dma_start3A_100 = tpu.memref_slice %arg8[%dma_start3A_98, %dma_start3A_99] : memref<10000x16xf32, #tpu.memory_space<vmem_shared>> -> memref<10000x16xf32, #tpu.memory_space<vmem_shared>>
      tpu.enqueue_indirect_dma source(%dma_start3A_100 : memref<10000x16xf32, #tpu.memory_space<vmem_shared>>) target(%arg12 : memref<80x16xf32, #tpu.memory_space<vmem>>) offsets(%arg10 : memref<80xi32, #tpu.memory_space<vmem>>) semaphore(%arg13 : memref<!tpu.dma_semaphore, #tpu.memory_space<semaphore_mem>>)
      %dma_wait3A_101 = arith.constant 0 : i32
      %dma_wait3A_102 = arith.constant 0 : i32
      %dma_wait3A_103 = tpu.memref_slice %arg8[%dma_wait3A_101, %dma_wait3A_102] : memref<10000x16xf32, #tpu.memory_space<vmem_shared>> -> memref<10000x16xf32, #tpu.memory_space<vmem_shared>>
      tpu.wait_indirect_dma semaphore(%arg13 : memref<!tpu.dma_semaphore, #tpu.memory_space<semaphore_mem>>) src(%dma_wait3A_103 : memref<10000x16xf32, #tpu.memory_space<vmem_shared>>) dst(%arg12 : memref<80x16xf32, #tpu.memory_space<vmem>>)
      %mul3A_104 = arith.constant 10000 : i32
      %mul3A_105 = arith.muli %arg0, %mul3A_104 : i32
      %add3A_106 = arith.addi %mul3A_105, %mul3A_61 : i32
      "tpu.region"() ({
        %run_scoped3A = tpu.sem_alloc : memref<!tpu.dma_semaphore, #tpu.memory_space<semaphore_mem>>
        %dma_start3A_107 = arith.constant 0 : i32
        %dma_start3A_108 = tpu.memref_slice %arg6[%add3A_106, %dma_start3A_107] : memref<20000x16xf32, #tpu.memory_space<hbm>> -> memref<80x16xf32, #tpu.memory_space<hbm>>
        %dma_start3A_109 = arith.constant 0 : i32
        %dma_start3A_110 = tpu.memref_slice %arg6[%add3A_106, %dma_start3A_109] : memref<20000x16xf32, #tpu.memory_space<hbm>> -> memref<80x16xf32, #tpu.memory_space<hbm>>
        tpu.enqueue_dma source(%arg12 : memref<80x16xf32, #tpu.memory_space<vmem>>) target(%dma_start3A_110 : memref<80x16xf32, #tpu.memory_space<hbm>>) target_semaphore(%run_scoped3A : memref<!tpu.dma_semaphore, #tpu.memory_space<semaphore_mem>>)
        %dma_wait3A_111 = arith.constant 0 : i32
        %dma_wait3A_112 = tpu.memref_slice %arg6[%add3A_106, %dma_wait3A_111] : memref<20000x16xf32, #tpu.memory_space<hbm>> -> memref<80x16xf32, #tpu.memory_space<hbm>>
        %dma_wait3A_113 = arith.constant 0 : i32
        %dma_wait3A_114 = tpu.memref_slice %arg6[%add3A_106, %dma_wait3A_113] : memref<20000x16xf32, #tpu.memory_space<hbm>> -> memref<80x16xf32, #tpu.memory_space<hbm>>
        tpu.wait_dma2 semaphore(%run_scoped3A : memref<!tpu.dma_semaphore, #tpu.memory_space<semaphore_mem>>) src(%arg12 : memref<80x16xf32, #tpu.memory_space<vmem>>) dst(%dma_wait3A_114 : memref<80x16xf32, #tpu.memory_space<hbm>>)
        tpu.yield
      }) : () -> ()
    }
    %while3A_55 = arith.constant 1 : i32
    scf.for %while3A_56 = %while3A_53 to %while3A_49 step %while3A_55  : i32 {
      %mul3A_57 = arith.constant 16 : i32
      %mul3A_58 = arith.muli %while3A_56, %mul3A_57 : i32
      %add3A_59 = arith.addi %arg1, %mul3A_58 : i32
      %mul3A_60 = arith.constant 80 : i32
      %mul3A_61 = arith.muli %add3A_59, %mul3A_60 : i32
      %add3A_62 = arith.constant 0 : i32
      %add3A_63 = arith.addi %mul3A_61, %add3A_62 : i32
      %add3A_64 = vector.broadcast %add3A_63 : i32 to vector<16xi32>
      %add3A_65 = arith.addi %iota3A, %add3A_64 : vector<16xi32>
      %swap3A = arith.constant 0 : index
      %swap3A_66 = tpu.vector_load %arg10[%swap3A] {strides = array<i32>} : memref<80xi32, #tpu.memory_space<vmem>>, vector<16xi32>,
      tpu.vector_store %arg10[%swap3A], %add3A_65 {strides = array<i32>} : memref<80xi32, #tpu.memory_space<vmem>>, vector<16xi32>,
      %add3A_67 = arith.constant 16 : i32
      %add3A_68 = arith.addi %mul3A_61, %add3A_67 : i32
      %add3A_69 = vector.broadcast %add3A_68 : i32 to vector<16xi32>
      %add3A_70 = arith.addi %iota3A, %add3A_69 : vector<16xi32>
      %swap3A_71 = arith.constant 16 : index
      %swap3A_72 = tpu.vector_load %arg10[%swap3A_71] {strides = array<i32>} : memref<80xi32, #tpu.memory_space<vmem>>, vector<16xi32>,
      tpu.vector_store %arg10[%swap3A_71], %add3A_70 {strides = array<i32>} : memref<80xi32, #tpu.memory_space<vmem>>, vector<16xi32>,
      %add3A_73 = arith.constant 32 : i32
      %add3A_74 = arith.addi %mul3A_61, %add3A_73 : i32
      %add3A_75 = vector.broadcast %add3A_74 : i32 to vector<16xi32>
      %add3A_76 = arith.addi %iota3A, %add3A_75 : vector<16xi32>
      %swap3A_77 = arith.constant 32 : index
      %swap3A_78 = tpu.vector_load %arg10[%swap3A_77] {strides = array<i32>} : memref<80xi32, #tpu.memory_space<vmem>>, vector<16xi32>,
      tpu.vector_store %arg10[%swap3A_77], %add3A_76 {strides = array<i32>} : memref<80xi32, #tpu.memory_space<vmem>>, vector<16xi32>,
      %add3A_79 = arith.constant 48 : i32
      %add3A_80 = arith.addi %mul3A_61, %add3A_79 : i32
      %add3A_81 = vector.broadcast %add3A_80 : i32 to vector<16xi32>
      %add3A_82 = arith.addi %iota3A, %add3A_81 : vector<16xi32>
      %swap3A_83 = arith.constant 48 : index
      %swap3A_84 = tpu.vector_load %arg10[%swap3A_83] {strides = array<i32>} : memref<80xi32, #tpu.memory_space<vmem>>, vector<16xi32>,
      tpu.vector_store %arg10[%swap3A_83], %add3A_82 {strides = array<i32>} : memref<80xi32, #tpu.memory_space<vmem>>, vector<16xi32>,
      %add3A_85 = arith.constant 64 : i32
      %add3A_86 = arith.addi %mul3A_61, %add3A_85 : i32
      %add3A_87 = vector.broadcast %add3A_86 : i32 to vector<16xi32>
      %add3A_88 = arith.addi %iota3A, %add3A_87 : vector<16xi32>
      %swap3A_89 = arith.constant 64 : index
      %swap3A_90 = tpu.vector_load %arg10[%swap3A_89] {strides = array<i32>} : memref<80xi32, #tpu.memory_space<vmem>>, vector<16xi32>,
      tpu.vector_store %arg10[%swap3A_89], %add3A_88 {strides = array<i32>} : memref<80xi32, #tpu.memory_space<vmem>>, vector<16xi32>,
      %dma_start3A = arith.constant 0 : i32
      %dma_start3A_91 = arith.constant 0 : i32
      %dma_start3A_92 = tpu.memref_slice %arg7[%dma_start3A, %dma_start3A_91] : memref<10000x128xf32, #tpu.memory_space<vmem_shared>> -> memref<10000x128xf32, #tpu.memory_space<vmem_shared>>
      tpu.enqueue_indirect_dma source(%dma_start3A_92 : memref<10000x128xf32, #tpu.memory_space<vmem_shared>>) target(%arg11 : memref<80x128xf32, #tpu.memory_space<vmem>>) offsets(%arg10 : memref<80xi32, #tpu.memory_space<vmem>>) semaphore(%arg13 : memref<!tpu.dma_semaphore, #tpu.memory_space<semaphore_mem>>)
      %dma_wait3A = arith.constant 0 : i32
      %dma_wait3A_93 = arith.constant 0 : i32
      %dma_wait3A_94 = tpu.memref_slice %arg7[%dma_wait3A, %dma_wait3A_93] : memref<10000x128xf32, #tpu.memory_space<vmem_shared>> -> memref<10000x128xf32, #tpu.memory_space<vmem_shared>>
      tpu.wait_indirect_dma semaphore(%arg13 : memref<!tpu.dma_semaphore, #tpu.memory_space<semaphore_mem>>) src(%dma_wait3A_94 : memref<10000x128xf32, #tpu.memory_space<vmem_shared>>) dst(%arg11 : memref<80x128xf32, #tpu.memory_space<vmem>>)
      %mul3A_95 = arith.constant 10000 : i32
      %mul3A_96 = arith.muli %arg0, %mul3A_95 : i32
      %add3A_97 = arith.addi %mul3A_96, %mul3A_61 : i32
      "tpu.region"() ({
        %run_scoped3A = tpu.sem_alloc : memref<!tpu.dma_semaphore, #tpu.memory_space<semaphore_mem>>
        %dma_start3A_107 = arith.constant 0 : i32
        %dma_start3A_108 = tpu.memref_slice %arg5[%add3A_97, %dma_start3A_107] : memref<20000x128xf32, #tpu.memory_space<hbm>> -> memref<80x128xf32, #tpu.memory_space<hbm>>
        %dma_start3A_109 = arith.constant 0 : i32
        %dma_start3A_110 = tpu.memref_slice %arg5[%add3A_97, %dma_start3A_109] : memref<20000x128xf32, #tpu.memory_space<hbm>> -> memref<80x128xf32, #tpu.memory_space<hbm>>
        tpu.enqueue_dma source(%arg11 : memref<80x128xf32, #tpu.memory_space<vmem>>) target(%dma_start3A_110 : memref<80x128xf32, #tpu.memory_space<hbm>>) target_semaphore(%run_scoped3A : memref<!tpu.dma_semaphore, #tpu.memory_space<semaphore_mem>>)
        %dma_wait3A_111 = arith.constant 0 : i32
        %dma_wait3A_112 = tpu.memref_slice %arg5[%add3A_97, %dma_wait3A_111] : memref<20000x128xf32, #tpu.memory_space<hbm>> -> memref<80x128xf32, #tpu.memory_space<hbm>>
        %dma_wait3A_113 = arith.constant 0 : i32
        %dma_wait3A_114 = tpu.memref_slice %arg5[%add3A_97, %dma_wait3A_113] : memref<20000x128xf32, #tpu.memory_space<hbm>> -> memref<80x128xf32, #tpu.memory_space<hbm>>
        tpu.wait_dma2 semaphore(%run_scoped3A : memref<!tpu.dma_semaphore, #tpu.memory_space<semaphore_mem>>) src(%arg11 : memref<80x128xf32, #tpu.memory_space<vmem>>) dst(%dma_wait3A_114 : memref<80x128xf32, #tpu.memory_space<hbm>>)
        tpu.yield
      }) : () -> ()
      %dma_start3A_98 = arith.constant 0 : i32
      %dma_start3A_99 = arith.constant 0 : i32
      %dma_start3A_100 = tpu.memref_slice %arg8[%dma_start3A_98, %dma_start3A_99] : memref<10000x16xf32, #tpu.memory_space<vmem_shared>> -> memref<10000x16xf32, #tpu.memory_space<vmem_shared>>
      tpu.enqueue_indirect_dma source(%dma_start3A_100 : memref<10000x16xf32, #tpu.memory_space<vmem_shared>>) target(%arg12 : memref<80x16xf32, #tpu.memory_space<vmem>>) offsets(%arg10 : memref<80xi32, #tpu.memory_space<vmem>>) semaphore(%arg13 : memref<!tpu.dma_semaphore, #tpu.memory_space<semaphore_mem>>)
      %dma_wait3A_101 = arith.constant 0 : i32
      %dma_wait3A_102 = arith.constant 0 : i32
      %dma_wait3A_103 = tpu.memref_slice %arg8[%dma_wait3A_101, %dma_wait3A_102] : memref<10000x16xf32, #tpu.memory_space<vmem_shared>> -> memref<10000x16xf32, #tpu.memory_space<vmem_shared>>
      tpu.wait_indirect_dma semaphore(%arg13 : memref<!tpu.dma_semaphore, #tpu.memory_space<semaphore_mem>>) src(%dma_wait3A_103 : memref<10000x16xf32, #tpu.memory_space<vmem_shared>>) dst(%arg12 : memref<80x16xf32, #tpu.memory_space<vmem>>)
      %mul3A_104 = arith.constant 10000 : i32
      %mul3A_105 = arith.muli %arg0, %mul3A_104 : i32
      %add3A_106 = arith.addi %mul3A_105, %mul3A_61 : i32
      "tpu.region"() ({
        %run_scoped3A = tpu.sem_alloc : memref<!tpu.dma_semaphore, #tpu.memory_space<semaphore_mem>>
        %dma_start3A_107 = arith.constant 0 : i32
        %dma_start3A_108 = tpu.memref_slice %arg6[%add3A_106, %dma_start3A_107] : memref<20000x16xf32, #tpu.memory_space<hbm>> -> memref<80x16xf32, #tpu.memory_space<hbm>>
        %dma_start3A_109 = arith.constant 0 : i32
        %dma_start3A_110 = tpu.memref_slice %arg6[%add3A_106, %dma_start3A_109] : memref<20000x16xf32, #tpu.memory_space<hbm>> -> memref<80x16xf32, #tpu.memory_space<hbm>>
        tpu.enqueue_dma source(%arg12 : memref<80x16xf32, #tpu.memory_space<vmem>>) target(%dma_start3A_110 : memref<80x16xf32, #tpu.memory_space<hbm>>) target_semaphore(%run_scoped3A : memref<!tpu.dma_semaphore, #tpu.memory_space<semaphore_mem>>)
        %dma_wait3A_111 = arith.constant 0 : i32
        %dma_wait3A_112 = tpu.memref_slice %arg6[%add3A_106, %dma_wait3A_111] : memref<20000x16xf32, #tpu.memory_space<hbm>> -> memref<80x16xf32, #tpu.memory_space<hbm>>
        %dma_wait3A_113 = arith.constant 0 : i32
        %dma_wait3A_114 = tpu.memref_slice %arg6[%add3A_106, %dma_wait3A_113] : memref<20000x16xf32, #tpu.memory_space<hbm>> -> memref<80x16xf32, #tpu.memory_space<hbm>>
        tpu.wait_dma2 semaphore(%run_scoped3A : memref<!tpu.dma_semaphore, #tpu.memory_space<semaphore_mem>>) src(%arg12 : memref<80x16xf32, #tpu.memory_space<vmem>>) dst(%dma_wait3A_114 : memref<80x16xf32, #tpu.memory_space<hbm>>)
        tpu.yield
      }) : () -> ()
    }
    return
  }
}

module attributes {stable_mosaic.version = 14 : i64} {
  func.func @_tc_embed_body(%arg0: i32, %arg1: memref<2000x1xi32, #tpu.memory_space<vmem>>, %arg2: memref<100x128xf32, #tpu.memory_space<vmem>>, %arg3: memref<128x128xf32, #tpu.memory_space<vmem>>, %arg4: memref<128x128xf32, #tpu.memory_space<vmem>>, %arg5: memref<1x128xf32, #tpu.memory_space<vmem>>, %arg6: memref<2000x128xf32, #tpu.memory_space<vmem>>, %arg7: memref<2000x128xf32, #tpu.memory_space<vmem>>, %arg8: memref<2000x128xf32, #tpu.memory_space<vmem>>) attributes {dimension_semantics = [#tpu.dimension_semantics<arbitrary>], iteration_bounds = array<i64: 5>, scalar_prefetch = 0 : i64, scratch_operands = 0 : i64, tpu.core_type = #tpu.core_type<tc>, window_params = [{transform_indices = @transform_0, window_bounds = array<i64: 2000, 1>}, {pipeline_mode = #tpu.pipeline_mode<synchronous>, transform_indices = @transform_1, window_bounds = array<i64: 100, 128>}, {pipeline_mode = #tpu.pipeline_mode<synchronous>, transform_indices = @transform_2, window_bounds = array<i64: 128, 128>}, {pipeline_mode = #tpu.pipeline_mode<synchronous>, transform_indices = @transform_3, window_bounds = array<i64: 128, 128>}, {pipeline_mode = #tpu.pipeline_mode<synchronous>, transform_indices = @transform_4, window_bounds = array<i64: 1, 128>}, {transform_indices = @transform_5, window_bounds = array<i64: 2000, 128>}, {transform_indices = @transform_6, window_bounds = array<i64: 2000, 128>}, {transform_indices = @transform_7, window_bounds = array<i64: 2000, 128>}]} {
    %get3A = arith.constant 0 : index
    %get3A_0 = arith.constant 0 : index
    %get3A_1 = vector.load %arg1[%get3A, %get3A_0] : memref<2000x1xi32, #tpu.memory_space<vmem>>, vector<2000x1xi32>
    %iota3A = tpu.iota {dimensions = array<i32: 1>} : vector<2000x100xi32>
    %eq3A = vector.broadcast %get3A_1 : vector<2000x1xi32> to vector<2000x100xi32>
    %eq3A_2 = arith.cmpi eq, %eq3A, %iota3A : vector<2000x100xi32>
    %convert_element_type3A = arith.extui %eq3A_2 : vector<2000x100xi1> to vector<2000x100xi32>
    %convert_element_type3A_3 = arith.sitofp %convert_element_type3A : vector<2000x100xi32> to vector<2000x100xf32>
    %get3A_4 = arith.constant 0 : index
    %get3A_5 = arith.constant 0 : index
    %get3A_6 = vector.load %arg2[%get3A_4, %get3A_5] : memref<100x128xf32, #tpu.memory_space<vmem>>, vector<100x128xf32>
    %dot_general3A = arith.constant dense<0.000000e+00> : vector<2000x128xf32>
    %dot_general3A_7 = tpu.matmul %convert_element_type3A_3, %get3A_6, %dot_general3A {dimension_numbers = #tpu.dot_dimension_numbers<[1], [0], [0], [1], [0, 0, 1, 1], [], []>, transpose_lhs_hint = false} : vector<2000x100xf32>, vector<100x128xf32>, vector<2000x128xf32> -> vector<2000x128xf32>
    %swap3A = arith.constant 0 : index
    %swap3A_8 = arith.constant 0 : index
    %swap3A_9 = vector.load %arg6[%swap3A, %swap3A_8] : memref<2000x128xf32, #tpu.memory_space<vmem>>, vector<2000x128xf32>
    tpu.vector_store %arg6[%swap3A, %swap3A_8], %dot_general3A_7 {strides = array<i32>} : memref<2000x128xf32, #tpu.memory_space<vmem>>, vector<2000x128xf32>,
    %get3A_10 = arith.constant 0 : index
    %get3A_11 = arith.constant 0 : index
    %get3A_12 = vector.load %arg3[%get3A_10, %get3A_11] : memref<128x128xf32, #tpu.memory_space<vmem>>, vector<128x128xf32>
    %dot_general3A_13 = arith.constant dense<0.000000e+00> : vector<2000x128xf32>
    %dot_general3A_14 = tpu.matmul %dot_general3A_7, %get3A_12, %dot_general3A_13 {dimension_numbers = #tpu.dot_dimension_numbers<[1], [0], [0], [1], [0, 0, 1, 1], [], []>, transpose_lhs_hint = false} : vector<2000x128xf32>, vector<128x128xf32>, vector<2000x128xf32> -> vector<2000x128xf32>
    %get3A_15 = arith.constant 0 : index
    %get3A_16 = arith.constant 0 : index
    %get3A_17 = vector.load %arg5[%get3A_15, %get3A_16] : memref<1x128xf32, #tpu.memory_space<vmem>>, vector<1x128xf32>
    %add3A = vector.broadcast %get3A_17 : vector<1x128xf32> to vector<2000x128xf32>
    %add3A_18 = arith.addf %dot_general3A_14, %add3A : vector<2000x128xf32>
    %swap3A_19 = arith.constant 0 : index
    %swap3A_20 = arith.constant 0 : index
    %swap3A_21 = vector.load %arg7[%swap3A_19, %swap3A_20] : memref<2000x128xf32, #tpu.memory_space<vmem>>, vector<2000x128xf32>
    tpu.vector_store %arg7[%swap3A_19, %swap3A_20], %add3A_18 {strides = array<i32>} : memref<2000x128xf32, #tpu.memory_space<vmem>>, vector<2000x128xf32>,
    %get3A_22 = arith.constant 0 : index
    %get3A_23 = arith.constant 0 : index
    %get3A_24 = vector.load %arg4[%get3A_22, %get3A_23] : memref<128x128xf32, #tpu.memory_space<vmem>>, vector<128x128xf32>
    %dot_general3A_25 = arith.constant dense<0.000000e+00> : vector<2000x128xf32>
    %dot_general3A_26 = tpu.matmul %dot_general3A_7, %get3A_24, %dot_general3A_25 {dimension_numbers = #tpu.dot_dimension_numbers<[1], [0], [0], [1], [0, 0, 1, 1], [], []>, transpose_lhs_hint = false} : vector<2000x128xf32>, vector<128x128xf32>, vector<2000x128xf32> -> vector<2000x128xf32>
    %swap3A_27 = arith.constant 0 : index
    %swap3A_28 = arith.constant 0 : index
    %swap3A_29 = vector.load %arg8[%swap3A_27, %swap3A_28] : memref<2000x128xf32, #tpu.memory_space<vmem>>, vector<2000x128xf32>
    tpu.vector_store %arg8[%swap3A_27, %swap3A_28], %dot_general3A_26 {strides = array<i32>} : memref<2000x128xf32, #tpu.memory_space<vmem>>, vector<2000x128xf32>,
    return
  }
  func.func @transform_0(%arg0: i32) -> (i32, i32) {
    %c0_i32 = arith.constant 0 : i32
    %c0_i32_0 = arith.constant 0 : i32
    return %arg0, %c0_i32 : i32, i32
  }
  func.func @transform_1(%arg0: i32) -> (i32, i32) {
    %c0_i32 = arith.constant 0 : i32
    %c0_i32_0 = arith.constant 0 : i32
    %c0_i32_1 = arith.constant 0 : i32
    return %c0_i32, %c0_i32_0 : i32, i32
  }
  func.func @transform_2(%arg0: i32) -> (i32, i32) {
    %c0_i32 = arith.constant 0 : i32
    %c0_i32_0 = arith.constant 0 : i32
    %c0_i32_1 = arith.constant 0 : i32
    return %c0_i32, %c0_i32_0 : i32, i32
  }
  func.func @transform_3(%arg0: i32) -> (i32, i32) {
    %c0_i32 = arith.constant 0 : i32
    %c0_i32_0 = arith.constant 0 : i32
    %c0_i32_1 = arith.constant 0 : i32
    return %c0_i32, %c0_i32_0 : i32, i32
  }
  func.func @transform_4(%arg0: i32) -> (i32, i32) {
    %c0_i32 = arith.constant 0 : i32
    %c0_i32_0 = arith.constant 0 : i32
    %c0_i32_1 = arith.constant 0 : i32
    return %c0_i32, %c0_i32_0 : i32, i32
  }
  func.func @transform_5(%arg0: i32) -> (i32, i32) {
    %c0_i32 = arith.constant 0 : i32
    %c0_i32_0 = arith.constant 0 : i32
    return %arg0, %c0_i32 : i32, i32
  }
  func.func @transform_6(%arg0: i32) -> (i32, i32) {
    %c0_i32 = arith.constant 0 : i32
    %c0_i32_0 = arith.constant 0 : i32
    return %arg0, %c0_i32 : i32, i32
  }
  func.func @transform_7(%arg0: i32) -> (i32, i32) {
    %c0_i32 = arith.constant 0 : i32
    %c0_i32_0 = arith.constant 0 : i32
    return %arg0, %c0_i32 : i32, i32
  }
}

module attributes {stable_mosaic.version = 14 : i64} {
  func.func @_tc_edge_body(%arg0: i32, %arg1: memref<2000x128xf32, #tpu.memory_space<vmem>>, %arg2: memref<2000x16xf32, #tpu.memory_space<vmem>>, %arg3: memref<2000x1xf32, #tpu.memory_space<vmem>>, %arg4: memref<1x128xf32, #tpu.memory_space<vmem>>, %arg5: memref<1x128xf32, #tpu.memory_space<vmem>>, %arg6: memref<128x128xf32, #tpu.memory_space<vmem>>, %arg7: memref<1x128xf32, #tpu.memory_space<vmem>>, %arg8: memref<128x128xf32, #tpu.memory_space<vmem>>, %arg9: memref<1x128xf32, #tpu.memory_space<vmem>>, %arg10: memref<1x128xf32, #tpu.memory_space<vmem>>, %arg11: memref<1x1xf32, #tpu.memory_space<vmem>>, %arg12: memref<1x128xf32, #tpu.memory_space<vmem>>, %arg13: memref<1x1xf32, #tpu.memory_space<vmem>>, %arg14: memref<2000x128xf32, #tpu.memory_space<vmem>>, %arg15: memref<2000x16xf32, #tpu.memory_space<vmem>>) attributes {dimension_semantics = [#tpu.dimension_semantics<arbitrary>], iteration_bounds = array<i64: 160>, scalar_prefetch = 0 : i64, scratch_operands = 0 : i64, tpu.core_type = #tpu.core_type<tc>, window_params = [{transform_indices = @transform_0, window_bounds = array<i64: 2000, 128>}, {transform_indices = @transform_1, window_bounds = array<i64: 2000, 16>}, {transform_indices = @transform_2, window_bounds = array<i64: 2000, 1>}, {pipeline_mode = #tpu.pipeline_mode<synchronous>, transform_indices = @transform_3, window_bounds = array<i64: 1, 128>}, {pipeline_mode = #tpu.pipeline_mode<synchronous>, transform_indices = @transform_4, window_bounds = array<i64: 1, 128>}, {pipeline_mode = #tpu.pipeline_mode<synchronous>, transform_indices = @transform_5, window_bounds = array<i64: 128, 128>}, {pipeline_mode = #tpu.pipeline_mode<synchronous>, transform_indices = @transform_6, window_bounds = array<i64: 1, 128>}, {pipeline_mode = #tpu.pipeline_mode<synchronous>, transform_indices = @transform_7, window_bounds = array<i64: 128, 128>}, {pipeline_mode = #tpu.pipeline_mode<synchronous>, transform_indices = @transform_8, window_bounds = array<i64: 1, 128>}, {pipeline_mode = #tpu.pipeline_mode<synchronous>, transform_indices = @transform_9, window_bounds = array<i64: 1, 128>}, {pipeline_mode = #tpu.pipeline_mode<synchronous>, transform_indices = @transform_10, window_bounds = array<i64: 1, 1>}, {pipeline_mode = #tpu.pipeline_mode<synchronous>, transform_indices = @transform_11, window_bounds = array<i64: 1, 128>}, {pipeline_mode = #tpu.pipeline_mode<synchronous>, transform_indices = @transform_12, window_bounds = array<i64: 1, 1>}, {transform_indices = @transform_13, window_bounds = array<i64: 2000, 128>}, {transform_indices = @transform_14, window_bounds = array<i64: 2000, 16>}]} {
    %get3A = arith.constant 0 : index
    %get3A_0 = arith.constant 0 : index
    %get3A_1 = vector.load %arg2[%get3A, %get3A_0] : memref<2000x16xf32, #tpu.memory_space<vmem>>, vector<2000x16xf32>
    %iota3A = tpu.iota {dimensions = array<i32: 1>} : vector<2000x16xi32>
    %lt3A = arith.constant 3 : i32
    %lt3A_2 = vector.broadcast %lt3A : i32 to vector<2000x16xi32>
    %lt3A_3 = arith.cmpi slt, %iota3A, %lt3A_2 : vector<2000x16xi32>
    %mul3A = arith.mulf %get3A_1, %get3A_1 : vector<2000x16xf32>
    %jit3A = arith.constant 0.000000e+00 : f32
    %broadcast_in_dim3A = vector.broadcast %jit3A : f32 to vector<2000x16xf32>
    %select_n3A = arith.select %lt3A_3, %mul3A, %broadcast_in_dim3A : vector<2000x16xi1>, vector<2000x16xf32>
    %reduce_sum3A = arith.constant dense<0.000000e+00> : vector<2000xf32>
    %reduce_sum3A_4 = vector.multi_reduction <add>, %select_n3A, %reduce_sum3A [1] : vector<2000x16xf32> to vector<2000xf32>
    %broadcast_in_dim3A_5 = vector.shape_cast %reduce_sum3A_4 : vector<2000xf32> to vector<2000x1xf32>
    %sqrt3A = math.sqrt %broadcast_in_dim3A_5 : vector<2000x1xf32>
    %get3A_6 = arith.constant 0 : index
    %get3A_7 = arith.constant 0 : index
    %get3A_8 = vector.load %arg3[%get3A_6, %get3A_7] : memref<2000x1xf32, #tpu.memory_space<vmem>>, vector<2000x1xf32>
    %get3A_9 = arith.constant 0 : index
    %get3A_10 = arith.constant 0 : index
    %get3A_11 = vector.load %arg1[%get3A_9, %get3A_10] : memref<2000x128xf32, #tpu.memory_space<vmem>>, vector<2000x128xf32>
    %get3A_12 = arith.constant 0 : index
    %get3A_13 = arith.constant 0 : index
    %get3A_14 = vector.load %arg4[%get3A_12, %get3A_13] : memref<1x128xf32, #tpu.memory_space<vmem>>, vector<1x128xf32>
    %mul3A_15 = vector.broadcast %sqrt3A : vector<2000x1xf32> to vector<2000x128xf32>
    %mul3A_16 = vector.broadcast %get3A_14 : vector<1x128xf32> to vector<2000x128xf32>
    %mul3A_17 = arith.mulf %mul3A_15, %mul3A_16 : vector<2000x128xf32>
    %add3A = arith.addf %get3A_11, %mul3A_17 : vector<2000x128xf32>
    %get3A_18 = arith.constant 0 : index
    %get3A_19 = arith.constant 0 : index
    %get3A_20 = vector.load %arg5[%get3A_18, %get3A_19] : memref<1x128xf32, #tpu.memory_space<vmem>>, vector<1x128xf32>
    %mul3A_21 = vector.broadcast %get3A_8 : vector<2000x1xf32> to vector<2000x128xf32>
    %mul3A_22 = vector.broadcast %get3A_20 : vector<1x128xf32> to vector<2000x128xf32>
    %mul3A_23 = arith.mulf %mul3A_21, %mul3A_22 : vector<2000x128xf32>
    %add3A_24 = arith.addf %add3A, %mul3A_23 : vector<2000x128xf32>
    %logistic3A = arith.negf %add3A_24 : vector<2000x128xf32>
    %logistic3A_25 = math.exp %logistic3A : vector<2000x128xf32>
    %logistic3A_26 = arith.constant 1.000000e+00 : f32
    %logistic3A_27 = vector.broadcast %logistic3A_26 : f32 to vector<2000x128xf32>
    %logistic3A_28 = arith.addf %logistic3A_27, %logistic3A_25 : vector<2000x128xf32>
    %logistic3A_29 = arith.divf %logistic3A_27, %logistic3A_28 : vector<2000x128xf32>
    %mul3A_30 = arith.mulf %add3A_24, %logistic3A_29 : vector<2000x128xf32>
    %get3A_31 = arith.constant 0 : index
    %get3A_32 = arith.constant 0 : index
    %get3A_33 = vector.load %arg6[%get3A_31, %get3A_32] : memref<128x128xf32, #tpu.memory_space<vmem>>, vector<128x128xf32>
    %dot_general3A = arith.constant dense<0.000000e+00> : vector<2000x128xf32>
    %dot_general3A_34 = tpu.matmul %mul3A_30, %get3A_33, %dot_general3A {dimension_numbers = #tpu.dot_dimension_numbers<[1], [0], [0], [1], [0, 0, 1, 1], [], []>, transpose_lhs_hint = false} : vector<2000x128xf32>, vector<128x128xf32>, vector<2000x128xf32> -> vector<2000x128xf32>
    %get3A_35 = arith.constant 0 : index
    %get3A_36 = arith.constant 0 : index
    %get3A_37 = vector.load %arg7[%get3A_35, %get3A_36] : memref<1x128xf32, #tpu.memory_space<vmem>>, vector<1x128xf32>
    %add3A_38 = vector.broadcast %get3A_37 : vector<1x128xf32> to vector<2000x128xf32>
    %add3A_39 = arith.addf %dot_general3A_34, %add3A_38 : vector<2000x128xf32>
    %logistic3A_40 = arith.negf %add3A_39 : vector<2000x128xf32>
    %logistic3A_41 = math.exp %logistic3A_40 : vector<2000x128xf32>
    %logistic3A_42 = arith.constant 1.000000e+00 : f32
    %logistic3A_43 = vector.broadcast %logistic3A_42 : f32 to vector<2000x128xf32>
    %logistic3A_44 = arith.addf %logistic3A_43, %logistic3A_41 : vector<2000x128xf32>
    %logistic3A_45 = arith.divf %logistic3A_43, %logistic3A_44 : vector<2000x128xf32>
    %mul3A_46 = arith.mulf %add3A_39, %logistic3A_45 : vector<2000x128xf32>
    %get3A_47 = arith.constant 0 : index
    %get3A_48 = arith.constant 0 : index
    %get3A_49 = vector.load %arg8[%get3A_47, %get3A_48] : memref<128x128xf32, #tpu.memory_space<vmem>>, vector<128x128xf32>
    %dot_general3A_50 = arith.constant dense<0.000000e+00> : vector<2000x128xf32>
    %dot_general3A_51 = tpu.matmul %mul3A_46, %get3A_49, %dot_general3A_50 {dimension_numbers = #tpu.dot_dimension_numbers<[1], [0], [0], [1], [0, 0, 1, 1], [], []>, transpose_lhs_hint = false} : vector<2000x128xf32>, vector<128x128xf32>, vector<2000x128xf32> -> vector<2000x128xf32>
    %get3A_52 = arith.constant 0 : index
    %get3A_53 = arith.constant 0 : index
    %get3A_54 = vector.load %arg9[%get3A_52, %get3A_53] : memref<1x128xf32, #tpu.memory_space<vmem>>, vector<1x128xf32>
    %add3A_55 = vector.broadcast %get3A_54 : vector<1x128xf32> to vector<2000x128xf32>
    %add3A_56 = arith.addf %dot_general3A_51, %add3A_55 : vector<2000x128xf32>
    %logistic3A_57 = arith.negf %add3A_56 : vector<2000x128xf32>
    %logistic3A_58 = math.exp %logistic3A_57 : vector<2000x128xf32>
    %logistic3A_59 = arith.constant 1.000000e+00 : f32
    %logistic3A_60 = vector.broadcast %logistic3A_59 : f32 to vector<2000x128xf32>
    %logistic3A_61 = arith.addf %logistic3A_60, %logistic3A_58 : vector<2000x128xf32>
    %logistic3A_62 = arith.divf %logistic3A_60, %logistic3A_61 : vector<2000x128xf32>
    %mul3A_63 = arith.mulf %add3A_56, %logistic3A_62 : vector<2000x128xf32>
    %get3A_64 = arith.constant 0 : index
    %get3A_65 = arith.constant 0 : index
    %get3A_66 = vector.load %arg10[%get3A_64, %get3A_65] : memref<1x128xf32, #tpu.memory_space<vmem>>, vector<1x128xf32>
    %mul3A_67 = vector.broadcast %get3A_66 : vector<1x128xf32> to vector<2000x128xf32>
    %mul3A_68 = arith.mulf %mul3A_63, %mul3A_67 : vector<2000x128xf32>
    %reduce_sum3A_69 = arith.constant dense<0.000000e+00> : vector<2000xf32>
    %reduce_sum3A_70 = vector.multi_reduction <add>, %mul3A_68, %reduce_sum3A_69 [1] : vector<2000x128xf32> to vector<2000xf32>
    %broadcast_in_dim3A_71 = vector.shape_cast %reduce_sum3A_70 : vector<2000xf32> to vector<2000x1xf32>
    %get3A_72 = arith.constant 0 : index
    %get3A_73 = arith.constant 0 : index
    %get3A_74 = vector.load %arg11[%get3A_72, %get3A_73] : memref<1x1xf32, #tpu.memory_space<vmem>>, vector<1x1xf32>
    %add3A_75 = vector.broadcast %get3A_74 : vector<1x1xf32> to vector<2000x1xf32>
    %add3A_76 = arith.addf %broadcast_in_dim3A_71, %add3A_75 : vector<2000x1xf32>
    %get3A_77 = arith.constant 0 : index
    %get3A_78 = arith.constant 0 : index
    %get3A_79 = vector.load %arg12[%get3A_77, %get3A_78] : memref<1x128xf32, #tpu.memory_space<vmem>>, vector<1x128xf32>
    %mul3A_80 = vector.broadcast %get3A_79 : vector<1x128xf32> to vector<2000x128xf32>
    %mul3A_81 = arith.mulf %mul3A_46, %mul3A_80 : vector<2000x128xf32>
    %reduce_sum3A_82 = arith.constant dense<0.000000e+00> : vector<2000xf32>
    %reduce_sum3A_83 = vector.multi_reduction <add>, %mul3A_81, %reduce_sum3A_82 [1] : vector<2000x128xf32> to vector<2000xf32>
    %broadcast_in_dim3A_84 = vector.shape_cast %reduce_sum3A_83 : vector<2000xf32> to vector<2000x1xf32>
    %get3A_85 = arith.constant 0 : index
    %get3A_86 = arith.constant 0 : index
    %get3A_87 = vector.load %arg13[%get3A_85, %get3A_86] : memref<1x1xf32, #tpu.memory_space<vmem>>, vector<1x1xf32>
    %add3A_88 = vector.broadcast %get3A_87 : vector<1x1xf32> to vector<2000x1xf32>
    %add3A_89 = arith.addf %broadcast_in_dim3A_84, %add3A_88 : vector<2000x1xf32>
    %logistic3A_90 = arith.negf %add3A_89 : vector<2000x1xf32>
    %logistic3A_91 = math.exp %logistic3A_90 : vector<2000x1xf32>
    %logistic3A_92 = arith.constant 1.000000e+00 : f32
    %logistic3A_93 = vector.broadcast %logistic3A_92 : f32 to vector<2000x1xf32>
    %logistic3A_94 = arith.addf %logistic3A_93, %logistic3A_91 : vector<2000x1xf32>
    %logistic3A_95 = arith.divf %logistic3A_93, %logistic3A_94 : vector<2000x1xf32>
    %mul3A_96 = vector.broadcast %logistic3A_95 : vector<2000x1xf32> to vector<2000x128xf32>
    %mul3A_97 = arith.mulf %mul3A_46, %mul3A_96 : vector<2000x128xf32>
    %swap3A = arith.constant 0 : index
    %swap3A_98 = arith.constant 0 : index
    %swap3A_99 = vector.load %arg14[%swap3A, %swap3A_98] : memref<2000x128xf32, #tpu.memory_space<vmem>>, vector<2000x128xf32>
    tpu.vector_store %arg14[%swap3A, %swap3A_98], %mul3A_97 {strides = array<i32>} : memref<2000x128xf32, #tpu.memory_space<vmem>>, vector<2000x128xf32>,
    %mul3A_100 = vector.broadcast %add3A_76 : vector<2000x1xf32> to vector<2000x16xf32>
    %mul3A_101 = arith.mulf %mul3A_100, %get3A_1 : vector<2000x16xf32>
    %swap3A_102 = arith.constant 0 : index
    %swap3A_103 = arith.constant 0 : index
    %swap3A_104 = vector.load %arg15[%swap3A_102, %swap3A_103] : memref<2000x16xf32, #tpu.memory_space<vmem>>, vector<2000x16xf32>
    tpu.vector_store %arg15[%swap3A_102, %swap3A_103], %mul3A_101 {strides = array<i32>} : memref<2000x16xf32, #tpu.memory_space<vmem>>, vector<2000x16xf32>,
    return
  }
  func.func @transform_0(%arg0: i32) -> (i32, i32) {
    %c0_i32 = arith.constant 0 : i32
    %c0_i32_0 = arith.constant 0 : i32
    return %arg0, %c0_i32 : i32, i32
  }
  func.func @transform_1(%arg0: i32) -> (i32, i32) {
    %c0_i32 = arith.constant 0 : i32
    %c0_i32_0 = arith.constant 0 : i32
    return %arg0, %c0_i32 : i32, i32
  }
  func.func @transform_2(%arg0: i32) -> (i32, i32) {
    %c0_i32 = arith.constant 0 : i32
    %c0_i32_0 = arith.constant 0 : i32
    return %arg0, %c0_i32 : i32, i32
  }
  func.func @transform_3(%arg0: i32) -> (i32, i32) {
    %c0_i32 = arith.constant 0 : i32
    %c0_i32_0 = arith.constant 0 : i32
    %c0_i32_1 = arith.constant 0 : i32
    return %c0_i32, %c0_i32_0 : i32, i32
  }
  func.func @transform_4(%arg0: i32) -> (i32, i32) {
    %c0_i32 = arith.constant 0 : i32
    %c0_i32_0 = arith.constant 0 : i32
    %c0_i32_1 = arith.constant 0 : i32
    return %c0_i32, %c0_i32_0 : i32, i32
  }
  func.func @transform_5(%arg0: i32) -> (i32, i32) {
    %c0_i32 = arith.constant 0 : i32
    %c0_i32_0 = arith.constant 0 : i32
    %c0_i32_1 = arith.constant 0 : i32
    return %c0_i32, %c0_i32_0 : i32, i32
  }
  func.func @transform_6(%arg0: i32) -> (i32, i32) {
    %c0_i32 = arith.constant 0 : i32
    %c0_i32_0 = arith.constant 0 : i32
    %c0_i32_1 = arith.constant 0 : i32
    return %c0_i32, %c0_i32_0 : i32, i32
  }
  func.func @transform_7(%arg0: i32) -> (i32, i32) {
    %c0_i32 = arith.constant 0 : i32
    %c0_i32_0 = arith.constant 0 : i32
    %c0_i32_1 = arith.constant 0 : i32
    return %c0_i32, %c0_i32_0 : i32, i32
  }
  func.func @transform_8(%arg0: i32) -> (i32, i32) {
    %c0_i32 = arith.constant 0 : i32
    %c0_i32_0 = arith.constant 0 : i32
    %c0_i32_1 = arith.constant 0 : i32
    return %c0_i32, %c0_i32_0 : i32, i32
  }
  func.func @transform_9(%arg0: i32) -> (i32, i32) {
    %c0_i32 = arith.constant 0 : i32
    %c0_i32_0 = arith.constant 0 : i32
    %c0_i32_1 = arith.constant 0 : i32
    return %c0_i32, %c0_i32_0 : i32, i32
  }
  func.func @transform_10(%arg0: i32) -> (i32, i32) {
    %c0_i32 = arith.constant 0 : i32
    %c0_i32_0 = arith.constant 0 : i32
    %c0_i32_1 = arith.constant 0 : i32
    return %c0_i32, %c0_i32_0 : i32, i32
  }
  func.func @transform_11(%arg0: i32) -> (i32, i32) {
    %c0_i32 = arith.constant 0 : i32
    %c0_i32_0 = arith.constant 0 : i32
    %c0_i32_1 = arith.constant 0 : i32
    return %c0_i32, %c0_i32_0 : i32, i32
  }
  func.func @transform_12(%arg0: i32) -> (i32, i32) {
    %c0_i32 = arith.constant 0 : i32
    %c0_i32_0 = arith.constant 0 : i32
    %c0_i32_1 = arith.constant 0 : i32
    return %c0_i32, %c0_i32_0 : i32, i32
  }
  func.func @transform_13(%arg0: i32) -> (i32, i32) {
    %c0_i32 = arith.constant 0 : i32
    %c0_i32_0 = arith.constant 0 : i32
    return %arg0, %c0_i32 : i32, i32
  }
  func.func @transform_14(%arg0: i32) -> (i32, i32) {
    %c0_i32 = arith.constant 0 : i32
    %c0_i32_0 = arith.constant 0 : i32
    return %arg0, %c0_i32 : i32, i32
  }
}

module attributes {stable_mosaic.version = 14 : i64} {
  func.func @_tc_node_body(%arg0: i32, %arg1: memref<2000x128xf32, #tpu.memory_space<vmem>>, %arg2: memref<2000x16xf32, #tpu.memory_space<vmem>>, %arg3: memref<2000x128xf32, #tpu.memory_space<vmem>>, %arg4: memref<2000x128xf32, #tpu.memory_space<vmem>>, %arg5: memref<2000x16xf32, #tpu.memory_space<vmem>>, %arg6: memref<2000x16xf32, #tpu.memory_space<vmem>>, %arg7: memref<128x128xf32, #tpu.memory_space<vmem>>, %arg8: memref<128x128xf32, #tpu.memory_space<vmem>>, %arg9: memref<1x128xf32, #tpu.memory_space<vmem>>, %arg10: memref<128x128xf32, #tpu.memory_space<vmem>>, %arg11: memref<1x128xf32, #tpu.memory_space<vmem>>, %arg12: memref<128x128xf32, #tpu.memory_space<vmem>>, %arg13: memref<128x128xf32, #tpu.memory_space<vmem>>, %arg14: memref<1x128xf32, #tpu.memory_space<vmem>>, %arg15: memref<2000x128xf32, #tpu.memory_space<vmem>>, %arg16: memref<2000x16xf32, #tpu.memory_space<vmem>>, %arg17: memref<2000x128xf32, #tpu.memory_space<vmem>>, %arg18: memref<2000x128xf32, #tpu.memory_space<vmem>>) attributes {dimension_semantics = [#tpu.dimension_semantics<arbitrary>], iteration_bounds = array<i64: 5>, scalar_prefetch = 0 : i64, scratch_operands = 0 : i64, tpu.core_type = #tpu.core_type<tc>, window_params = [{transform_indices = @transform_0, window_bounds = array<i64: 2000, 128>}, {transform_indices = @transform_1, window_bounds = array<i64: 2000, 16>}, {transform_indices = @transform_2, window_bounds = array<i64: 2000, 128>}, {transform_indices = @transform_3, window_bounds = array<i64: 2000, 128>}, {transform_indices = @transform_4, window_bounds = array<i64: 2000, 16>}, {transform_indices = @transform_5, window_bounds = array<i64: 2000, 16>}, {pipeline_mode = #tpu.pipeline_mode<synchronous>, transform_indices = @transform_6, window_bounds = array<i64: 128, 128>}, {pipeline_mode = #tpu.pipeline_mode<synchronous>, transform_indices = @transform_7, window_bounds = array<i64: 128, 128>}, {pipeline_mode = #tpu.pipeline_mode<synchronous>, transform_indices = @transform_8, window_bounds = array<i64: 1, 128>}, {pipeline_mode = #tpu.pipeline_mode<synchronous>, transform_indices = @transform_9, window_bounds = array<i64: 128, 128>}, {pipeline_mode = #tpu.pipeline_mode<synchronous>, transform_indices = @transform_10, window_bounds = array<i64: 1, 128>}, {pipeline_mode = #tpu.pipeline_mode<synchronous>, transform_indices = @transform_11, window_bounds = array<i64: 128, 128>}, {pipeline_mode = #tpu.pipeline_mode<synchronous>, transform_indices = @transform_12, window_bounds = array<i64: 128, 128>}, {pipeline_mode = #tpu.pipeline_mode<synchronous>, transform_indices = @transform_13, window_bounds = array<i64: 1, 128>}, {transform_indices = @transform_14, window_bounds = array<i64: 2000, 128>}, {transform_indices = @transform_15, window_bounds = array<i64: 2000, 16>}, {transform_indices = @transform_16, window_bounds = array<i64: 2000, 128>}, {transform_indices = @transform_17, window_bounds = array<i64: 2000, 128>}]} {
    %get3A = arith.constant 0 : index
    %get3A_0 = arith.constant 0 : index
    %get3A_1 = vector.load %arg1[%get3A, %get3A_0] : memref<2000x128xf32, #tpu.memory_space<vmem>>, vector<2000x128xf32>
    %get3A_2 = arith.constant 0 : index
    %get3A_3 = arith.constant 0 : index
    %get3A_4 = vector.load %arg3[%get3A_2, %get3A_3] : memref<2000x128xf32, #tpu.memory_space<vmem>>, vector<2000x128xf32>
    %get3A_5 = arith.constant 0 : index
    %get3A_6 = arith.constant 0 : index
    %get3A_7 = vector.load %arg4[%get3A_5, %get3A_6] : memref<2000x128xf32, #tpu.memory_space<vmem>>, vector<2000x128xf32>
    %add3A = arith.addf %get3A_4, %get3A_7 : vector<2000x128xf32>
    %get3A_8 = arith.constant 0 : index
    %get3A_9 = arith.constant 0 : index
    %get3A_10 = vector.load %arg5[%get3A_8, %get3A_9] : memref<2000x16xf32, #tpu.memory_space<vmem>>, vector<2000x16xf32>
    %get3A_11 = arith.constant 0 : index
    %get3A_12 = arith.constant 0 : index
    %get3A_13 = vector.load %arg6[%get3A_11, %get3A_12] : memref<2000x16xf32, #tpu.memory_space<vmem>>, vector<2000x16xf32>
    %add3A_14 = arith.addf %get3A_10, %get3A_13 : vector<2000x16xf32>
    %iota3A = tpu.iota {dimensions = array<i32: 1>} : vector<2000x16xi32>
    %lt3A = arith.constant 3 : i32
    %lt3A_15 = vector.broadcast %lt3A : i32 to vector<2000x16xi32>
    %lt3A_16 = arith.cmpi slt, %iota3A, %lt3A_15 : vector<2000x16xi32>
    %jit3A = arith.constant 0.000000e+00 : f32
    %broadcast_in_dim3A = vector.broadcast %jit3A : f32 to vector<2000x16xf32>
    %select_n3A = arith.select %lt3A_16, %add3A_14, %broadcast_in_dim3A : vector<2000x16xi1>, vector<2000x16xf32>
    %get3A_17 = arith.constant 0 : index
    %get3A_18 = arith.constant 0 : index
    %get3A_19 = vector.load %arg7[%get3A_17, %get3A_18] : memref<128x128xf32, #tpu.memory_space<vmem>>, vector<128x128xf32>
    %dot_general3A = arith.constant dense<0.000000e+00> : vector<2000x128xf32>
    %dot_general3A_20 = tpu.matmul %get3A_1, %get3A_19, %dot_general3A {dimension_numbers = #tpu.dot_dimension_numbers<[1], [0], [0], [1], [0, 0, 1, 1], [], []>, transpose_lhs_hint = false} : vector<2000x128xf32>, vector<128x128xf32>, vector<2000x128xf32> -> vector<2000x128xf32>
    %get3A_21 = arith.constant 0 : index
    %get3A_22 = arith.constant 0 : index
    %get3A_23 = vector.load %arg8[%get3A_21, %get3A_22] : memref<128x128xf32, #tpu.memory_space<vmem>>, vector<128x128xf32>
    %dot_general3A_24 = arith.constant dense<0.000000e+00> : vector<2000x128xf32>
    %dot_general3A_25 = tpu.matmul %add3A, %get3A_23, %dot_general3A_24 {dimension_numbers = #tpu.dot_dimension_numbers<[1], [0], [0], [1], [0, 0, 1, 1], [], []>, transpose_lhs_hint = false} : vector<2000x128xf32>, vector<128x128xf32>, vector<2000x128xf32> -> vector<2000x128xf32>
    %add3A_26 = arith.addf %dot_general3A_20, %dot_general3A_25 : vector<2000x128xf32>
    %get3A_27 = arith.constant 0 : index
    %get3A_28 = arith.constant 0 : index
    %get3A_29 = vector.load %arg9[%get3A_27, %get3A_28] : memref<1x128xf32, #tpu.memory_space<vmem>>, vector<1x128xf32>
    %add3A_30 = vector.broadcast %get3A_29 : vector<1x128xf32> to vector<2000x128xf32>
    %add3A_31 = arith.addf %add3A_26, %add3A_30 : vector<2000x128xf32>
    %logistic3A = arith.negf %add3A_31 : vector<2000x128xf32>
    %logistic3A_32 = math.exp %logistic3A : vector<2000x128xf32>
    %logistic3A_33 = arith.constant 1.000000e+00 : f32
    %logistic3A_34 = vector.broadcast %logistic3A_33 : f32 to vector<2000x128xf32>
    %logistic3A_35 = arith.addf %logistic3A_34, %logistic3A_32 : vector<2000x128xf32>
    %logistic3A_36 = arith.divf %logistic3A_34, %logistic3A_35 : vector<2000x128xf32>
    %mul3A = arith.mulf %add3A_31, %logistic3A_36 : vector<2000x128xf32>
    %get3A_37 = arith.constant 0 : index
    %get3A_38 = arith.constant 0 : index
    %get3A_39 = vector.load %arg10[%get3A_37, %get3A_38] : memref<128x128xf32, #tpu.memory_space<vmem>>, vector<128x128xf32>
    %dot_general3A_40 = arith.constant dense<0.000000e+00> : vector<2000x128xf32>
    %dot_general3A_41 = tpu.matmul %mul3A, %get3A_39, %dot_general3A_40 {dimension_numbers = #tpu.dot_dimension_numbers<[1], [0], [0], [1], [0, 0, 1, 1], [], []>, transpose_lhs_hint = false} : vector<2000x128xf32>, vector<128x128xf32>, vector<2000x128xf32> -> vector<2000x128xf32>
    %add3A_42 = arith.addf %get3A_1, %dot_general3A_41 : vector<2000x128xf32>
    %get3A_43 = arith.constant 0 : index
    %get3A_44 = arith.constant 0 : index
    %get3A_45 = vector.load %arg11[%get3A_43, %get3A_44] : memref<1x128xf32, #tpu.memory_space<vmem>>, vector<1x128xf32>
    %add3A_46 = vector.broadcast %get3A_45 : vector<1x128xf32> to vector<2000x128xf32>
    %add3A_47 = arith.addf %add3A_42, %add3A_46 : vector<2000x128xf32>
    %swap3A = arith.constant 0 : index
    %swap3A_48 = arith.constant 0 : index
    %swap3A_49 = vector.load %arg15[%swap3A, %swap3A_48] : memref<2000x128xf32, #tpu.memory_space<vmem>>, vector<2000x128xf32>
    tpu.vector_store %arg15[%swap3A, %swap3A_48], %add3A_47 {strides = array<i32>} : memref<2000x128xf32, #tpu.memory_space<vmem>>, vector<2000x128xf32>,
    %get3A_50 = arith.constant 0 : index
    %get3A_51 = arith.constant 0 : index
    %get3A_52 = vector.load %arg2[%get3A_50, %get3A_51] : memref<2000x16xf32, #tpu.memory_space<vmem>>, vector<2000x16xf32>
    %add3A_53 = arith.addf %get3A_52, %select_n3A : vector<2000x16xf32>
    %swap3A_54 = arith.constant 0 : index
    %swap3A_55 = arith.constant 0 : index
    %swap3A_56 = vector.load %arg16[%swap3A_54, %swap3A_55] : memref<2000x16xf32, #tpu.memory_space<vmem>>, vector<2000x16xf32>
    tpu.vector_store %arg16[%swap3A_54, %swap3A_55], %add3A_53 {strides = array<i32>} : memref<2000x16xf32, #tpu.memory_space<vmem>>, vector<2000x16xf32>,
    %get3A_57 = arith.constant 0 : index
    %get3A_58 = arith.constant 0 : index
    %get3A_59 = vector.load %arg12[%get3A_57, %get3A_58] : memref<128x128xf32, #tpu.memory_space<vmem>>, vector<128x128xf32>
    %dot_general3A_60 = arith.constant dense<0.000000e+00> : vector<2000x128xf32>
    %dot_general3A_61 = tpu.matmul %add3A_47, %get3A_59, %dot_general3A_60 {dimension_numbers = #tpu.dot_dimension_numbers<[1], [0], [0], [1], [0, 0, 1, 1], [], []>, transpose_lhs_hint = false} : vector<2000x128xf32>, vector<128x128xf32>, vector<2000x128xf32> -> vector<2000x128xf32>
    %get3A_62 = arith.constant 0 : index
    %get3A_63 = arith.constant 0 : index
    %get3A_64 = vector.load %arg14[%get3A_62, %get3A_63] : memref<1x128xf32, #tpu.memory_space<vmem>>, vector<1x128xf32>
    %add3A_65 = vector.broadcast %get3A_64 : vector<1x128xf32> to vector<2000x128xf32>
    %add3A_66 = arith.addf %dot_general3A_61, %add3A_65 : vector<2000x128xf32>
    %swap3A_67 = arith.constant 0 : index
    %swap3A_68 = arith.constant 0 : index
    %swap3A_69 = vector.load %arg17[%swap3A_67, %swap3A_68] : memref<2000x128xf32, #tpu.memory_space<vmem>>, vector<2000x128xf32>
    tpu.vector_store %arg17[%swap3A_67, %swap3A_68], %add3A_66 {strides = array<i32>} : memref<2000x128xf32, #tpu.memory_space<vmem>>, vector<2000x128xf32>,
    %get3A_70 = arith.constant 0 : index
    %get3A_71 = arith.constant 0 : index
    %get3A_72 = vector.load %arg13[%get3A_70, %get3A_71] : memref<128x128xf32, #tpu.memory_space<vmem>>, vector<128x128xf32>
    %dot_general3A_73 = arith.constant dense<0.000000e+00> : vector<2000x128xf32>
    %dot_general3A_74 = tpu.matmul %add3A_47, %get3A_72, %dot_general3A_73 {dimension_numbers = #tpu.dot_dimension_numbers<[1], [0], [0], [1], [0, 0, 1, 1], [], []>, transpose_lhs_hint = false} : vector<2000x128xf32>, vector<128x128xf32>, vector<2000x128xf32> -> vector<2000x128xf32>
    %swap3A_75 = arith.constant 0 : index
    %swap3A_76 = arith.constant 0 : index
    %swap3A_77 = vector.load %arg18[%swap3A_75, %swap3A_76] : memref<2000x128xf32, #tpu.memory_space<vmem>>, vector<2000x128xf32>
    tpu.vector_store %arg18[%swap3A_75, %swap3A_76], %dot_general3A_74 {strides = array<i32>} : memref<2000x128xf32, #tpu.memory_space<vmem>>, vector<2000x128xf32>,
    return
  }
  func.func @transform_0(%arg0: i32) -> (i32, i32) {
    %c0_i32 = arith.constant 0 : i32
    %c0_i32_0 = arith.constant 0 : i32
    return %arg0, %c0_i32 : i32, i32
  }
  func.func @transform_1(%arg0: i32) -> (i32, i32) {
    %c0_i32 = arith.constant 0 : i32
    %c0_i32_0 = arith.constant 0 : i32
    return %arg0, %c0_i32 : i32, i32
  }
  func.func @transform_2(%arg0: i32) -> (i32, i32) {
    %c0_i32 = arith.constant 0 : i32
    %c0_i32_0 = arith.constant 0 : i32
    return %arg0, %c0_i32 : i32, i32
  }
  func.func @transform_3(%arg0: i32) -> (i32, i32) {
    %add3A = arith.constant 5 : i32
    %add3A_0 = arith.addi %arg0, %add3A : i32
    %c0_i32 = arith.constant 0 : i32
    %c0_i32_1 = arith.constant 0 : i32
    return %add3A_0, %c0_i32 : i32, i32
  }
  func.func @transform_4(%arg0: i32) -> (i32, i32) {
    %c0_i32 = arith.constant 0 : i32
    %c0_i32_0 = arith.constant 0 : i32
    return %arg0, %c0_i32 : i32, i32
  }
  func.func @transform_5(%arg0: i32) -> (i32, i32) {
    %add3A = arith.constant 5 : i32
    %add3A_0 = arith.addi %arg0, %add3A : i32
    %c0_i32 = arith.constant 0 : i32
    %c0_i32_1 = arith.constant 0 : i32
    return %add3A_0, %c0_i32 : i32, i32
  }
  func.func @transform_6(%arg0: i32) -> (i32, i32) {
    %c0_i32 = arith.constant 0 : i32
    %c0_i32_0 = arith.constant 0 : i32
    %c0_i32_1 = arith.constant 0 : i32
    return %c0_i32, %c0_i32_0 : i32, i32
  }
  func.func @transform_7(%arg0: i32) -> (i32, i32) {
    %c0_i32 = arith.constant 0 : i32
    %c0_i32_0 = arith.constant 0 : i32
    %c0_i32_1 = arith.constant 0 : i32
    return %c0_i32, %c0_i32_0 : i32, i32
  }
  func.func @transform_8(%arg0: i32) -> (i32, i32) {
    %c0_i32 = arith.constant 0 : i32
    %c0_i32_0 = arith.constant 0 : i32
    %c0_i32_1 = arith.constant 0 : i32
    return %c0_i32, %c0_i32_0 : i32, i32
  }
  func.func @transform_9(%arg0: i32) -> (i32, i32) {
    %c0_i32 = arith.constant 0 : i32
    %c0_i32_0 = arith.constant 0 : i32
    %c0_i32_1 = arith.constant 0 : i32
    return %c0_i32, %c0_i32_0 : i32, i32
  }
  func.func @transform_10(%arg0: i32) -> (i32, i32) {
    %c0_i32 = arith.constant 0 : i32
    %c0_i32_0 = arith.constant 0 : i32
    %c0_i32_1 = arith.constant 0 : i32
    return %c0_i32, %c0_i32_0 : i32, i32
  }
  func.func @transform_11(%arg0: i32) -> (i32, i32) {
    %c0_i32 = arith.constant 0 : i32
    %c0_i32_0 = arith.constant 0 : i32
    %c0_i32_1 = arith.constant 0 : i32
    return %c0_i32, %c0_i32_0 : i32, i32
  }
  func.func @transform_12(%arg0: i32) -> (i32, i32) {
    %c0_i32 = arith.constant 0 : i32
    %c0_i32_0 = arith.constant 0 : i32
    %c0_i32_1 = arith.constant 0 : i32
    return %c0_i32, %c0_i32_0 : i32, i32
  }
  func.func @transform_13(%arg0: i32) -> (i32, i32) {
    %c0_i32 = arith.constant 0 : i32
    %c0_i32_0 = arith.constant 0 : i32
    %c0_i32_1 = arith.constant 0 : i32
    return %c0_i32, %c0_i32_0 : i32, i32
  }
  func.func @transform_14(%arg0: i32) -> (i32, i32) {
    %c0_i32 = arith.constant 0 : i32
    %c0_i32_0 = arith.constant 0 : i32
    return %arg0, %c0_i32 : i32, i32
  }
  func.func @transform_15(%arg0: i32) -> (i32, i32) {
    %c0_i32 = arith.constant 0 : i32
    %c0_i32_0 = arith.constant 0 : i32
    return %arg0, %c0_i32 : i32, i32
  }
  func.func @transform_16(%arg0: i32) -> (i32, i32) {
    %c0_i32 = arith.constant 0 : i32
    %c0_i32_0 = arith.constant 0 : i32
    return %arg0, %c0_i32 : i32, i32
  }
  func.func @transform_17(%arg0: i32) -> (i32, i32) {
    %c0_i32 = arith.constant 0 : i32
    %c0_i32_0 = arith.constant 0 : i32
    return %arg0, %c0_i32 : i32, i32
  }
}

module attributes {stable_mosaic.version = 14 : i64} {
  func.func @_tc_node_body(%arg0: i32, %arg1: memref<2000x128xf32, #tpu.memory_space<vmem>>, %arg2: memref<2000x16xf32, #tpu.memory_space<vmem>>, %arg3: memref<2000x128xf32, #tpu.memory_space<vmem>>, %arg4: memref<2000x128xf32, #tpu.memory_space<vmem>>, %arg5: memref<2000x16xf32, #tpu.memory_space<vmem>>, %arg6: memref<2000x16xf32, #tpu.memory_space<vmem>>, %arg7: memref<128x128xf32, #tpu.memory_space<vmem>>, %arg8: memref<128x128xf32, #tpu.memory_space<vmem>>, %arg9: memref<1x128xf32, #tpu.memory_space<vmem>>, %arg10: memref<128x128xf32, #tpu.memory_space<vmem>>, %arg11: memref<1x128xf32, #tpu.memory_space<vmem>>, %arg12: memref<128x128xf32, #tpu.memory_space<vmem>>, %arg13: memref<128x128xf32, #tpu.memory_space<vmem>>, %arg14: memref<1x128xf32, #tpu.memory_space<vmem>>, %arg15: memref<2000x128xf32, #tpu.memory_space<vmem>>, %arg16: memref<2000x16xf32, #tpu.memory_space<vmem>>, %arg17: memref<2000x128xf32, #tpu.memory_space<vmem>>, %arg18: memref<2000x128xf32, #tpu.memory_space<vmem>>) attributes {dimension_semantics = [#tpu.dimension_semantics<arbitrary>], iteration_bounds = array<i64: 5>, scalar_prefetch = 0 : i64, scratch_operands = 0 : i64, tpu.core_type = #tpu.core_type<tc>, window_params = [{transform_indices = @transform_0, window_bounds = array<i64: 2000, 128>}, {transform_indices = @transform_1, window_bounds = array<i64: 2000, 16>}, {transform_indices = @transform_2, window_bounds = array<i64: 2000, 128>}, {transform_indices = @transform_3, window_bounds = array<i64: 2000, 128>}, {transform_indices = @transform_4, window_bounds = array<i64: 2000, 16>}, {transform_indices = @transform_5, window_bounds = array<i64: 2000, 16>}, {pipeline_mode = #tpu.pipeline_mode<synchronous>, transform_indices = @transform_6, window_bounds = array<i64: 128, 128>}, {pipeline_mode = #tpu.pipeline_mode<synchronous>, transform_indices = @transform_7, window_bounds = array<i64: 128, 128>}, {pipeline_mode = #tpu.pipeline_mode<synchronous>, transform_indices = @transform_8, window_bounds = array<i64: 1, 128>}, {pipeline_mode = #tpu.pipeline_mode<synchronous>, transform_indices = @transform_9, window_bounds = array<i64: 128, 128>}, {pipeline_mode = #tpu.pipeline_mode<synchronous>, transform_indices = @transform_10, window_bounds = array<i64: 1, 128>}, {pipeline_mode = #tpu.pipeline_mode<synchronous>, transform_indices = @transform_11, window_bounds = array<i64: 128, 128>}, {pipeline_mode = #tpu.pipeline_mode<synchronous>, transform_indices = @transform_12, window_bounds = array<i64: 128, 128>}, {pipeline_mode = #tpu.pipeline_mode<synchronous>, transform_indices = @transform_13, window_bounds = array<i64: 1, 128>}, {transform_indices = @transform_14, window_bounds = array<i64: 2000, 128>}, {transform_indices = @transform_15, window_bounds = array<i64: 2000, 16>}, {transform_indices = @transform_16, window_bounds = array<i64: 2000, 128>}, {transform_indices = @transform_17, window_bounds = array<i64: 2000, 128>}]} {
    %get3A = arith.constant 0 : index
    %get3A_0 = arith.constant 0 : index
    %get3A_1 = vector.load %arg1[%get3A, %get3A_0] : memref<2000x128xf32, #tpu.memory_space<vmem>>, vector<2000x128xf32>
    %get3A_2 = arith.constant 0 : index
    %get3A_3 = arith.constant 0 : index
    %get3A_4 = vector.load %arg3[%get3A_2, %get3A_3] : memref<2000x128xf32, #tpu.memory_space<vmem>>, vector<2000x128xf32>
    %get3A_5 = arith.constant 0 : index
    %get3A_6 = arith.constant 0 : index
    %get3A_7 = vector.load %arg4[%get3A_5, %get3A_6] : memref<2000x128xf32, #tpu.memory_space<vmem>>, vector<2000x128xf32>
    %add3A = arith.addf %get3A_4, %get3A_7 : vector<2000x128xf32>
    %get3A_8 = arith.constant 0 : index
    %get3A_9 = arith.constant 0 : index
    %get3A_10 = vector.load %arg5[%get3A_8, %get3A_9] : memref<2000x16xf32, #tpu.memory_space<vmem>>, vector<2000x16xf32>
    %get3A_11 = arith.constant 0 : index
    %get3A_12 = arith.constant 0 : index
    %get3A_13 = vector.load %arg6[%get3A_11, %get3A_12] : memref<2000x16xf32, #tpu.memory_space<vmem>>, vector<2000x16xf32>
    %add3A_14 = arith.addf %get3A_10, %get3A_13 : vector<2000x16xf32>
    %iota3A = tpu.iota {dimensions = array<i32: 1>} : vector<2000x16xi32>
    %lt3A = arith.constant 3 : i32
    %lt3A_15 = vector.broadcast %lt3A : i32 to vector<2000x16xi32>
    %lt3A_16 = arith.cmpi slt, %iota3A, %lt3A_15 : vector<2000x16xi32>
    %jit3A = arith.constant 0.000000e+00 : f32
    %broadcast_in_dim3A = vector.broadcast %jit3A : f32 to vector<2000x16xf32>
    %select_n3A = arith.select %lt3A_16, %add3A_14, %broadcast_in_dim3A : vector<2000x16xi1>, vector<2000x16xf32>
    %get3A_17 = arith.constant 0 : index
    %get3A_18 = arith.constant 0 : index
    %get3A_19 = vector.load %arg7[%get3A_17, %get3A_18] : memref<128x128xf32, #tpu.memory_space<vmem>>, vector<128x128xf32>
    %dot_general3A = arith.constant dense<0.000000e+00> : vector<2000x128xf32>
    %dot_general3A_20 = tpu.matmul %get3A_1, %get3A_19, %dot_general3A {dimension_numbers = #tpu.dot_dimension_numbers<[1], [0], [0], [1], [0, 0, 1, 1], [], []>, transpose_lhs_hint = false} : vector<2000x128xf32>, vector<128x128xf32>, vector<2000x128xf32> -> vector<2000x128xf32>
    %get3A_21 = arith.constant 0 : index
    %get3A_22 = arith.constant 0 : index
    %get3A_23 = vector.load %arg8[%get3A_21, %get3A_22] : memref<128x128xf32, #tpu.memory_space<vmem>>, vector<128x128xf32>
    %dot_general3A_24 = arith.constant dense<0.000000e+00> : vector<2000x128xf32>
    %dot_general3A_25 = tpu.matmul %add3A, %get3A_23, %dot_general3A_24 {dimension_numbers = #tpu.dot_dimension_numbers<[1], [0], [0], [1], [0, 0, 1, 1], [], []>, transpose_lhs_hint = false} : vector<2000x128xf32>, vector<128x128xf32>, vector<2000x128xf32> -> vector<2000x128xf32>
    %add3A_26 = arith.addf %dot_general3A_20, %dot_general3A_25 : vector<2000x128xf32>
    %get3A_27 = arith.constant 0 : index
    %get3A_28 = arith.constant 0 : index
    %get3A_29 = vector.load %arg9[%get3A_27, %get3A_28] : memref<1x128xf32, #tpu.memory_space<vmem>>, vector<1x128xf32>
    %add3A_30 = vector.broadcast %get3A_29 : vector<1x128xf32> to vector<2000x128xf32>
    %add3A_31 = arith.addf %add3A_26, %add3A_30 : vector<2000x128xf32>
    %logistic3A = arith.negf %add3A_31 : vector<2000x128xf32>
    %logistic3A_32 = math.exp %logistic3A : vector<2000x128xf32>
    %logistic3A_33 = arith.constant 1.000000e+00 : f32
    %logistic3A_34 = vector.broadcast %logistic3A_33 : f32 to vector<2000x128xf32>
    %logistic3A_35 = arith.addf %logistic3A_34, %logistic3A_32 : vector<2000x128xf32>
    %logistic3A_36 = arith.divf %logistic3A_34, %logistic3A_35 : vector<2000x128xf32>
    %mul3A = arith.mulf %add3A_31, %logistic3A_36 : vector<2000x128xf32>
    %get3A_37 = arith.constant 0 : index
    %get3A_38 = arith.constant 0 : index
    %get3A_39 = vector.load %arg10[%get3A_37, %get3A_38] : memref<128x128xf32, #tpu.memory_space<vmem>>, vector<128x128xf32>
    %dot_general3A_40 = arith.constant dense<0.000000e+00> : vector<2000x128xf32>
    %dot_general3A_41 = tpu.matmul %mul3A, %get3A_39, %dot_general3A_40 {dimension_numbers = #tpu.dot_dimension_numbers<[1], [0], [0], [1], [0, 0, 1, 1], [], []>, transpose_lhs_hint = false} : vector<2000x128xf32>, vector<128x128xf32>, vector<2000x128xf32> -> vector<2000x128xf32>
    %add3A_42 = arith.addf %get3A_1, %dot_general3A_41 : vector<2000x128xf32>
    %get3A_43 = arith.constant 0 : index
    %get3A_44 = arith.constant 0 : index
    %get3A_45 = vector.load %arg11[%get3A_43, %get3A_44] : memref<1x128xf32, #tpu.memory_space<vmem>>, vector<1x128xf32>
    %add3A_46 = vector.broadcast %get3A_45 : vector<1x128xf32> to vector<2000x128xf32>
    %add3A_47 = arith.addf %add3A_42, %add3A_46 : vector<2000x128xf32>
    %swap3A = arith.constant 0 : index
    %swap3A_48 = arith.constant 0 : index
    %swap3A_49 = vector.load %arg15[%swap3A, %swap3A_48] : memref<2000x128xf32, #tpu.memory_space<vmem>>, vector<2000x128xf32>
    tpu.vector_store %arg15[%swap3A, %swap3A_48], %add3A_47 {strides = array<i32>} : memref<2000x128xf32, #tpu.memory_space<vmem>>, vector<2000x128xf32>,
    %get3A_50 = arith.constant 0 : index
    %get3A_51 = arith.constant 0 : index
    %get3A_52 = vector.load %arg2[%get3A_50, %get3A_51] : memref<2000x16xf32, #tpu.memory_space<vmem>>, vector<2000x16xf32>
    %add3A_53 = arith.addf %get3A_52, %select_n3A : vector<2000x16xf32>
    %swap3A_54 = arith.constant 0 : index
    %swap3A_55 = arith.constant 0 : index
    %swap3A_56 = vector.load %arg16[%swap3A_54, %swap3A_55] : memref<2000x16xf32, #tpu.memory_space<vmem>>, vector<2000x16xf32>
    tpu.vector_store %arg16[%swap3A_54, %swap3A_55], %add3A_53 {strides = array<i32>} : memref<2000x16xf32, #tpu.memory_space<vmem>>, vector<2000x16xf32>,
    %get3A_57 = arith.constant 0 : index
    %get3A_58 = arith.constant 0 : index
    %get3A_59 = vector.load %arg12[%get3A_57, %get3A_58] : memref<128x128xf32, #tpu.memory_space<vmem>>, vector<128x128xf32>
    %dot_general3A_60 = arith.constant dense<0.000000e+00> : vector<2000x128xf32>
    %dot_general3A_61 = tpu.matmul %add3A_47, %get3A_59, %dot_general3A_60 {dimension_numbers = #tpu.dot_dimension_numbers<[1], [0], [0], [1], [0, 0, 1, 1], [], []>, transpose_lhs_hint = false} : vector<2000x128xf32>, vector<128x128xf32>, vector<2000x128xf32> -> vector<2000x128xf32>
    %get3A_62 = arith.constant 0 : index
    %get3A_63 = arith.constant 0 : index
    %get3A_64 = vector.load %arg14[%get3A_62, %get3A_63] : memref<1x128xf32, #tpu.memory_space<vmem>>, vector<1x128xf32>
    %add3A_65 = vector.broadcast %get3A_64 : vector<1x128xf32> to vector<2000x128xf32>
    %add3A_66 = arith.addf %dot_general3A_61, %add3A_65 : vector<2000x128xf32>
    %swap3A_67 = arith.constant 0 : index
    %swap3A_68 = arith.constant 0 : index
    %swap3A_69 = vector.load %arg17[%swap3A_67, %swap3A_68] : memref<2000x128xf32, #tpu.memory_space<vmem>>, vector<2000x128xf32>
    tpu.vector_store %arg17[%swap3A_67, %swap3A_68], %add3A_66 {strides = array<i32>} : memref<2000x128xf32, #tpu.memory_space<vmem>>, vector<2000x128xf32>,
    %get3A_70 = arith.constant 0 : index
    %get3A_71 = arith.constant 0 : index
    %get3A_72 = vector.load %arg13[%get3A_70, %get3A_71] : memref<128x128xf32, #tpu.memory_space<vmem>>, vector<128x128xf32>
    %dot_general3A_73 = arith.constant dense<0.000000e+00> : vector<2000x128xf32>
    %dot_general3A_74 = tpu.matmul %add3A_47, %get3A_72, %dot_general3A_73 {dimension_numbers = #tpu.dot_dimension_numbers<[1], [0], [0], [1], [0, 0, 1, 1], [], []>, transpose_lhs_hint = false} : vector<2000x128xf32>, vector<128x128xf32>, vector<2000x128xf32> -> vector<2000x128xf32>
    %swap3A_75 = arith.constant 0 : index
    %swap3A_76 = arith.constant 0 : index
    %swap3A_77 = vector.load %arg18[%swap3A_75, %swap3A_76] : memref<2000x128xf32, #tpu.memory_space<vmem>>, vector<2000x128xf32>
    tpu.vector_store %arg18[%swap3A_75, %swap3A_76], %dot_general3A_74 {strides = array<i32>} : memref<2000x128xf32, #tpu.memory_space<vmem>>, vector<2000x128xf32>,
    return
  }
  func.func @transform_0(%arg0: i32) -> (i32, i32) {
    %c0_i32 = arith.constant 0 : i32
    %c0_i32_0 = arith.constant 0 : i32
    return %arg0, %c0_i32 : i32, i32
  }
  func.func @transform_1(%arg0: i32) -> (i32, i32) {
    %c0_i32 = arith.constant 0 : i32
    %c0_i32_0 = arith.constant 0 : i32
    return %arg0, %c0_i32 : i32, i32
  }
  func.func @transform_2(%arg0: i32) -> (i32, i32) {
    %c0_i32 = arith.constant 0 : i32
    %c0_i32_0 = arith.constant 0 : i32
    return %arg0, %c0_i32 : i32, i32
  }
  func.func @transform_3(%arg0: i32) -> (i32, i32) {
    %add3A = arith.constant 5 : i32
    %add3A_0 = arith.addi %arg0, %add3A : i32
    %c0_i32 = arith.constant 0 : i32
    %c0_i32_1 = arith.constant 0 : i32
    return %add3A_0, %c0_i32 : i32, i32
  }
  func.func @transform_4(%arg0: i32) -> (i32, i32) {
    %c0_i32 = arith.constant 0 : i32
    %c0_i32_0 = arith.constant 0 : i32
    return %arg0, %c0_i32 : i32, i32
  }
  func.func @transform_5(%arg0: i32) -> (i32, i32) {
    %add3A = arith.constant 5 : i32
    %add3A_0 = arith.addi %arg0, %add3A : i32
    %c0_i32 = arith.constant 0 : i32
    %c0_i32_1 = arith.constant 0 : i32
    return %add3A_0, %c0_i32 : i32, i32
  }
  func.func @transform_6(%arg0: i32) -> (i32, i32) {
    %c0_i32 = arith.constant 0 : i32
    %c0_i32_0 = arith.constant 0 : i32
    %c0_i32_1 = arith.constant 0 : i32
    return %c0_i32, %c0_i32_0 : i32, i32
  }
  func.func @transform_7(%arg0: i32) -> (i32, i32) {
    %c0_i32 = arith.constant 0 : i32
    %c0_i32_0 = arith.constant 0 : i32
    %c0_i32_1 = arith.constant 0 : i32
    return %c0_i32, %c0_i32_0 : i32, i32
  }
  func.func @transform_8(%arg0: i32) -> (i32, i32) {
    %c0_i32 = arith.constant 0 : i32
    %c0_i32_0 = arith.constant 0 : i32
    %c0_i32_1 = arith.constant 0 : i32
    return %c0_i32, %c0_i32_0 : i32, i32
  }
  func.func @transform_9(%arg0: i32) -> (i32, i32) {
    %c0_i32 = arith.constant 0 : i32
    %c0_i32_0 = arith.constant 0 : i32
    %c0_i32_1 = arith.constant 0 : i32
    return %c0_i32, %c0_i32_0 : i32, i32
  }
  func.func @transform_10(%arg0: i32) -> (i32, i32) {
    %c0_i32 = arith.constant 0 : i32
    %c0_i32_0 = arith.constant 0 : i32
    %c0_i32_1 = arith.constant 0 : i32
    return %c0_i32, %c0_i32_0 : i32, i32
  }
  func.func @transform_11(%arg0: i32) -> (i32, i32) {
    %c0_i32 = arith.constant 0 : i32
    %c0_i32_0 = arith.constant 0 : i32
    %c0_i32_1 = arith.constant 0 : i32
    return %c0_i32, %c0_i32_0 : i32, i32
  }
  func.func @transform_12(%arg0: i32) -> (i32, i32) {
    %c0_i32 = arith.constant 0 : i32
    %c0_i32_0 = arith.constant 0 : i32
    %c0_i32_1 = arith.constant 0 : i32
    return %c0_i32, %c0_i32_0 : i32, i32
  }
  func.func @transform_13(%arg0: i32) -> (i32, i32) {
    %c0_i32 = arith.constant 0 : i32
    %c0_i32_0 = arith.constant 0 : i32
    %c0_i32_1 = arith.constant 0 : i32
    return %c0_i32, %c0_i32_0 : i32, i32
  }
  func.func @transform_14(%arg0: i32) -> (i32, i32) {
    %c0_i32 = arith.constant 0 : i32
    %c0_i32_0 = arith.constant 0 : i32
    return %arg0, %c0_i32 : i32, i32
  }
  func.func @transform_15(%arg0: i32) -> (i32, i32) {
    %c0_i32 = arith.constant 0 : i32
    %c0_i32_0 = arith.constant 0 : i32
    return %arg0, %c0_i32 : i32, i32
  }
  func.func @transform_16(%arg0: i32) -> (i32, i32) {
    %c0_i32 = arith.constant 0 : i32
    %c0_i32_0 = arith.constant 0 : i32
    return %arg0, %c0_i32 : i32, i32
  }
  func.func @transform_17(%arg0: i32) -> (i32, i32) {
    %c0_i32 = arith.constant 0 : i32
    %c0_i32_0 = arith.constant 0 : i32
    return %arg0, %c0_i32 : i32, i32
  }
}

</mosaic_0001>

<sc_bundles>
// kernel: kernel.11.cloned.1.call-start
scs
__scs_entry_jumppad:
0x0: {  	(pc) =	sbr.rel $0x88, $3  }
0x1: {  	(tag) =	ssettag $0x0;
	lr =	simm.s32 $0x1  }
0x2: {  	[smem:$0x3F80] =	sst lr;
	_ =	strace $0xD0000000  }
0x3: {  	_ = 	snop  }
0x4: {  	_ = 	snop  }
0x5: {  	_ = 	snop  }
0x6: {  	_ = 	snop  }
0x7: {  	_ = 	snop  }
__scs_overlays_trampoline_lowered:
0x8: {  	[smem:$0x3F8F] =	sst s0  }
0x9: {  	[smem:$0x3F90] =	sst s1  }
0xa: {  	[smem:$0x3F91] =	sst s2  }
0xb: {  	[smem:$0x3F92] =	sst s3  }
0xc: {  	[smem:$0x3F93] =	sst s4  }
0xd: {  	[smem:$0x3F94] =	sst s5  }
0xe: {  	[smem:$0x3F95] =	sst s6  }
0xf: {  	[smem:$0x3F96] =	sst s7  }
0x10: {  	[smem:$0x3F97] =	sst s8  }
0x11: {  	[smem:$0x3F98] =	sst s9;
	s0 =	simm.s32 @!p0 $0x0  }
0x12: {  	s1 =	sld [smem:$0x3F7E];
	s0 =	simm.s32 @p0 $0x1  }
0x13: {  	[smem:$0x3F99] =	sst s0;
	s0 =	simm.s32 @!p1 $0x0  }
0x14: {  	s2 =	sld [smem:$0x3F7D];
	s0 =	simm.s32 @p1 $0x1  }
0x15: {  	[smem:$0x3F9A] =	sst s0;
	s0 =	simm.s32 @!p2 $0x0  }
0x16: {  	s3 =	sld [smem:$0x3FDB];
	s0 =	simm.s32 @p2 $0x1  }
0x17: {  	s4 =	simm.s32 $0x1BF5;
	[smem:$0x3F9C] =	sst s0  }
0x18: {  	s0 =	sld [smem:$0x3F7F];
	_ =	swait.ge [sflag:s4], $0x0  }
0x19: {  	s7 =	sld [smem:$0x3F80]  }
0x1a: {  	s8 =	sadd.s32 $0xFFFFE003, lr  }
0x1b: {  	s9 =	sadd.s32 $0xFFFFFEF7, lr;
	s5 =	simm.s32 $0xFFFFFFFF;
	p2 =	slt.u32 s8, $0xFFFFF086  }
0x1c: {  	p1 =	slt.u32 s9, $0xF7A;
	s5 =	simm.s32 @!p2 $0x0  }
0x1d: {  	s5 =	simm.s32 @p1 $0x1;
	p0 =	seq.s32 s7, s2  }
0x1e: {  	s7 =	smul.u32 @!p0 $0xF7A, s2;
	p2 =	seq.s32 @!p0 s5, $0x0  }
0x1f: {  	s9 =	smul.u32 $0xF7A, s1;
	s8 =	simm.s32 @!p0 $0x1BF5;
	p2 =	por !p2, p0  }
0x20: {  	[sflag:s8] =	ssyncset.s32 @!p0 $0xFFFFF086;
	s6 =	sadd.s32 @!p0 s3, s7;
	s7 =	simm.s32 @!p0 $0x108  }
0x21: {  	s3 =	sadd.s32 s3, s9;
	s6 =	sadd.s32 @!p0 $0x88, s6;
	s7 =	simm.s32 @p2 $0x1082  }
0x22: {  	[simem:s7], [sflag:s8] =	dma.local @!p0 [hbm:s6], $0xF7A  }
0x23: {  	s9 =	sor.u32 $0xD0000000, s2;
	s6 =	simm.s32 $0x108;
	_ =	swait.ge @!p0 [sflag:s8], $0x0  }
0x24: {  	s3 =	sadd.s32 $0x88, s3;
	s6 =	simm.s32 @!p1 $0x1082;
	[sflag:s4] =	ssyncset.s32 $0xFFFFF086  }
0x25: {  	[simem:s6], [sflag:s4] =	dma.local [hbm:s3], $0xF7A  }
0x26: {  	[smem:$0x3F80] =	sst s1;
	(tag) =	ssettag s2;
	_ =	strace s9  }
0x27: {  	s1 =	sld [smem:$0x3F90]  }
0x28: {  	s2 =	sld [smem:$0x3F91]  }
0x29: {  	s4 =	sld [smem:$0x3F93]  }
0x2a: {  	p0 =	seq.s32 s5, $0x0;
	s5 =	sld [smem:$0x3F94]  }
0x2b: {  	s6 =	sld [smem:$0x3F95]  }
0x2c: {  	s7 =	sld [smem:$0x3F96]  }
0x2d: {  	s3 =	simm.s32 $0x108;
	s8 =	sld [smem:$0x3F97]  }
0x2e: {  	s3 =	simm.s32 @!p0 $0x1082;
	s9 =	sld [smem:$0x3F98]  }
0x2f: {  	lr =	sadd.s32 s0, s3;
	s0 =	sld [smem:$0x3F8F]  }
0x30: {  	s3 =	sld [smem:$0x3F92]  }
0x31: {  	[smem:$0x3F9B] =	sst s10  }
0x32: {  	s10 =	sld [smem:$0x3F99];
	_ =	sdelay $0x3  }
0x33: {  	p0 =	seq.s32 s10, $0x1;
	s10 =	sld [smem:$0x3F9B];
	_ =	sdelay $0x3  }
0x34: {  	[smem:$0x3F9B] =	sst s10  }
0x35: {  	s10 =	sld [smem:$0x3F9A];
	_ =	sdelay $0x3  }
0x36: {  	p1 =	seq.s32 s10, $0x1;
	s10 =	sld [smem:$0x3F9B];
	_ =	sdelay $0x3  }
0x37: {  	[smem:$0x3F9B] =	sst s10  }
0x38: {  	s10 =	sld [smem:$0x3F9C]  }
0x39: {  	_ = 	snop;
	(pc) =	sbr.ind lr, $3  }
0x3a: {  	_ = 	snop  }
0x3b: {  	_ = 	snop  }
0x3c: {  	p2 =	seq.s32 s10, $0x1;
	s10 =	sld [smem:$0x3F9B]  }
0x3d: {  	_ =	shalt  }
0x3e: {  	_ =	shalt  }
0x3f: {  	_ =	shalt  }
0x40: {  	_ =	shalt  }
0x41: {  	_ =	shalt  }
0x42: {  	_ =	shalt  }
0x43: {  	_ =	shalt  }
0x44: {  	_ =	shalt  }
0x45: {  	_ =	shalt  }
0x46: {  	_ =	shalt  }
0x47: {  	_ =	shalt  }
0x48: {  	_ =	shalt  }
0x49: {  	_ =	shalt  }
0x4a: {  	_ =	shalt  }
0x4b: {  	_ =	shalt  }
0x4c: {  	_ =	shalt  }
0x4d: {  	_ =	shalt  }
0x4e: {  	_ =	shalt  }
0x4f: {  	_ =	shalt  }
0x50: {  	_ =	shalt  }
0x51: {  	_ =	shalt  }
0x52: {  	_ =	shalt  }
0x53: {  	_ =	shalt  }
0x54: {  	_ =	shalt  }
0x55: {  	_ =	shalt  }
0x56: {  	_ =	shalt  }
0x57: {  	_ =	shalt  }
0x58: {  	_ =	shalt  }
0x59: {  	_ =	shalt  }
0x5a: {  	_ =	shalt  }
0x5b: {  	_ =	shalt  }
0x5c: {  	_ =	shalt  }
0x5d: {  	_ =	shalt  }
0x5e: {  	_ =	shalt  }
0x5f: {  	_ =	shalt  }
0x60: {  	_ =	shalt  }
0x61: {  	_ =	shalt  }
0x62: {  	_ =	shalt  }
0x63: {  	_ =	shalt  }
0x64: {  	_ =	shalt  }
0x65: {  	_ =	shalt  }
0x66: {  	_ =	shalt  }
0x67: {  	_ =	shalt  }
0x68: {  	_ =	shalt  }
0x69: {  	_ =	shalt  }
0x6a: {  	_ =	shalt  }
0x6b: {  	_ =	shalt  }
0x6c: {  	_ =	shalt  }
0x6d: {  	_ =	shalt  }
0x6e: {  	_ =	shalt  }
0x6f: {  	_ =	shalt  }
0x70: {  	_ =	shalt  }
0x71: {  	_ =	shalt  }
0x72: {  	_ =	shalt  }
0x73: {  	_ =	shalt  }
0x74: {  	_ =	shalt  }
0x75: {  	_ =	shalt  }
0x76: {  	_ =	shalt  }
0x77: {  	_ =	shalt  }
0x78: {  	_ =	shalt  }
0x79: {  	_ =	shalt  }
0x7a: {  	_ =	shalt  }
0x7b: {  	_ =	shalt  }
0x7c: {  	_ =	shalt  }
0x7d: {  	_ =	shalt  }
0x7e: {  	_ =	shalt  }
0x7f: {  	_ =	shalt  }
0x80: {  	_ =	shalt  }
0x81: {  	_ =	shalt  }
0x82: {  	_ =	shalt  }
0x83: {  	_ =	shalt  }
0x84: {  	_ =	shalt  }
0x85: {  	_ =	shalt  }
0x86: {  	_ =	shalt  }
0x87: {  	_ =	shalt  }
.Lfunc_end0:
.L_simem_size_0:
called_computation_lowered:
.L_overlay_start_0:
0x88: {  	s2 =	sld [smem:$0x3FD9]  }
0x89: {  	s3 =	sld [smem:$0x3FFE];
	_ =	sdelay $0x1  }
0x8a: {  	s1 =	srdreg.scid  }
0x8b: {  	s0 =	sand.u32 $0x1, s1  }
0x8c: {  	s16 =	sshll.u32 s0, $0xA;
	s2 =	sadd.s32 s3, s2  }
0x8d: {  	s2 =	sadd.s32 s2, s16  }
0x8e: {  	[smem:$0x3FA7] =	sst s2  }
0x8f: {  	_ = 	snop  }
0x90: {  	(tm) =	ssettm $0x1  }
0x91: {  	s17 =	sld [smem:$0x3FFB];
	_ =	sdelay $0x3  }
0x92: {  	_ =	strace s17  }
0x93: {  	s2 =	sld [smem:$0x3FFC];
	_ =	sdelay $0x3  }
0x94: {  	_ =	strace s2  }
0x95: {  	s2 =	sld [smem:$0x3FFD];
	_ =	sdelay $0x3  }
0x96: {  	_ =	strace s2  }
0x97: {  	_ =	strace $0x8FFFFFFF  }
0x98: {  	s18 =	sld [smem:$0x3FDB];
	_ =	sdelay $0x1  }
0x99: {  	s19 =	simm.s32 $_scs_section_size  }
0x9a: {  	s4 =	simm.s32 $_size__tile_overlayer_lowered;
	s5 =	simm.s32 $_tile_overlayer_lowered  }
0x9b: {  	s22 =	simm.s32 $0x1BFF;
	s21 =	sshll.u32 s5, $0x1;
	s2 =	sadd.s32 s19, s18  }
0x9c: {  	s6 =	simm.s32 $0x0;
	s20 =	sshll.u32 s4, $0x1;
	s4 =	sadd.s32 s21, s2  }
0x9d: {  	[timem:s6], [sflag:s22] =	dma.local [hbm:s4], s20  }
0x9e: {  	_ =	swait.ge [sflag:s22], s20  }
0x9f: {  	s3 =	ssub.s32 $0x0, s20;
	[sflag:s22] =	ssyncset.done $0x0  }
0xa0: {  	[sflag:s22] =	ssyncadd.s32 s3;
	_ =	sdelay $0x1  }
0xa1: {  	s23 =	simm.s32 $0x1B8B  }
0xa2: {  	_ =	swait.ge [sflag:s23], $0x1  }
0xa3: {  	[sflag:s23] =	ssyncset.done $0x0  }
0xa4: {  	s25 =	simm.s32 $0x1B8E;
	s24 =	sld [smem:$0x3FFE];
	[sflag:s23] =	ssyncadd.s32 $0xFFFFFFFF  }
0xa5: {  	s26 =	simm.s32 $execute0_lowered;
	[smem:$0x3FD2] =	sst s25  }
0xa6: {  	s4 =	sshll.u32 s26, $0x1;
	_ =	strace $0x80000046;
	[dreg:$0x1] =	wrdreg $0xFFFFFFFF  }
0xa7: {  	s28 =	simm.s32 $_size_execute0_lowered;
	s2 =	sadd.s32 s2, s4;
	[dreg:$0x0] =	wrdreg $0x0  }
0xa8: {  	s4 =	sshll.u32 s28, $0x1;
	[dreg:$0x2] =	wrdreg s2  }
0xa9: {  	[dreg:$0x3] =	wrdreg s4  }
0xaa: {  	[dreg:$0x4] =	wrdreg $0xC0  }
0xab: {  	_ =	task [dreg:s6], $0x5FFFF  }
0xac: {  	[dreg:$0x1] =	wrdreg $0xFFFFFFFF  }
0xad: {  	[dreg:$0x0] =	wrdreg $0x60  }
0xae: {  	[dreg:$0x2] =	wrdreg s24  }
0xaf: {  	[dreg:$0x3] =	wrdreg $0x9  }
0xb0: {  	_ =	task.clear_ibuf [dreg:s6], $0x4FFFF;
	_ =	strace $0x90000046  }
0xb1: {  	s29 =	simm.s32 $0x9;
	_ =	strace $0x80000048  }
0xb2: {  	_ =	swait.ge [sflag:s29], $0x1  }
0xb3: {  	[sflag:s29] =	ssyncadd.s32 $0xFFFFFFFF  }
0xb4: {  	_ =	strace $0x90000048  }
0xb5: {  	_ =	sfence  }
0xb6: {  	s30 =	sld [smem:$0x0];
	_ =	sdelay $0x2  }
0xb7: {  	s31 =	sshll.u32 s1, $0xD;
	s1 =	sshrl.u32 s1, $0x2  }
0xb8: {  	s3 =	sand.u32 $0x4000, s31;
	s1 =	sadd.s32 s1, s30  }
0xb9: {  	s0 =	sor.u32 s3, s0;
	s1 =	sshll.u32 s1, $0x11  }
0xba: {  	s0 =	sor.u32 s1, s0  }
0xbb: {  	s0 =	sadd.s32 $0x8F2B, s0  }
0xbc: {  	[sflag:s0] =	ssyncadd.remote.s32 $0x1  }
0xbd: {  	_ =	sfence.sel $0xFFFF  }
0xbe: {  	[dreg:$0x0] =	wrdreg $0xFFFFFFFF;
	(pc) =	sbr.abs _section_cstart, $3  }
0xbf: {  	[dreg:$0x1] =	wrdreg $0xFFFFFFFF  }
0xc0: {  	_ =	task.clear_ibuf [dreg:s6], $0x2FFFF;
	_ =	strace $0x9FFFFFFF  }
0xc1: {  	(tm) =	ssettm $0x7FFFFFFF  }
tec
execute0_lowered:
.L_overlay_start_1:
0x0: {  	(tag) =	ssettag $0x1  }
0x1: {  	s0 =	rddreg [dreg:$0x0]  }
0x2: {  	s1 =	simm.s32 $0x0;
	s4 =	srdreg.scid;
	s9 =	stileid.u32  }
0x3: {  	s13 =	simm.s32 $0x80;
	s14 =	simm.s32 $0x50;
	s15 =	simm.s32 $0x200  }
0x4: {  	s17 =	simm.s32 $0x100;
	s18 =	simm.s32 $0x180;
	s19 =	simm.s32 $0x1  }
0x5: {  	s20 =	simm.s32 $0x2;
	s21 =	simm.s32 $0x3;
	s22 =	simm.s32 $0x4  }
0x6: {  	s23 =	simm.s32 $0xA200;
	[smem:$0x7FF] =	sst s1;
	s2 =	sadd.s32 $0x49800, s0  }
0x7: {  	s3 =	sadd.s32 $0x70A00, s0;
	s5 =	sadd.s32 $0x2F400, s0;
	s4 =	sand.u32 $0x1, s4  }
0x8: {  	s6 =	sadd.s32 $0x34400, s0;
	s7 =	sadd.s32 $0x3E200, s0;
	s10 =	ssub.s32 $0x2, s4  }
0x9: {  	s8 =	sadd.s32 $0x97C00, s0;
	s12 =	sshll.u32 s9, $0x1;
	s11 =	sshrl.u32 s10, $0x1  }
0xa: {  	s9 =	sadd.s32 $0x579C00, s0;
	_ =	strace $0x80000047;
	s31 =	ssub.s32 s10, s11  }
0xb: {  	s4 =	sor.u32 s4, s12;
	s12 =	simm.s32 $0x5;
	s0 =	smax.u32 s31, $0x1  }
0xc: {  	v0 =	vlaneseq.u32;
	s10 =	smul.u32 $0x2710, s4;
	s4 =	simm.s32 $0x0;
	[dreg:$0x2] =	wrdreg s0  }
.LBB2_1:
0xd: {  	[dreg:$0x3] =	wrdreg s4;
	s25 =	simm.s32 $0x0  }
.LBB2_2:
0xe: {  	s0 =	smul.u32 $0x50, s25;
	_ =	sdelay $0x1  }
0xf: {  	s26 =	sadd.s32 s10, s0  }
0x10: {  	s4 =	sshrl.u32 s26, $0x3  }
0x11: {  	s0 =	simm.s32 $0x0;
	s11 =	sadd.s32 s6, s4  }
0x12: {  	[tilespmem:s0], [sflag:$0x5] =	stream.linear.gather [hbm4b:s11+s0], $0x50, $0x38;
	[tilespmem:$0xCA00] =	vst v63  }
0x13: {  	_ =	swait.ge [sflag:s12], $0x50  }
0x14: {  	[sflag:s12] =	ssyncset.done $0x0  }
0x15: {  	s4 =	sadd.s32 s7, s4;
	[sflag:s12] =	ssyncadd.s32 $0xFFFFFFB0  }
0x16: {  	[tilespmem:s13], [sflag:$0x5] =	stream.linear.gather [hbm4b:s4+s0], $0x50, $0x38;
	[tilespmem:$0xCA00] =	vst v63  }
0x17: {  	_ =	swait.ge [sflag:s12], $0x50  }
0x18: {  	[sflag:s12] =	ssyncset.done $0x0  }
0x19: {  	[sflag:s12] =	ssyncadd.s32 $0xFFFFFFB0  }
0x1a: {  	v1 =	vld [tilespmem:$0x0]  }
0x1b: {  	v2 =	vld [tilespmem:$0x80]  }
0x1c: {  	v3 =	vld [tilespmem:$0x10]  }
0x1d: {  	v4 =	vld [tilespmem:$0x90]  }
0x1e: {  	v5 =	vld [tilespmem:$0x20]  }
0x1f: {  	v6 =	vld [tilespmem:$0xA0];
	v1 =	vshrl.u32 v1, $0x3  }
0x20: {  	[tilespmem:$0x100] =	vst v1;
	v1 =	vshrl.u32 v2, $0x3;
	v2 =	vld [tilespmem:$0x30]  }
0x21: {  	[tilespmem:$0x180] =	vst v1;
	v1 =	vshrl.u32 v3, $0x3;
	v3 =	vld [tilespmem:$0xB0]  }
0x22: {  	v62 =	vld [tilespmem:$0x40];
	[tilespmem:$0x110] =	vst v1;
	v1 =	vshrl.u32 v4, $0x3  }
0x23: {  	v63 =	vld [tilespmem:$0xC0];
	[tilespmem:$0x190] =	vst v1;
	v1 =	vshrl.u32 v5, $0x3  }
0x24: {  	[tilespmem:$0x120] =	vst v1;
	v1 =	vshrl.u32 v6, $0x3  }
0x25: {  	[tilespmem:$0x1A0] =	vst v1;
	v1 =	vshrl.u32 v2, $0x3  }
0x26: {  	[tilespmem:$0x130] =	vst v1;
	v1 =	vshrl.u32 v3, $0x3  }
0x27: {  	[tilespmem:$0x1B0] =	vst v1;
	v1 =	vshrl.u32 v62, $0x3  }
0x28: {  	[tilespmem:$0x140] =	vst v1;
	v1 =	vshrl.u32 v63, $0x3  }
0x29: {  	[tilespmem:$0x1C0] =	vst v1  }
0x2a: {  	[tilespmem:s15], [sflag:$0x1] =	stream.indirect.gather [hbm4b:s2+s14], $0x80, s13, s14, $0xb8;
	[tilespmem:$0xCA00] =	vst v63  }
0x2b: {  	s16 =	simm.s32 $0x2A00  }
0x2c: {  	[tilespmem:s16], [sflag:$0x2] =	stream.indirect.gather [hbm4b:s3+s14], $0x80, s0, s14, $0xb8;
	[tilespmem:$0xCA00] =	vst v63  }
0x2d: {  	s28 =	simm.s32 $0x5200  }
0x2e: {  	[tilespmem:s28], [sflag:$0x3] =	stream.indirect.gather [hbm4b:s5+s14], $0x80, s17, s14, $0xb8;
	[tilespmem:$0xCA00] =	vst v63  }
0x2f: {  	s29 =	simm.s32 $0x7A00  }
0x30: {  	[tilespmem:s29], [sflag:$0x4] =	stream.indirect.gather [hbm4b:s5+s14], $0x80, s18, s14, $0xb8;
	[tilespmem:$0xCA00] =	vst v63  }
0x31: {  	_ =	swait.ge [sflag:s19], $0x2800  }
0x32: {  	[sflag:s19] =	ssyncset.done $0x0  }
0x33: {  	[sflag:s19] =	ssyncadd.s32 $0xFFFFD800  }
0x34: {  	_ =	swait.ge [sflag:s20], $0x2800  }
0x35: {  	[sflag:s20] =	ssyncset.done $0x0  }
0x36: {  	[sflag:s20] =	ssyncadd.s32 $0xFFFFD800  }
0x37: {  	_ =	swait.ge [sflag:s21], $0x2800  }
0x38: {  	[sflag:s21] =	ssyncset.done $0x0  }
0x39: {  	[sflag:s21] =	ssyncadd.s32 $0xFFFFD800  }
0x3a: {  	_ =	swait.ge [sflag:s22], $0x2800  }
0x3b: {  	[sflag:s22] =	ssyncset.done $0x0  }
0x3c: {  	s24 =	simm.s32 $0x240;
	[sflag:s22] =	ssyncadd.s32 $0xFFFFD800  }
0x3d: {  	s16 =	simm.s32 $0x2A40;
	v1 =	vld [tilespmem:s24+$0xFFFFFFC0]  }
0x3e: {  	v2 =	vld [tilespmem:s16+$0xFFFFFFC0];
	_ =	sdelay $0x4  }
0x3f: {  	v1 =	vadd.f32 v2, v1;
	_ =	sdelay $0x1  }
0x40: {  	[tilespmem:s24+$0xFFFFFFC0] =	vst v1;
	v1 =	vld [tilespmem:s24+$0xFFFFFFD0]  }
0x41: {  	v2 =	vld [tilespmem:s16+$0xFFFFFFD0];
	_ =	sdelay $0x4  }
0x42: {  	v1 =	vadd.f32 v2, v1;
	_ =	sdelay $0x1  }
0x43: {  	[tilespmem:s24+$0xFFFFFFD0] =	vst v1;
	v1 =	vld [tilespmem:s24+$0xFFFFFFE0]  }
0x44: {  	v2 =	vld [tilespmem:s16+$0xFFFFFFE0];
	_ =	sdelay $0x4  }
0x45: {  	v1 =	vadd.f32 v2, v1;
	_ =	sdelay $0x1  }
0x46: {  	[tilespmem:s24+$0xFFFFFFE0] =	vst v1;
	v1 =	vld [tilespmem:s24+$0xFFFFFFF0]  }
0x47: {  	v2 =	vld [tilespmem:s16+$0xFFFFFFF0];
	_ =	sdelay $0x4  }
0x48: {  	v1 =	vadd.f32 v2, v1;
	_ =	sdelay $0x1  }
0x49: {  	[tilespmem:s24+$0xFFFFFFF0] =	vst v1;
	v1 =	vld [tilespmem:s24+$0x0]  }
0x4a: {  	v2 =	vld [tilespmem:s16+$0x0];
	_ =	sdelay $0x4  }
0x4b: {  	v1 =	vadd.f32 v2, v1;
	_ =	sdelay $0x1  }
0x4c: {  	[tilespmem:s24+$0x0] =	vst v1;
	v1 =	vld [tilespmem:s24+$0x10]  }
0x4d: {  	v2 =	vld [tilespmem:s16+$0x10];
	_ =	sdelay $0x4  }
0x4e: {  	v1 =	vadd.f32 v2, v1;
	_ =	sdelay $0x1  }
0x4f: {  	[tilespmem:s24+$0x10] =	vst v1;
	v1 =	vld [tilespmem:s24+$0x20]  }
0x50: {  	v2 =	vld [tilespmem:s16+$0x20];
	_ =	sdelay $0x4  }
0x51: {  	v1 =	vadd.f32 v2, v1;
	_ =	sdelay $0x1  }
0x52: {  	[tilespmem:s24+$0x20] =	vst v1;
	v1 =	vld [tilespmem:s24+$0x30]  }
0x53: {  	v2 =	vld [tilespmem:s16+$0x30];
	_ =	sdelay $0x4  }
0x54: {  	v1 =	vadd.f32 v2, v1;
	_ =	sdelay $0x1  }
0x55: {  	[tilespmem:s24+$0x30] =	vst v1;
	s24 =	sand.u32 $0x70, s0  }
0x56: {  	v1 =	vld [tilespmem:s24+$0x0]  }
0x57: {  	v2 =	vld [tilespmem:s24+$0x80]  }
0x58: {  	s0 =	sand.u32 $0xF, s0  }
0x59: {  	v3 =	vmov s0  }
0x5a: {  	vm0 =	veq.s32 v3, v0  }
0x5b: {  	v1 =	vnsel vm0, $0x0, v1  }
0x5c: {  	v2 =	vnsel vm0, $0x0, v2;
	(xrf0) =	vadd.scan.msk.s32 $0xffff, v1  }
0x5d: {  	(xrf0) =	vadd.scan.msk.s32 $0xffff, v2;
	_ =	sdelay $0x4  }
0x5e: {  	v1, _, _ =	vpop (xrf0)  }
0x5f: {  	(v2sf) =	vpush v1, $0xF;
	v1, _, _ =	vpop (xrf0)  }
0x60: {  	(v2sf) =	vpush v1, $0xF;
	_ =	sdelay $0xd  }
0x61: {  	s11 =	spop (v2sf)  }
0x62: {  	s0 =	sand.u32 $0x7, s11;
	s16 =	spop (v2sf)  }
0x63: {  	s0 =	sshll.u32 s0, $0x4;
	s4 =	sand.u32 $0x7, s16  }
0x64: {  	s0 =	sadd.s32 $0x5200, s0;
	s4 =	sshll.u32 s4, $0x4  }
0x65: {  	v1 =	vld [tilespmem:s0+$0x0];
	s24 =	sadd.s32 $0x7A00, s4  }
0x66: {  	v2 =	vld [tilespmem:s24+$0x0];
	_ =	sdelay $0x3  }
0x67: {  	s30 =	simm.s32 $0xA200;
	s31 =	simm.s32 $0x1  }
0x68: {  	s11 =	simm.s32 $0x2C0;
	s0 =	simm.s32 $0x2AC0;
	s4 =	simm.s32 $0xA200;
	v1 =	vsub.f32 v1, v2  }
.LBB2_3:
0x69: {  	s29 =	sadd.s32 $0x80, s29  }
0x6a: {  	s28 =	sadd.s32 $0x80, s28;
	s30 =	sadd.s32 $0x80, s30;
	s24 =	smov.u32 s31  }
0x6b: {  	p0 =	sne.s32 s31, $0x4F;
	s31 =	sadd.s32 $0x1, s31;
	[tilespmem:s4+$0x0] =	vst v1;
	s4 =	smov.u32 s30  }
0x6c: {  	v1 =	vld [tilespmem:s11+$0xFFFFFFC0]  }
0x6d: {  	v2 =	vld [tilespmem:s0+$0xFFFFFFC0];
	_ =	sdelay $0x4  }
0x6e: {  	v1 =	vadd.f32 v2, v1;
	_ =	sdelay $0x1  }
0x6f: {  	[tilespmem:s11+$0xFFFFFFC0] =	vst v1;
	v1 =	vld [tilespmem:s11+$0xFFFFFFD0]  }
0x70: {  	v2 =	vld [tilespmem:s0+$0xFFFFFFD0];
	_ =	sdelay $0x4  }
0x71: {  	v1 =	vadd.f32 v2, v1;
	_ =	sdelay $0x1  }
0x72: {  	[tilespmem:s11+$0xFFFFFFD0] =	vst v1;
	v1 =	vld [tilespmem:s11+$0xFFFFFFE0]  }
0x73: {  	v2 =	vld [tilespmem:s0+$0xFFFFFFE0];
	_ =	sdelay $0x4  }
0x74: {  	v1 =	vadd.f32 v2, v1;
	_ =	sdelay $0x1  }
0x75: {  	[tilespmem:s11+$0xFFFFFFE0] =	vst v1;
	v1 =	vld [tilespmem:s11+$0xFFFFFFF0]  }
0x76: {  	v2 =	vld [tilespmem:s0+$0xFFFFFFF0];
	_ =	sdelay $0x4  }
0x77: {  	v1 =	vadd.f32 v2, v1;
	_ =	sdelay $0x1  }
0x78: {  	[tilespmem:s11+$0xFFFFFFF0] =	vst v1;
	v1 =	vld [tilespmem:s11+$0x0]  }
0x79: {  	v2 =	vld [tilespmem:s0+$0x0];
	_ =	sdelay $0x4  }
0x7a: {  	v1 =	vadd.f32 v2, v1;
	_ =	sdelay $0x1  }
0x7b: {  	[tilespmem:s11+$0x0] =	vst v1;
	v1 =	vld [tilespmem:s11+$0x10]  }
0x7c: {  	v2 =	vld [tilespmem:s0+$0x10];
	_ =	sdelay $0x4  }
0x7d: {  	v1 =	vadd.f32 v2, v1;
	_ =	sdelay $0x1  }
0x7e: {  	[tilespmem:s11+$0x10] =	vst v1;
	v1 =	vld [tilespmem:s11+$0x20]  }
0x7f: {  	v2 =	vld [tilespmem:s0+$0x20];
	_ =	sdelay $0x4  }
0x80: {  	v1 =	vadd.f32 v2, v1;
	_ =	sdelay $0x1  }
0x81: {  	[tilespmem:s11+$0x20] =	vst v1;
	v1 =	vld [tilespmem:s11+$0x30]  }
0x82: {  	v2 =	vld [tilespmem:s0+$0x30];
	_ =	sdelay $0x4  }
0x83: {  	v1 =	vadd.f32 v2, v1;
	_ =	sdelay $0x1  }
0x84: {  	s16 =	sand.u32 $0x70, s24;
	[tilespmem:s11+$0x30] =	vst v1  }
0x85: {  	v1 =	vld [tilespmem:s16+$0x0]  }
0x86: {  	v2 =	vld [tilespmem:s16+$0x80]  }
0x87: {  	s16 =	sand.u32 $0xF, s24  }
0x88: {  	v3 =	vmov s16  }
0x89: {  	vm0 =	veq.s32 v3, v0  }
0x8a: {  	v1 =	vnsel vm0, $0x0, v1  }
0x8b: {  	v2 =	vnsel vm0, $0x0, v2;
	(xrf0) =	vadd.scan.msk.s32 $0xffff, v1  }
0x8c: {  	(xrf0) =	vadd.scan.msk.s32 $0xffff, v2;
	_ =	sdelay $0x4  }
0x8d: {  	v1, _, _ =	vpop (xrf0)  }
0x8e: {  	(v2sf) =	vpush v1, $0xF;
	v1, _, _ =	vpop (xrf0)  }
0x8f: {  	(v2sf) =	vpush v1, $0xF;
	_ =	sdelay $0xd  }
0x90: {  	s16 =	spop (v2sf)  }
0x91: {  	s16 =	sand.u32 $0x7, s16;
	s24 =	spop (v2sf)  }
0x92: {  	s16 =	sshll.u32 s16, $0x4;
	s24 =	sand.u32 $0x7, s24  }
0x93: {  	s16 =	sadd.s32 s16, s28;
	s24 =	sshll.u32 s24, $0x4  }
0x94: {  	v1 =	vld [tilespmem:s16+$0x0];
	s16 =	sadd.s32 s24, s29  }
0x95: {  	v2 =	vld [tilespmem:s16+$0x0]  }
.Ltmp0:
0x96: {  	(pc) =	sbr.rel @p0 .LBB2_3-.Ltmp0, $2  }
0x97: {  	_ =	sdelay $0x2  }
0x98: {  	s0 =	sadd.s32 $0x80, s0;
	s11 =	sadd.s32 $0x80, s11;
	v1 =	vsub.f32 v1, v2  }
0x99: {  	s0 =	sshll.u32 s26, $0x4  }
0x9a: {  	[tilespmem:s4+$0x0] =	vst v1;
	s31 =	sadd.s32 s8, s0  }
0x9b: {  	[hbm4b:s31+s1] =	stream.linear.scatter [tilespmem:s15], [sflag:$0x5], $0x2800, $0x38;
	[tilespmem:$0xCA00] =	vst v63  }
0x9c: {  	s25 =	sadd.s32 $0x1, s25;
	_ =	swait.ge [sflag:s12], $0x2800  }
0x9d: {  	p0 =	sne.s32 s25, $0x7D;
	[sflag:s12] =	ssyncset.done $0x0  }
.Ltmp1:
0x9e: {  	s0 =	sadd.s32 s9, s0;
	[sflag:s12] =	ssyncadd.s32 $0xFFFFD800;
	(pc) =	sbr.rel @p0 .LBB2_2-.Ltmp1, $4  }
0x9f: {  	[hbm4b:s0+s1] =	stream.linear.scatter [tilespmem:s23], [sflag:$0x5], $0x2800, $0x38;
	[tilespmem:$0xCA00] =	vst v63  }
0xa0: {  	_ =	swait.ge [sflag:s12], $0x2800  }
0xa1: {  	[sflag:s12] =	ssyncset.done $0x0  }
0xa2: {  	[sflag:s12] =	ssyncadd.s32 $0xFFFFD800  }
0xa3: {  	s4 =	rddreg [dreg:$0x3]  }
0xa4: {  	s0 =	rddreg [dreg:$0x2];
	s4 =	sadd.s32 $0x1, s4  }
0xa5: {  	p0 =	sne.s32 s4, s0  }
.Ltmp2:
0xa6: {  	_ = 	snop;
	(pc) =	sbr.rel @p0 .LBB2_1-.Ltmp2, $1  }
0xa7: {  	_ =	sdelay $0x3  }
0xa8: {  	_ =	sfence.sel $0x180000  }
0xa9: {  	[bflag:$0x0] =	sbarrier.arrive $0xFFFF  }
0xaa: {  	_ =	strace $0x90000047  }
0xab: {  	s0 =	stileid.u32;
	[bflag:$0x2] =	sbarrier.arrive $0xFFFF  }
0xac: {  	p0 =	sne.s32 s0, $0x0;
	s0 =	rddreg [dreg:$0x1]  }
0xad: {  	s0 =	sadd.s32 @!p0 $0x100000, s0  }
0xae: {  	[sflag:s0] =	ssyncadd.tile.s32 @!p0 $0x1;
	_ =	shalt  }
.Lfunc_end2:
_tile_overlayer_lowered:
.L_overlay_start_2:
0xaf: {  	(tag) =	ssettag $0x2  }
0xb0: {  	s0 =	rddreg [dreg:$0x0];
	s2 =	stileid.u32  }
0xb1: {  	s1 =	rddreg [dreg:$0x1];
	p0 =	sne.s32 s2, $0x0  }
0xb2: {  	s3 =	rddreg [dreg:$0x2];
	[bflag:$0x3] =	sbarrier.arrive $0xFFFF;
	s2 =	simm.s32 @!p0 $0x1C05  }
0xb3: {  	[timem:s3], [sflag:s2] =	dma.local @!p0 [hbm:s0], s1  }
0xb4: {  	s0 =	simm.s32 @!p0 $0x5  }
0xb5: {  	_ =	swait.ge @!p0 [sflag:s0], s1  }
0xb6: {  	s1 =	ssub.s32 @!p0 $0x0, s1;
	[sflag:s0] =	ssyncset.done @!p0 $0x0  }
0xb7: {  	[sflag:s0] =	ssyncadd.s32 @!p0 s1  }
0xb8: {  	[bflag:$0x3] =	sbarrier.arrive $0xFFFF  }
0xb9: {  	_ =	shalt  }

// kernel: kernel.14.cloned.1.call-start
scs
__scs_entry_jumppad:
0x0: {  	(pc) =	sbr.rel $0x88, $3  }
0x1: {  	(tag) =	ssettag $0x0;
	lr =	simm.s32 $0x1  }
0x2: {  	[smem:$0x3F80] =	sst lr;
	_ =	strace $0xD0000000  }
0x3: {  	_ = 	snop  }
0x4: {  	_ = 	snop  }
0x5: {  	_ = 	snop  }
0x6: {  	_ = 	snop  }
0x7: {  	_ = 	snop  }
__scs_overlays_trampoline_lowered:
0x8: {  	[smem:$0x3F8F] =	sst s0  }
0x9: {  	[smem:$0x3F90] =	sst s1  }
0xa: {  	[smem:$0x3F91] =	sst s2  }
0xb: {  	[smem:$0x3F92] =	sst s3  }
0xc: {  	[smem:$0x3F93] =	sst s4  }
0xd: {  	[smem:$0x3F94] =	sst s5  }
0xe: {  	[smem:$0x3F95] =	sst s6  }
0xf: {  	[smem:$0x3F96] =	sst s7  }
0x10: {  	[smem:$0x3F97] =	sst s8  }
0x11: {  	[smem:$0x3F98] =	sst s9;
	s0 =	simm.s32 @!p0 $0x0  }
0x12: {  	s1 =	sld [smem:$0x3F7E];
	s0 =	simm.s32 @p0 $0x1  }
0x13: {  	[smem:$0x3F99] =	sst s0;
	s0 =	simm.s32 @!p1 $0x0  }
0x14: {  	s2 =	sld [smem:$0x3F7D];
	s0 =	simm.s32 @p1 $0x1  }
0x15: {  	[smem:$0x3F9A] =	sst s0;
	s0 =	simm.s32 @!p2 $0x0  }
0x16: {  	s3 =	sld [smem:$0x3FDB];
	s0 =	simm.s32 @p2 $0x1  }
0x17: {  	s4 =	simm.s32 $0x1BF5;
	[smem:$0x3F9C] =	sst s0  }
0x18: {  	s0 =	sld [smem:$0x3F7F];
	_ =	swait.ge [sflag:s4], $0x0  }
0x19: {  	s7 =	sld [smem:$0x3F80]  }
0x1a: {  	s8 =	sadd.s32 $0xFFFFE003, lr  }
0x1b: {  	s9 =	sadd.s32 $0xFFFFFEF7, lr;
	s5 =	simm.s32 $0xFFFFFFFF;
	p2 =	slt.u32 s8, $0xFFFFF086  }
0x1c: {  	p1 =	slt.u32 s9, $0xF7A;
	s5 =	simm.s32 @!p2 $0x0  }
0x1d: {  	s5 =	simm.s32 @p1 $0x1;
	p0 =	seq.s32 s7, s2  }
0x1e: {  	s7 =	smul.u32 @!p0 $0xF7A, s2;
	p2 =	seq.s32 @!p0 s5, $0x0  }
0x1f: {  	s9 =	smul.u32 $0xF7A, s1;
	s8 =	simm.s32 @!p0 $0x1BF5;
	p2 =	por !p2, p0  }
0x20: {  	[sflag:s8] =	ssyncset.s32 @!p0 $0xFFFFF086;
	s6 =	sadd.s32 @!p0 s3, s7;
	s7 =	simm.s32 @!p0 $0x108  }
0x21: {  	s3 =	sadd.s32 s3, s9;
	s6 =	sadd.s32 @!p0 $0x88, s6;
	s7 =	simm.s32 @p2 $0x1082  }
0x22: {  	[simem:s7], [sflag:s8] =	dma.local @!p0 [hbm:s6], $0xF7A  }
0x23: {  	s9 =	sor.u32 $0xD0000000, s2;
	s6 =	simm.s32 $0x108;
	_ =	swait.ge @!p0 [sflag:s8], $0x0  }
0x24: {  	s3 =	sadd.s32 $0x88, s3;
	s6 =	simm.s32 @!p1 $0x1082;
	[sflag:s4] =	ssyncset.s32 $0xFFFFF086  }
0x25: {  	[simem:s6], [sflag:s4] =	dma.local [hbm:s3], $0xF7A  }
0x26: {  	[smem:$0x3F80] =	sst s1;
	(tag) =	ssettag s2;
	_ =	strace s9  }
0x27: {  	s1 =	sld [smem:$0x3F90]  }
0x28: {  	s2 =	sld [smem:$0x3F91]  }
0x29: {  	s4 =	sld [smem:$0x3F93]  }
0x2a: {  	p0 =	seq.s32 s5, $0x0;
	s5 =	sld [smem:$0x3F94]  }
0x2b: {  	s6 =	sld [smem:$0x3F95]  }
0x2c: {  	s7 =	sld [smem:$0x3F96]  }
0x2d: {  	s3 =	simm.s32 $0x108;
	s8 =	sld [smem:$0x3F97]  }
0x2e: {  	s3 =	simm.s32 @!p0 $0x1082;
	s9 =	sld [smem:$0x3F98]  }
0x2f: {  	lr =	sadd.s32 s0, s3;
	s0 =	sld [smem:$0x3F8F]  }
0x30: {  	s3 =	sld [smem:$0x3F92]  }
0x31: {  	[smem:$0x3F9B] =	sst s10  }
0x32: {  	s10 =	sld [smem:$0x3F99];
	_ =	sdelay $0x3  }
0x33: {  	p0 =	seq.s32 s10, $0x1;
	s10 =	sld [smem:$0x3F9B];
	_ =	sdelay $0x3  }
0x34: {  	[smem:$0x3F9B] =	sst s10  }
0x35: {  	s10 =	sld [smem:$0x3F9A];
	_ =	sdelay $0x3  }
0x36: {  	p1 =	seq.s32 s10, $0x1;
	s10 =	sld [smem:$0x3F9B];
	_ =	sdelay $0x3  }
0x37: {  	[smem:$0x3F9B] =	sst s10  }
0x38: {  	s10 =	sld [smem:$0x3F9C]  }
0x39: {  	_ = 	snop;
	(pc) =	sbr.ind lr, $3  }
0x3a: {  	_ = 	snop  }
0x3b: {  	_ = 	snop  }
0x3c: {  	p2 =	seq.s32 s10, $0x1;
	s10 =	sld [smem:$0x3F9B]  }
0x3d: {  	_ =	shalt  }
0x3e: {  	_ =	shalt  }
0x3f: {  	_ =	shalt  }
0x40: {  	_ =	shalt  }
0x41: {  	_ =	shalt  }
0x42: {  	_ =	shalt  }
0x43: {  	_ =	shalt  }
0x44: {  	_ =	shalt  }
0x45: {  	_ =	shalt  }
0x46: {  	_ =	shalt  }
0x47: {  	_ =	shalt  }
0x48: {  	_ =	shalt  }
0x49: {  	_ =	shalt  }
0x4a: {  	_ =	shalt  }
0x4b: {  	_ =	shalt  }
0x4c: {  	_ =	shalt  }
0x4d: {  	_ =	shalt  }
0x4e: {  	_ =	shalt  }
0x4f: {  	_ =	shalt  }
0x50: {  	_ =	shalt  }
0x51: {  	_ =	shalt  }
0x52: {  	_ =	shalt  }
0x53: {  	_ =	shalt  }
0x54: {  	_ =	shalt  }
0x55: {  	_ =	shalt  }
0x56: {  	_ =	shalt  }
0x57: {  	_ =	shalt  }
0x58: {  	_ =	shalt  }
0x59: {  	_ =	shalt  }
0x5a: {  	_ =	shalt  }
0x5b: {  	_ =	shalt  }
0x5c: {  	_ =	shalt  }
0x5d: {  	_ =	shalt  }
0x5e: {  	_ =	shalt  }
0x5f: {  	_ =	shalt  }
0x60: {  	_ =	shalt  }
0x61: {  	_ =	shalt  }
0x62: {  	_ =	shalt  }
0x63: {  	_ =	shalt  }
0x64: {  	_ =	shalt  }
0x65: {  	_ =	shalt  }
0x66: {  	_ =	shalt  }
0x67: {  	_ =	shalt  }
0x68: {  	_ =	shalt  }
0x69: {  	_ =	shalt  }
0x6a: {  	_ =	shalt  }
0x6b: {  	_ =	shalt  }
0x6c: {  	_ =	shalt  }
0x6d: {  	_ =	shalt  }
0x6e: {  	_ =	shalt  }
0x6f: {  	_ =	shalt  }
0x70: {  	_ =	shalt  }
0x71: {  	_ =	shalt  }
0x72: {  	_ =	shalt  }
0x73: {  	_ =	shalt  }
0x74: {  	_ =	shalt  }
0x75: {  	_ =	shalt  }
0x76: {  	_ =	shalt  }
0x77: {  	_ =	shalt  }
0x78: {  	_ =	shalt  }
0x79: {  	_ =	shalt  }
0x7a: {  	_ =	shalt  }
0x7b: {  	_ =	shalt  }
0x7c: {  	_ =	shalt  }
0x7d: {  	_ =	shalt  }
0x7e: {  	_ =	shalt  }
0x7f: {  	_ =	shalt  }
0x80: {  	_ =	shalt  }
0x81: {  	_ =	shalt  }
0x82: {  	_ =	shalt  }
0x83: {  	_ =	shalt  }
0x84: {  	_ =	shalt  }
0x85: {  	_ =	shalt  }
0x86: {  	_ =	shalt  }
0x87: {  	_ =	shalt  }
.Lfunc_end0:
.L_simem_size_0:
called_computation.1_lowered:
.L_overlay_start_0:
0x88: {  	s2 =	sld [smem:$0x3FD9]  }
0x89: {  	s3 =	sld [smem:$0x3FFE];
	_ =	sdelay $0x1  }
0x8a: {  	s1 =	srdreg.scid  }
0x8b: {  	s0 =	sand.u32 $0x1, s1  }
0x8c: {  	s16 =	sshll.u32 s0, $0xA;
	s2 =	sadd.s32 s3, s2  }
0x8d: {  	s2 =	sadd.s32 s2, s16  }
0x8e: {  	[smem:$0x3FA7] =	sst s2  }
0x8f: {  	_ = 	snop  }
0x90: {  	(tm) =	ssettm $0x1  }
0x91: {  	s17 =	sld [smem:$0x3FFB];
	_ =	sdelay $0x3  }
0x92: {  	_ =	strace s17  }
0x93: {  	s2 =	sld [smem:$0x3FFC];
	_ =	sdelay $0x3  }
0x94: {  	_ =	strace s2  }
0x95: {  	s2 =	sld [smem:$0x3FFD];
	_ =	sdelay $0x3  }
0x96: {  	_ =	strace s2  }
0x97: {  	_ =	strace $0x8FFFFFFF  }
0x98: {  	s18 =	sld [smem:$0x3FDB];
	_ =	sdelay $0x1  }
0x99: {  	s19 =	simm.s32 $_scs_section_size  }
0x9a: {  	s4 =	simm.s32 $_size__tile_overlayer_lowered;
	s5 =	simm.s32 $_tile_overlayer_lowered  }
0x9b: {  	s22 =	simm.s32 $0x1BFF;
	s21 =	sshll.u32 s5, $0x1;
	s2 =	sadd.s32 s19, s18  }
0x9c: {  	s6 =	simm.s32 $0x0;
	s20 =	sshll.u32 s4, $0x1;
	s4 =	sadd.s32 s21, s2  }
0x9d: {  	[timem:s6], [sflag:s22] =	dma.local [hbm:s4], s20  }
0x9e: {  	_ =	swait.ge [sflag:s22], s20  }
0x9f: {  	s3 =	ssub.s32 $0x0, s20;
	[sflag:s22] =	ssyncset.done $0x0  }
0xa0: {  	[sflag:s22] =	ssyncadd.s32 s3;
	_ =	sdelay $0x1  }
0xa1: {  	s23 =	simm.s32 $0x1B8B  }
0xa2: {  	_ =	swait.ge [sflag:s23], $0x1  }
0xa3: {  	[sflag:s23] =	ssyncset.done $0x0  }
0xa4: {  	s25 =	simm.s32 $0x1B8E;
	s24 =	sld [smem:$0x3FFE];
	[sflag:s23] =	ssyncadd.s32 $0xFFFFFFFF  }
0xa5: {  	s26 =	simm.s32 $execute0_lowered;
	[smem:$0x3FD2] =	sst s25  }
0xa6: {  	s4 =	sshll.u32 s26, $0x1;
	_ =	strace $0x80000049;
	[dreg:$0x1] =	wrdreg $0xFFFFFFFF  }
0xa7: {  	s28 =	simm.s32 $_size_execute0_lowered;
	s2 =	sadd.s32 s2, s4;
	[dreg:$0x0] =	wrdreg $0x0  }
0xa8: {  	s4 =	sshll.u32 s28, $0x1;
	[dreg:$0x2] =	wrdreg s2  }
0xa9: {  	[dreg:$0x3] =	wrdreg s4  }
0xaa: {  	[dreg:$0x4] =	wrdreg $0xC0  }
0xab: {  	_ =	task [dreg:s6], $0x5FFFF  }
0xac: {  	[dreg:$0x1] =	wrdreg $0xFFFFFFFF  }
0xad: {  	[dreg:$0x0] =	wrdreg $0x60  }
0xae: {  	[dreg:$0x2] =	wrdreg s24  }
0xaf: {  	[dreg:$0x3] =	wrdreg $0x0  }
0xb0: {  	[dreg:$0x4] =	wrdreg $0x138800  }
0xb1: {  	[dreg:$0x5] =	wrdreg $0x9  }
0xb2: {  	_ =	task.clear_ibuf [dreg:s6], $0x6FFFF;
	_ =	strace $0x90000049  }
0xb3: {  	s29 =	simm.s32 $0x9;
	_ =	strace $0x8000004B  }
0xb4: {  	_ =	swait.ge [sflag:s29], $0x1  }
0xb5: {  	[sflag:s29] =	ssyncadd.s32 $0xFFFFFFFF  }
0xb6: {  	_ =	strace $0x9000004B  }
0xb7: {  	_ =	sfence  }
0xb8: {  	s30 =	sld [smem:$0x0];
	_ =	sdelay $0x2  }
0xb9: {  	s31 =	sshll.u32 s1, $0xD;
	s1 =	sshrl.u32 s1, $0x2  }
0xba: {  	s3 =	sand.u32 $0x4000, s31;
	s1 =	sadd.s32 s1, s30  }
0xbb: {  	s0 =	sor.u32 s3, s0;
	s1 =	sshll.u32 s1, $0x11  }
0xbc: {  	s0 =	sor.u32 s1, s0  }
0xbd: {  	s0 =	sadd.s32 $0x8F2B, s0  }
0xbe: {  	[sflag:s0] =	ssyncadd.remote.s32 $0x1  }
0xbf: {  	_ =	sfence.sel $0xFFFF  }
0xc0: {  	[dreg:$0x0] =	wrdreg $0xFFFFFFFF;
	(pc) =	sbr.abs _section_cstart, $3  }
0xc1: {  	[dreg:$0x1] =	wrdreg $0xFFFFFFFF  }
0xc2: {  	_ =	task.clear_ibuf [dreg:s6], $0x2FFFF;
	_ =	strace $0x9FFFFFFF  }
0xc3: {  	(tm) =	ssettm $0x7FFFFFFF  }
tec
execute0_lowered:
.L_overlay_start_1:
0x0: {  	(tag) =	ssettag $0x1  }
0x1: {  	s5 =	rddreg [dreg:$0x0]  }
0x2: {  	s2 =	rddreg [dreg:$0x1];
	s0 =	stileid.u32  }
0x3: {  	s1 =	srdreg.scid;
	s3 =	rddreg [dreg:$0x2];
	s4 =	simm.s32 $0x0  }
0x4: {  	s15 =	simm.s32 $0x50;
	s16 =	simm.s32 $0x16010;
	s17 =	simm.s32 $0x16090  }
0x5: {  	s18 =	simm.s32 $0x2;
	s19 =	simm.s32 $0x18890;
	s7 =	smul.u32 $0x4E20, s0  }
0x6: {  	s20 =	simm.s32 $0x15F90;
	s21 =	simm.s32 $0x1;
	s9 =	smul.u32 $0x4E200, s0  }
0x7: {  	s6 =	sand.u32 $0x1, s1;
	s1 =	rddreg [dreg:$0x3];
	s14 =	smul.u32 $0x500, s0  }
0x8: {  	s22 =	simm.s32 $0x0;
	[smem:$0x7FF] =	sst s4;
	s8 =	smul.u32 $0x2710, s6  }
0x9: {  	s30 =	ssub.s32 $0x8C, s0;
	s10 =	smul.u32 $0x27100, s6;
	s6 =	ssub.s32 $0x2, s6  }
0xa: {  	_ =	strace $0x8000004A;
	s11 =	sadd.s32 s9, s5;
	s28 =	sshrl.u32 s6, $0x1  }
0xb: {  	s7 =	sadd.s32 s8, s7;
	s13 =	sadd.s32 s10, s5;
	s29 =	ssub.s32 s6, s28  }
0xc: {  	s6 =	sshrl.u32 s30, $0x4;
	s10 =	sadd.s32 s10, s11;
	s7 =	sshrl.u32 s7, $0x3  }
0xd: {  	s31 =	sadd.s32 s9, s13;
	s9 =	sadd.s32 $0xF3E000, s10;
	s14 =	sadd.s32 s14, s13  }
0xe: {  	s12 =	sadd.s32 s7, s5;
	s5 =	smul.u32 $0x50, s0;
	s7 =	smax.u32 s29, $0x1  }
0xf: {  	s10 =	sadd.s32 $0x1420000, s31;
	s13 =	sadd.s32 $0x49800, s14;
	s14 =	sadd.s32 $0x97A00, s14  }
0x10: {  	v0 =	vimm.f32 $0.0e+00;
	v1 =	vlaneseq.u32;
	s11 =	sadd.s32 $0x3E200, s12;
	s12 =	smul.u32 $0x500, s6;
	s8 =	sadd.s32 $0x40, s5  }
.LBB2_1:
0x11: {  	s23 =	simm.s32 $0x0;
	s24 =	simm.s32 $0x200  }
.LBB2_2:
0x12: {  	p0 =	sne.s32 s24, $0x9E00;
	[tilespmem:s23+$0x18890] =	vst v0  }
0x13: {  	[tilespmem:s23+$0x16090] =	vst v0  }
0x14: {  	[tilespmem:s23+$0x160A0] =	vst v0  }
0x15: {  	[tilespmem:s23+$0x160B0] =	vst v0  }
.Ltmp0:
0x16: {  	[tilespmem:s23+$0x160C0] =	vst v0;
	(pc) =	sbr.rel @p0 .LBB2_2-.Ltmp0, $4  }
0x17: {  	[tilespmem:s23+$0x160D0] =	vst v0  }
0x18: {  	[tilespmem:s23+$0x160E0] =	vst v0  }
0x19: {  	[tilespmem:s23+$0x160F0] =	vst v0  }
0x1a: {  	[tilespmem:s23+$0x16100] =	vst v0;
	s23 =	sshra.s32 s24, $0x2;
	s24 =	sadd.s32 $0x200, s24  }
0x1b: {  	[tilespmem:s23+$0x18890] =	vst v0  }
0x1c: {  	[tilespmem:s23+$0x16090] =	vst v0  }
0x1d: {  	[tilespmem:s23+$0x160A0] =	vst v0  }
0x1e: {  	[tilespmem:s23+$0x160B0] =	vst v0  }
0x1f: {  	[tilespmem:s23+$0x160C0] =	vst v0  }
0x20: {  	[tilespmem:s23+$0x160D0] =	vst v0  }
0x21: {  	[tilespmem:s23+$0x160E0] =	vst v0  }
0x22: {  	[tilespmem:s23+$0x160F0] =	vst v0  }
0x23: {  	[tilespmem:s23+$0x16100] =	vst v0;
	s29 =	sadd.s32 $0xFFFFFFC0, s8;
	v2 =	vor.u32 s8, v1  }
0x24: {  	s30 =	sadd.s32 $0xFFFFFFF0, s8;
	v3 =	vor.u32 s29, v1;
	[tilespmem:$0x16050] =	vst v2  }
0x25: {  	s24 =	sadd.s32 $0xFFFFFFD0, s8;
	v2 =	vor.u32 s30, v1;
	[tilespmem:$0x16010] =	vst v3  }
0x26: {  	s31 =	sadd.s32 $0xFFFFFFE0, s8;
	v3 =	vor.u32 s24, v1;
	[tilespmem:$0x16040] =	vst v2  }
0x27: {  	v2 =	vor.u32 s31, v1;
	[tilespmem:$0x16020] =	vst v3  }
0x28: {  	p0 =	sne.s32 s6, $0x1;
	[tilespmem:$0x16030] =	vst v2  }
0x29: {  	[spmem:s2] =	stream.indirect.scatter [tilespmem:s17], [sflag:$0x2], $0x80, s16, s15, $0xb8;
	[tilespmem:$0x1B090] =	vst v63  }
.Ltmp1:
0x2a: {  	_ = 	snop;
	(pc) =	sbr.rel @!p0 .LBB2_5-.Ltmp1, $4  }
0x2b: {  	_ =	swait.ge [sflag:s18], $0x2800  }
0x2c: {  	[sflag:s18] =	ssyncset.done $0x0  }
0x2d: {  	s23 =	sadd.s32 $0xFFFFFFFF, s6;
	s24 =	smov.u32 s8;
	[sflag:s18] =	ssyncadd.s32 $0xFFFFD800  }
0x2e: {  	[spmem:s3] =	stream.indirect.scatter [tilespmem:s19], [sflag:$0x2], $0x10, s16, s15, $0xb8;
	[tilespmem:$0x1B090] =	vst v63  }
.LBB2_4:
0x2f: {  	p0 =	sne.s32 s23, $0x1;
	_ =	swait.ge [sflag:s18], $0x500;
	s24 =	sadd.s32 $0x500, s24  }
0x30: {  	s23 =	sadd.s32 $0xFFFFFFFF, s23;
	[sflag:s18] =	ssyncset.done $0x0  }
0x31: {  	s25 =	sadd.s32 $0xFFFFFFC0, s24;
	v2 =	vor.u32 s24, v1;
	[sflag:s18] =	ssyncadd.s32 $0xFFFFFB00  }
0x32: {  	s26 =	sadd.s32 $0xFFFFFFE0, s24;
	s28 =	sadd.s32 $0xFFFFFFF0, s24;
	v3 =	vor.u32 s25, v1;
	s25 =	sadd.s32 $0xFFFFFFD0, s24;
	[tilespmem:$0x16050] =	vst v2  }
0x33: {  	v4 =	vor.u32 s28, v1;
	v2 =	vor.u32 s25, v1;
	[tilespmem:$0x16010] =	vst v3;
	v3 =	vor.u32 s26, v1  }
0x34: {  	[tilespmem:$0x16040] =	vst v4  }
0x35: {  	[tilespmem:$0x16020] =	vst v2  }
0x36: {  	[tilespmem:$0x16030] =	vst v3  }
0x37: {  	[spmem:s2] =	stream.indirect.scatter [tilespmem:s17], [sflag:$0x2], $0x80, s16, s15, $0xb8;
	[tilespmem:$0x1B090] =	vst v63  }
.Ltmp2:
0x38: {  	_ = 	snop;
	(pc) =	sbr.rel @p0 .LBB2_4-.Ltmp2, $4  }
0x39: {  	_ =	swait.ge [sflag:s18], $0x2800  }
0x3a: {  	[sflag:s18] =	ssyncset.done $0x0  }
0x3b: {  	[sflag:s18] =	ssyncadd.s32 $0xFFFFD800  }
0x3c: {  	[spmem:s3] =	stream.indirect.scatter [tilespmem:s19], [sflag:$0x2], $0x10, s16, s15, $0xb8;
	[tilespmem:$0x1B090] =	vst v63  }
.LBB2_5:
0x3d: {  	_ =	swait.ge [sflag:s18], $0x500  }
0x3e: {  	[sflag:s18] =	ssyncset.done $0x0  }
0x3f: {  	[sflag:s18] =	ssyncadd.s32 $0xFFFFFB00  }
0x40: {  	[bflag:$0x0] =	sbarrier.arrive $0xFFFF  }
0x41: {  	[tilespmem:s20], [sflag:$0x2] =	stream.linear.gather [hbm4b:s11+s4], $0x50, $0x38;
	[tilespmem:$0x1B090] =	vst v63  }
0x42: {  	_ =	swait.ge [sflag:s18], $0x50  }
0x43: {  	[sflag:s18] =	ssyncset.done $0x0  }
0x44: {  	s23 =	sadd.s32 $0x0, s9;
	[sflag:s18] =	ssyncadd.s32 $0xFFFFFFB0  }
0x45: {  	[tilespmem:s17], [sflag:$0x2] =	stream.linear.gather [hbm4b:s23+s4], $0x2800, $0x38;
	[tilespmem:$0x1B090] =	vst v63  }
0x46: {  	_ =	swait.ge [sflag:s18], $0x2800  }
0x47: {  	[sflag:s18] =	ssyncset.done $0x0  }
0x48: {  	s31 =	sadd.s32 $0x0, s10;
	[sflag:s18] =	ssyncadd.s32 $0xFFFFD800  }
0x49: {  	[tilespmem:s19], [sflag:$0x2] =	stream.linear.gather [hbm4b:s31+s4], $0x2800, $0x38;
	[tilespmem:$0x1B090] =	vst v63  }
0x4a: {  	_ =	swait.ge [sflag:s18], $0x2800  }
0x4b: {  	[sflag:s18] =	ssyncset.done $0x0  }
0x4c: {  	[sflag:s18] =	ssyncadd.s32 $0xFFFFD800  }
0x4d: {  	[spmem:s2] =	stream.indirect.scatter.add.f32 [tilespmem:s17], [sflag:$0x2], $0x80, s20, s15, $0xb8;
	[tilespmem:$0x1B090] =	vst v63  }
0x4e: {  	_ =	swait.ge [sflag:s18], $0x2800  }
0x4f: {  	[sflag:s18] =	ssyncset.done $0x0  }
0x50: {  	[sflag:s18] =	ssyncadd.s32 $0xFFFFD800  }
0x51: {  	[spmem:s3] =	stream.indirect.scatter.add.f32 [tilespmem:s19], [sflag:$0x2], $0x10, s20, s15, $0xb8;
	[tilespmem:$0x1B090] =	vst v63  }
0x52: {  	_ =	swait.ge [sflag:s18], $0x500  }
0x53: {  	s24 =	smov.u32 s11;
	s23 =	simm.s32 $0x500;
	[sflag:s18] =	ssyncset.done $0x0  }
.LBB2_6:
0x54: {  	p0 =	sne.s32 s23, $0x26C00;
	[sflag:s18] =	ssyncadd.s32 $0xFFFFFB00;
	s24 =	sadd.s32 $0xA, s24  }
0x55: {  	[tilespmem:s20], [sflag:$0x2] =	stream.linear.gather [hbm4b:s24+s4], $0x50, $0x38;
	[tilespmem:$0x1B090] =	vst v63  }
0x56: {  	s25 =	smov.u32 s23;
	s23 =	sadd.s32 $0x500, s23;
	_ =	swait.ge [sflag:s18], $0x50  }
0x57: {  	[sflag:s18] =	ssyncset.done $0x0  }
0x58: {  	s26 =	sadd.s32 s25, s9;
	[sflag:s18] =	ssyncadd.s32 $0xFFFFFFB0  }
0x59: {  	[tilespmem:s17], [sflag:$0x2] =	stream.linear.gather [hbm4b:s26+s4], $0x2800, $0x38;
	[tilespmem:$0x1B090] =	vst v63  }
0x5a: {  	_ =	swait.ge [sflag:s18], $0x2800  }
0x5b: {  	[sflag:s18] =	ssyncset.done $0x0  }
0x5c: {  	s25 =	sadd.s32 s25, s10;
	[sflag:s18] =	ssyncadd.s32 $0xFFFFD800  }
0x5d: {  	[tilespmem:s19], [sflag:$0x2] =	stream.linear.gather [hbm4b:s25+s4], $0x2800, $0x38;
	[tilespmem:$0x1B090] =	vst v63  }
0x5e: {  	_ =	swait.ge [sflag:s18], $0x2800  }
0x5f: {  	[sflag:s18] =	ssyncset.done $0x0  }
0x60: {  	[sflag:s18] =	ssyncadd.s32 $0xFFFFD800  }
0x61: {  	[spmem:s2] =	stream.indirect.scatter.add.f32 [tilespmem:s17], [sflag:$0x2], $0x80, s20, s15, $0xb8;
	[tilespmem:$0x1B090] =	vst v63  }
0x62: {  	_ =	swait.ge [sflag:s18], $0x2800  }
.Ltmp3:
0x63: {  	[sflag:s18] =	ssyncset.done $0x0;
	(pc) =	sbr.rel @p0 .LBB2_6-.Ltmp3, $4  }
0x64: {  	[sflag:s18] =	ssyncadd.s32 $0xFFFFD800  }
0x65: {  	[spmem:s3] =	stream.indirect.scatter.add.f32 [tilespmem:s19], [sflag:$0x2], $0x10, s20, s15, $0xb8;
	[tilespmem:$0x1B090] =	vst v63  }
0x66: {  	_ =	swait.ge [sflag:s18], $0x500  }
0x67: {  	[sflag:s18] =	ssyncset.done $0x0  }
0x68: {  	[sflag:s18] =	ssyncadd.s32 $0xFFFFFB00;
	s23 =	sadd.s32 $0x0, s5  }
0x69: {  	[bflag:$0x0] =	sbarrier.arrive $0xFFFF;
	v2 =	vor.u32 s23, v1;
	s24 =	sadd.s32 $0x10, s23  }
0x6a: {  	s25 =	sadd.s32 $0x40, s23;
	[tilespmem:$0x16010] =	vst v2;
	v2 =	vor.u32 s24, v1  }
0x6b: {  	s31 =	sadd.s32 $0x30, s23;
	v3 =	vor.u32 s25, v1;
	[tilespmem:$0x16020] =	vst v2  }
0x6c: {  	s23 =	sadd.s32 $0x20, s23;
	v2 =	vor.u32 s31, v1;
	[tilespmem:$0x16050] =	vst v3  }
0x6d: {  	[tilespmem:$0x16040] =	vst v2;
	v2 =	vor.u32 s23, v1  }
0x6e: {  	[tilespmem:$0x16030] =	vst v2  }
0x6f: {  	[tilespmem:s17], [sflag:$0x1] =	stream.indirect.gather [spmem:s2], $0x80, s16, s15, $0xb8;
	[tilespmem:$0x1B090] =	vst v63  }
0x70: {  	_ =	swait.ge [sflag:s21], $0x2800  }
0x71: {  	[sflag:s21] =	ssyncset.done $0x0  }
0x72: {  	[sflag:s21] =	ssyncadd.s32 $0xFFFFD800  }
0x73: {  	[hbm4b:s13+s4] =	stream.linear.scatter [tilespmem:s17], [sflag:$0x2], $0x2800, $0x38;
	[tilespmem:$0x1B090] =	vst v63  }
0x74: {  	_ =	swait.ge [sflag:s18], $0x2800  }
0x75: {  	p0 =	sne.s32 s12, $0x500;
	[sflag:s18] =	ssyncset.done $0x0  }
.Ltmp4:
0x76: {  	[sflag:s18] =	ssyncadd.s32 $0xFFFFD800;
	(pc) =	sbr.rel @!p0 .LBB2_9-.Ltmp4, $4  }
0x77: {  	[tilespmem:s19], [sflag:$0x1] =	stream.indirect.gather [spmem:s3], $0x10, s16, s15, $0xb8;
	[tilespmem:$0x1B090] =	vst v63  }
0x78: {  	_ =	swait.ge [sflag:s21], $0x500  }
0x79: {  	s26 =	smov.u32 s14;
	s24 =	sadd.s32 $0x5000, s13;
	[sflag:s21] =	ssyncset.done $0x0  }
0x7a: {  	s25 =	sadd.s32 $0x5000, s14;
	s23 =	simm.s32 $0x500;
	[sflag:s21] =	ssyncadd.s32 $0xFFFFFB00  }
.LBB2_8:
0x7b: {  	[hbm4b:s26+s4] =	stream.linear.scatter [tilespmem:s19], [sflag:$0x2], $0x2800, $0x38;
	[tilespmem:$0x1B090] =	vst v63  }
0x7c: {  	s26 =	smov.u32 s23;
	s23 =	sadd.s32 $0x500, s23;
	_ =	swait.ge [sflag:s18], $0x2800  }
0x7d: {  	s26 =	sadd.s32 s26, s5;
	p0 =	sne.s32 s12, s23;
	[sflag:s18] =	ssyncset.done $0x0  }
0x7e: {  	v2 =	vor.u32 s26, v1;
	s28 =	sadd.s32 $0x10, s26;
	s29 =	sadd.s32 $0x20, s26;
	[sflag:s18] =	ssyncadd.s32 $0xFFFFD800  }
0x7f: {  	v3 =	vor.u32 s29, v1;
	s29 =	sadd.s32 $0x40, s26;
	[tilespmem:$0x16010] =	vst v2;
	v2 =	vor.u32 s28, v1;
	s28 =	sadd.s32 $0x30, s26;
	s26 =	smov.u32 s25  }
0x80: {  	v4 =	vor.u32 s29, v1;
	[tilespmem:$0x16020] =	vst v2;
	v2 =	vor.u32 s28, v1  }
0x81: {  	[tilespmem:$0x16040] =	vst v2  }
0x82: {  	[tilespmem:$0x16050] =	vst v4  }
0x83: {  	[tilespmem:$0x16030] =	vst v3  }
0x84: {  	[tilespmem:s17], [sflag:$0x1] =	stream.indirect.gather [spmem:s2], $0x80, s16, s15, $0xb8;
	[tilespmem:$0x1B090] =	vst v63  }
0x85: {  	_ =	swait.ge [sflag:s21], $0x2800  }
0x86: {  	[sflag:s21] =	ssyncset.done $0x0  }
0x87: {  	[sflag:s21] =	ssyncadd.s32 $0xFFFFD800  }
0x88: {  	[hbm4b:s24+s4] =	stream.linear.scatter [tilespmem:s17], [sflag:$0x2], $0x2800, $0x38;
	[tilespmem:$0x1B090] =	vst v63  }
0x89: {  	_ =	swait.ge [sflag:s18], $0x2800  }
0x8a: {  	[sflag:s18] =	ssyncset.done $0x0  }
.Ltmp5:
0x8b: {  	[sflag:s18] =	ssyncadd.s32 $0xFFFFD800;
	(pc) =	sbr.rel @p0 .LBB2_8-.Ltmp5, $4  }
0x8c: {  	[tilespmem:s19], [sflag:$0x1] =	stream.indirect.gather [spmem:s3], $0x10, s16, s15, $0xb8;
	[tilespmem:$0x1B090] =	vst v63  }
0x8d: {  	_ =	swait.ge [sflag:s21], $0x500  }
0x8e: {  	[sflag:s21] =	ssyncset.done $0x0  }
0x8f: {  	s25 =	sadd.s32 $0x5000, s25;
	s24 =	sadd.s32 $0x5000, s24;
	[sflag:s21] =	ssyncadd.s32 $0xFFFFFB00  }
.LBB2_9:
0x90: {  	s22 =	sadd.s32 $0x1, s22  }
0x91: {  	p0 =	sne.s32 s22, s7  }
.Ltmp6:
0x92: {  	_ = 	snop;
	(pc) =	sbr.rel @p0 .LBB2_1-.Ltmp6, $4  }
0x93: {  	[hbm4b:s26+s4] =	stream.linear.scatter [tilespmem:s19], [sflag:$0x2], $0x2800, $0x38;
	[tilespmem:$0x1B090] =	vst v63  }
0x94: {  	_ =	swait.ge [sflag:s18], $0x2800  }
0x95: {  	[sflag:s18] =	ssyncset.done $0x0  }
0x96: {  	[sflag:s18] =	ssyncadd.s32 $0xFFFFD800  }
0x97: {  	_ =	sfence.sel $0x180000  }
0x98: {  	[bflag:$0x0] =	sbarrier.arrive $0xFFFF  }
0x99: {  	p0 =	sne.s32 s0, $0x0;
	_ =	strace $0x9000004A  }
0x9a: {  	s0 =	sadd.s32 @!p0 $0x100000, s1;
	[bflag:$0x2] =	sbarrier.arrive $0xFFFF  }
0x9b: {  	[sflag:s0] =	ssyncadd.tile.s32 @!p0 $0x1;
	_ =	shalt  }
.Lfunc_end2:
_tile_overlayer_lowered:
.L_overlay_start_2:
0x9c: {  	(tag) =	ssettag $0x2  }
0x9d: {  	s0 =	rddreg [dreg:$0x0];
	s2 =	stileid.u32  }
0x9e: {  	s1 =	rddreg [dreg:$0x1];
	p0 =	sne.s32 s2, $0x0  }
0x9f: {  	s3 =	rddreg [dreg:$0x2];
	[bflag:$0x3] =	sbarrier.arrive $0xFFFF;
	s2 =	simm.s32 @!p0 $0x1C02  }
0xa0: {  	[timem:s3], [sflag:s2] =	dma.local @!p0 [hbm:s0], s1  }
0xa1: {  	s0 =	simm.s32 @!p0 $0x2  }
0xa2: {  	_ =	swait.ge @!p0 [sflag:s0], s1  }
0xa3: {  	s1 =	ssub.s32 @!p0 $0x0, s1;
	[sflag:s0] =	ssyncset.done @!p0 $0x0  }
0xa4: {  	[sflag:s0] =	ssyncadd.s32 @!p0 s1  }
0xa5: {  	[bflag:$0x3] =	sbarrier.arrive $0xFFFF  }
0xa6: {  	_ =	shalt  }

// kernel: kernel.17.cloned.1.call-start
scs
__scs_entry_jumppad:
0x0: {  	(pc) =	sbr.rel $0x88, $3  }
0x1: {  	(tag) =	ssettag $0x0;
	lr =	simm.s32 $0x1  }
0x2: {  	[smem:$0x3F80] =	sst lr;
	_ =	strace $0xD0000000  }
0x3: {  	_ = 	snop  }
0x4: {  	_ = 	snop  }
0x5: {  	_ = 	snop  }
0x6: {  	_ = 	snop  }
0x7: {  	_ = 	snop  }
__scs_overlays_trampoline_lowered:
0x8: {  	[smem:$0x3F8F] =	sst s0  }
0x9: {  	[smem:$0x3F90] =	sst s1  }
0xa: {  	[smem:$0x3F91] =	sst s2  }
0xb: {  	[smem:$0x3F92] =	sst s3  }
0xc: {  	[smem:$0x3F93] =	sst s4  }
0xd: {  	[smem:$0x3F94] =	sst s5  }
0xe: {  	[smem:$0x3F95] =	sst s6  }
0xf: {  	[smem:$0x3F96] =	sst s7  }
0x10: {  	[smem:$0x3F97] =	sst s8  }
0x11: {  	[smem:$0x3F98] =	sst s9;
	s0 =	simm.s32 @!p0 $0x0  }
0x12: {  	s1 =	sld [smem:$0x3F7E];
	s0 =	simm.s32 @p0 $0x1  }
0x13: {  	[smem:$0x3F99] =	sst s0;
	s0 =	simm.s32 @!p1 $0x0  }
0x14: {  	s2 =	sld [smem:$0x3F7D];
	s0 =	simm.s32 @p1 $0x1  }
0x15: {  	[smem:$0x3F9A] =	sst s0;
	s0 =	simm.s32 @!p2 $0x0  }
0x16: {  	s3 =	sld [smem:$0x3FDB];
	s0 =	simm.s32 @p2 $0x1  }
0x17: {  	s4 =	simm.s32 $0x1BF5;
	[smem:$0x3F9C] =	sst s0  }
0x18: {  	s0 =	sld [smem:$0x3F7F];
	_ =	swait.ge [sflag:s4], $0x0  }
0x19: {  	s7 =	sld [smem:$0x3F80]  }
0x1a: {  	s8 =	sadd.s32 $0xFFFFE003, lr  }
0x1b: {  	s9 =	sadd.s32 $0xFFFFFEF7, lr;
	s5 =	simm.s32 $0xFFFFFFFF;
	p2 =	slt.u32 s8, $0xFFFFF086  }
0x1c: {  	p1 =	slt.u32 s9, $0xF7A;
	s5 =	simm.s32 @!p2 $0x0  }
0x1d: {  	s5 =	simm.s32 @p1 $0x1;
	p0 =	seq.s32 s7, s2  }
0x1e: {  	s7 =	smul.u32 @!p0 $0xF7A, s2;
	p2 =	seq.s32 @!p0 s5, $0x0  }
0x1f: {  	s9 =	smul.u32 $0xF7A, s1;
	s8 =	simm.s32 @!p0 $0x1BF5;
	p2 =	por !p2, p0  }
0x20: {  	[sflag:s8] =	ssyncset.s32 @!p0 $0xFFFFF086;
	s6 =	sadd.s32 @!p0 s3, s7;
	s7 =	simm.s32 @!p0 $0x108  }
0x21: {  	s3 =	sadd.s32 s3, s9;
	s6 =	sadd.s32 @!p0 $0x88, s6;
	s7 =	simm.s32 @p2 $0x1082  }
0x22: {  	[simem:s7], [sflag:s8] =	dma.local @!p0 [hbm:s6], $0xF7A  }
0x23: {  	s9 =	sor.u32 $0xD0000000, s2;
	s6 =	simm.s32 $0x108;
	_ =	swait.ge @!p0 [sflag:s8], $0x0  }
0x24: {  	s3 =	sadd.s32 $0x88, s3;
	s6 =	simm.s32 @!p1 $0x1082;
	[sflag:s4] =	ssyncset.s32 $0xFFFFF086  }
0x25: {  	[simem:s6], [sflag:s4] =	dma.local [hbm:s3], $0xF7A  }
0x26: {  	[smem:$0x3F80] =	sst s1;
	(tag) =	ssettag s2;
	_ =	strace s9  }
0x27: {  	s1 =	sld [smem:$0x3F90]  }
0x28: {  	s2 =	sld [smem:$0x3F91]  }
0x29: {  	s4 =	sld [smem:$0x3F93]  }
0x2a: {  	p0 =	seq.s32 s5, $0x0;
	s5 =	sld [smem:$0x3F94]  }
0x2b: {  	s6 =	sld [smem:$0x3F95]  }
0x2c: {  	s7 =	sld [smem:$0x3F96]  }
0x2d: {  	s3 =	simm.s32 $0x108;
	s8 =	sld [smem:$0x3F97]  }
0x2e: {  	s3 =	simm.s32 @!p0 $0x1082;
	s9 =	sld [smem:$0x3F98]  }
0x2f: {  	lr =	sadd.s32 s0, s3;
	s0 =	sld [smem:$0x3F8F]  }
0x30: {  	s3 =	sld [smem:$0x3F92]  }
0x31: {  	[smem:$0x3F9B] =	sst s10  }
0x32: {  	s10 =	sld [smem:$0x3F99];
	_ =	sdelay $0x3  }
0x33: {  	p0 =	seq.s32 s10, $0x1;
	s10 =	sld [smem:$0x3F9B];
	_ =	sdelay $0x3  }
0x34: {  	[smem:$0x3F9B] =	sst s10  }
0x35: {  	s10 =	sld [smem:$0x3F9A];
	_ =	sdelay $0x3  }
0x36: {  	p1 =	seq.s32 s10, $0x1;
	s10 =	sld [smem:$0x3F9B];
	_ =	sdelay $0x3  }
0x37: {  	[smem:$0x3F9B] =	sst s10  }
0x38: {  	s10 =	sld [smem:$0x3F9C]  }
0x39: {  	_ = 	snop;
	(pc) =	sbr.ind lr, $3  }
0x3a: {  	_ = 	snop  }
0x3b: {  	_ = 	snop  }
0x3c: {  	p2 =	seq.s32 s10, $0x1;
	s10 =	sld [smem:$0x3F9B]  }
0x3d: {  	_ =	shalt  }
0x3e: {  	_ =	shalt  }
0x3f: {  	_ =	shalt  }
0x40: {  	_ =	shalt  }
0x41: {  	_ =	shalt  }
0x42: {  	_ =	shalt  }
0x43: {  	_ =	shalt  }
0x44: {  	_ =	shalt  }
0x45: {  	_ =	shalt  }
0x46: {  	_ =	shalt  }
0x47: {  	_ =	shalt  }
0x48: {  	_ =	shalt  }
0x49: {  	_ =	shalt  }
0x4a: {  	_ =	shalt  }
0x4b: {  	_ =	shalt  }
0x4c: {  	_ =	shalt  }
0x4d: {  	_ =	shalt  }
0x4e: {  	_ =	shalt  }
0x4f: {  	_ =	shalt  }
0x50: {  	_ =	shalt  }
0x51: {  	_ =	shalt  }
0x52: {  	_ =	shalt  }
0x53: {  	_ =	shalt  }
0x54: {  	_ =	shalt  }
0x55: {  	_ =	shalt  }
0x56: {  	_ =	shalt  }
0x57: {  	_ =	shalt  }
0x58: {  	_ =	shalt  }
0x59: {  	_ =	shalt  }
0x5a: {  	_ =	shalt  }
0x5b: {  	_ =	shalt  }
0x5c: {  	_ =	shalt  }
0x5d: {  	_ =	shalt  }
0x5e: {  	_ =	shalt  }
0x5f: {  	_ =	shalt  }
0x60: {  	_ =	shalt  }
0x61: {  	_ =	shalt  }
0x62: {  	_ =	shalt  }
0x63: {  	_ =	shalt  }
0x64: {  	_ =	shalt  }
0x65: {  	_ =	shalt  }
0x66: {  	_ =	shalt  }
0x67: {  	_ =	shalt  }
0x68: {  	_ =	shalt  }
0x69: {  	_ =	shalt  }
0x6a: {  	_ =	shalt  }
0x6b: {  	_ =	shalt  }
0x6c: {  	_ =	shalt  }
0x6d: {  	_ =	shalt  }
0x6e: {  	_ =	shalt  }
0x6f: {  	_ =	shalt  }
0x70: {  	_ =	shalt  }
0x71: {  	_ =	shalt  }
0x72: {  	_ =	shalt  }
0x73: {  	_ =	shalt  }
0x74: {  	_ =	shalt  }
0x75: {  	_ =	shalt  }
0x76: {  	_ =	shalt  }
0x77: {  	_ =	shalt  }
0x78: {  	_ =	shalt  }
0x79: {  	_ =	shalt  }
0x7a: {  	_ =	shalt  }
0x7b: {  	_ =	shalt  }
0x7c: {  	_ =	shalt  }
0x7d: {  	_ =	shalt  }
0x7e: {  	_ =	shalt  }
0x7f: {  	_ =	shalt  }
0x80: {  	_ =	shalt  }
0x81: {  	_ =	shalt  }
0x82: {  	_ =	shalt  }
0x83: {  	_ =	shalt  }
0x84: {  	_ =	shalt  }
0x85: {  	_ =	shalt  }
0x86: {  	_ =	shalt  }
0x87: {  	_ =	shalt  }
.Lfunc_end0:
.L_simem_size_0:
called_computation.2_lowered:
.L_overlay_start_0:
0x88: {  	s2 =	sld [smem:$0x3FD9]  }
0x89: {  	s3 =	sld [smem:$0x3FFE];
	_ =	sdelay $0x1  }
0x8a: {  	s1 =	srdreg.scid  }
0x8b: {  	s0 =	sand.u32 $0x1, s1  }
0x8c: {  	s16 =	sshll.u32 s0, $0xA;
	s2 =	sadd.s32 s3, s2  }
0x8d: {  	s2 =	sadd.s32 s2, s16  }
0x8e: {  	[smem:$0x3FA7] =	sst s2  }
0x8f: {  	_ = 	snop  }
0x90: {  	(tm) =	ssettm $0x1  }
0x91: {  	s17 =	sld [smem:$0x3FFB];
	_ =	sdelay $0x3  }
0x92: {  	_ =	strace s17  }
0x93: {  	s2 =	sld [smem:$0x3FFC];
	_ =	sdelay $0x3  }
0x94: {  	_ =	strace s2  }
0x95: {  	s2 =	sld [smem:$0x3FFD];
	_ =	sdelay $0x3  }
0x96: {  	_ =	strace s2  }
0x97: {  	_ =	strace $0x8FFFFFFF  }
0x98: {  	s18 =	sld [smem:$0x3FDB];
	_ =	sdelay $0x1  }
0x99: {  	s19 =	simm.s32 $_scs_section_size  }
0x9a: {  	s4 =	simm.s32 $_size__tile_overlayer_lowered;
	s5 =	simm.s32 $_tile_overlayer_lowered  }
0x9b: {  	s22 =	simm.s32 $0x1BFF;
	s21 =	sshll.u32 s5, $0x1;
	s2 =	sadd.s32 s19, s18  }
0x9c: {  	s6 =	simm.s32 $0x0;
	s20 =	sshll.u32 s4, $0x1;
	s4 =	sadd.s32 s21, s2  }
0x9d: {  	[timem:s6], [sflag:s22] =	dma.local [hbm:s4], s20  }
0x9e: {  	_ =	swait.ge [sflag:s22], s20  }
0x9f: {  	s3 =	ssub.s32 $0x0, s20;
	[sflag:s22] =	ssyncset.done $0x0  }
0xa0: {  	[sflag:s22] =	ssyncadd.s32 s3;
	_ =	sdelay $0x1  }
0xa1: {  	s23 =	simm.s32 $0x1B8B  }
0xa2: {  	_ =	swait.ge [sflag:s23], $0x1  }
0xa3: {  	[sflag:s23] =	ssyncset.done $0x0  }
0xa4: {  	s25 =	simm.s32 $0x1B8E;
	s24 =	sld [smem:$0x3FFE];
	[sflag:s23] =	ssyncadd.s32 $0xFFFFFFFF  }
0xa5: {  	s26 =	simm.s32 $execute0_lowered;
	[smem:$0x3FD2] =	sst s25  }
0xa6: {  	s4 =	sshll.u32 s26, $0x1;
	_ =	strace $0x8000004C;
	[dreg:$0x1] =	wrdreg $0xFFFFFFFF  }
0xa7: {  	s28 =	simm.s32 $_size_execute0_lowered;
	s2 =	sadd.s32 s2, s4;
	[dreg:$0x0] =	wrdreg $0x0  }
0xa8: {  	s4 =	sshll.u32 s28, $0x1;
	[dreg:$0x2] =	wrdreg s2  }
0xa9: {  	[dreg:$0x3] =	wrdreg s4  }
0xaa: {  	[dreg:$0x4] =	wrdreg $0xC0  }
0xab: {  	_ =	task [dreg:s6], $0x5FFFF  }
0xac: {  	[dreg:$0x1] =	wrdreg $0xFFFFFFFF  }
0xad: {  	[dreg:$0x0] =	wrdreg $0x60  }
0xae: {  	[dreg:$0x2] =	wrdreg s24  }
0xaf: {  	[dreg:$0x3] =	wrdreg $0x9  }
0xb0: {  	_ =	task.clear_ibuf [dreg:s6], $0x4FFFF;
	_ =	strace $0x9000004C  }
0xb1: {  	s29 =	simm.s32 $0x9;
	_ =	strace $0x8000004E  }
0xb2: {  	_ =	swait.ge [sflag:s29], $0x1  }
0xb3: {  	[sflag:s29] =	ssyncadd.s32 $0xFFFFFFFF  }
0xb4: {  	_ =	strace $0x9000004E  }
0xb5: {  	_ =	sfence  }
0xb6: {  	s30 =	sld [smem:$0x0];
	_ =	sdelay $0x2  }
0xb7: {  	s31 =	sshll.u32 s1, $0xD;
	s1 =	sshrl.u32 s1, $0x2  }
0xb8: {  	s3 =	sand.u32 $0x4000, s31;
	s1 =	sadd.s32 s1, s30  }
0xb9: {  	s0 =	sor.u32 s3, s0;
	s1 =	sshll.u32 s1, $0x11  }
0xba: {  	s0 =	sor.u32 s1, s0  }
0xbb: {  	s0 =	sadd.s32 $0x8F2B, s0  }
0xbc: {  	[sflag:s0] =	ssyncadd.remote.s32 $0x1  }
0xbd: {  	_ =	sfence.sel $0xFFFF  }
0xbe: {  	[dreg:$0x0] =	wrdreg $0xFFFFFFFF;
	(pc) =	sbr.abs _section_cstart, $3  }
0xbf: {  	[dreg:$0x1] =	wrdreg $0xFFFFFFFF  }
0xc0: {  	_ =	task.clear_ibuf [dreg:s6], $0x2FFFF;
	_ =	strace $0x9FFFFFFF  }
0xc1: {  	(tm) =	ssettm $0x7FFFFFFF  }
tec
execute0_lowered:
.L_overlay_start_1:
0x0: {  	(tag) =	ssettag $0x1  }
0x1: {  	s0 =	rddreg [dreg:$0x0]  }
0x2: {  	s1 =	simm.s32 $0x0;
	s4 =	srdreg.scid;
	s9 =	stileid.u32  }
0x3: {  	s13 =	simm.s32 $0x80;
	s14 =	simm.s32 $0x50;
	s15 =	simm.s32 $0x200  }
0x4: {  	s17 =	simm.s32 $0x100;
	s18 =	simm.s32 $0x180;
	s19 =	simm.s32 $0x1  }
0x5: {  	s20 =	simm.s32 $0x2;
	s21 =	simm.s32 $0x3;
	s22 =	simm.s32 $0x4  }
0x6: {  	s23 =	simm.s32 $0xA200;
	[smem:$0x7FF] =	sst s1;
	s2 =	sadd.s32 $0x49800, s0  }
0x7: {  	s3 =	sadd.s32 $0x8200, s0;
	s5 =	sadd.s32 $0x2F400, s0;
	s4 =	sand.u32 $0x1, s4  }
0x8: {  	s6 =	sadd.s32 $0x34400, s0;
	s7 =	sadd.s32 $0x3E200, s0;
	s10 =	ssub.s32 $0x2, s4  }
0x9: {  	s8 =	sadd.s32 $0x97C00, s0;
	s12 =	sshll.u32 s9, $0x1;
	s11 =	sshrl.u32 s10, $0x1  }
0xa: {  	s9 =	sadd.s32 $0x579C00, s0;
	_ =	strace $0x8000004D;
	s31 =	ssub.s32 s10, s11  }
0xb: {  	s4 =	sor.u32 s4, s12;
	s12 =	simm.s32 $0x5;
	s0 =	smax.u32 s31, $0x1  }
0xc: {  	v0 =	vlaneseq.u32;
	s10 =	smul.u32 $0x2710, s4;
	s4 =	simm.s32 $0x0;
	[dreg:$0x2] =	wrdreg s0  }
.LBB2_1:
0xd: {  	[dreg:$0x3] =	wrdreg s4;
	s25 =	simm.s32 $0x0  }
.LBB2_2:
0xe: {  	s0 =	smul.u32 $0x50, s25;
	_ =	sdelay $0x1  }
0xf: {  	s26 =	sadd.s32 s10, s0  }
0x10: {  	s4 =	sshrl.u32 s26, $0x3  }
0x11: {  	s0 =	simm.s32 $0x0;
	s11 =	sadd.s32 s6, s4  }
0x12: {  	[tilespmem:s0], [sflag:$0x5] =	stream.linear.gather [hbm4b:s11+s0], $0x50, $0x38;
	[tilespmem:$0xCA00] =	vst v63  }
0x13: {  	_ =	swait.ge [sflag:s12], $0x50  }
0x14: {  	[sflag:s12] =	ssyncset.done $0x0  }
0x15: {  	s4 =	sadd.s32 s7, s4;
	[sflag:s12] =	ssyncadd.s32 $0xFFFFFFB0  }
0x16: {  	[tilespmem:s13], [sflag:$0x5] =	stream.linear.gather [hbm4b:s4+s0], $0x50, $0x38;
	[tilespmem:$0xCA00] =	vst v63  }
0x17: {  	_ =	swait.ge [sflag:s12], $0x50  }
0x18: {  	[sflag:s12] =	ssyncset.done $0x0  }
0x19: {  	[sflag:s12] =	ssyncadd.s32 $0xFFFFFFB0  }
0x1a: {  	v1 =	vld [tilespmem:$0x0]  }
0x1b: {  	v2 =	vld [tilespmem:$0x80]  }
0x1c: {  	v3 =	vld [tilespmem:$0x10]  }
0x1d: {  	v4 =	vld [tilespmem:$0x90]  }
0x1e: {  	v5 =	vld [tilespmem:$0x20]  }
0x1f: {  	v6 =	vld [tilespmem:$0xA0];
	v1 =	vshrl.u32 v1, $0x3  }
0x20: {  	[tilespmem:$0x100] =	vst v1;
	v1 =	vshrl.u32 v2, $0x3;
	v2 =	vld [tilespmem:$0x30]  }
0x21: {  	[tilespmem:$0x180] =	vst v1;
	v1 =	vshrl.u32 v3, $0x3;
	v3 =	vld [tilespmem:$0xB0]  }
0x22: {  	v62 =	vld [tilespmem:$0x40];
	[tilespmem:$0x110] =	vst v1;
	v1 =	vshrl.u32 v4, $0x3  }
0x23: {  	v63 =	vld [tilespmem:$0xC0];
	[tilespmem:$0x190] =	vst v1;
	v1 =	vshrl.u32 v5, $0x3  }
0x24: {  	[tilespmem:$0x120] =	vst v1;
	v1 =	vshrl.u32 v6, $0x3  }
0x25: {  	[tilespmem:$0x1A0] =	vst v1;
	v1 =	vshrl.u32 v2, $0x3  }
0x26: {  	[tilespmem:$0x130] =	vst v1;
	v1 =	vshrl.u32 v3, $0x3  }
0x27: {  	[tilespmem:$0x1B0] =	vst v1;
	v1 =	vshrl.u32 v62, $0x3  }
0x28: {  	[tilespmem:$0x140] =	vst v1;
	v1 =	vshrl.u32 v63, $0x3  }
0x29: {  	[tilespmem:$0x1C0] =	vst v1  }
0x2a: {  	[tilespmem:s15], [sflag:$0x1] =	stream.indirect.gather [hbm4b:s2+s14], $0x80, s13, s14, $0xb8;
	[tilespmem:$0xCA00] =	vst v63  }
0x2b: {  	s16 =	simm.s32 $0x2A00  }
0x2c: {  	[tilespmem:s16], [sflag:$0x2] =	stream.indirect.gather [hbm4b:s3+s14], $0x80, s0, s14, $0xb8;
	[tilespmem:$0xCA00] =	vst v63  }
0x2d: {  	s28 =	simm.s32 $0x5200  }
0x2e: {  	[tilespmem:s28], [sflag:$0x3] =	stream.indirect.gather [hbm4b:s5+s14], $0x80, s17, s14, $0xb8;
	[tilespmem:$0xCA00] =	vst v63  }
0x2f: {  	s29 =	simm.s32 $0x7A00  }
0x30: {  	[tilespmem:s29], [sflag:$0x4] =	stream.indirect.gather [hbm4b:s5+s14], $0x80, s18, s14, $0xb8;
	[tilespmem:$0xCA00] =	vst v63  }
0x31: {  	_ =	swait.ge [sflag:s19], $0x2800  }
0x32: {  	[sflag:s19] =	ssyncset.done $0x0  }
0x33: {  	[sflag:s19] =	ssyncadd.s32 $0xFFFFD800  }
0x34: {  	_ =	swait.ge [sflag:s20], $0x2800  }
0x35: {  	[sflag:s20] =	ssyncset.done $0x0  }
0x36: {  	[sflag:s20] =	ssyncadd.s32 $0xFFFFD800  }
0x37: {  	_ =	swait.ge [sflag:s21], $0x2800  }
0x38: {  	[sflag:s21] =	ssyncset.done $0x0  }
0x39: {  	[sflag:s21] =	ssyncadd.s32 $0xFFFFD800  }
0x3a: {  	_ =	swait.ge [sflag:s22], $0x2800  }
0x3b: {  	[sflag:s22] =	ssyncset.done $0x0  }
0x3c: {  	s24 =	simm.s32 $0x240;
	[sflag:s22] =	ssyncadd.s32 $0xFFFFD800  }
0x3d: {  	s16 =	simm.s32 $0x2A40;
	v1 =	vld [tilespmem:s24+$0xFFFFFFC0]  }
0x3e: {  	v2 =	vld [tilespmem:s16+$0xFFFFFFC0];
	_ =	sdelay $0x4  }
0x3f: {  	v1 =	vadd.f32 v2, v1;
	_ =	sdelay $0x1  }
0x40: {  	[tilespmem:s24+$0xFFFFFFC0] =	vst v1;
	v1 =	vld [tilespmem:s24+$0xFFFFFFD0]  }
0x41: {  	v2 =	vld [tilespmem:s16+$0xFFFFFFD0];
	_ =	sdelay $0x4  }
0x42: {  	v1 =	vadd.f32 v2, v1;
	_ =	sdelay $0x1  }
0x43: {  	[tilespmem:s24+$0xFFFFFFD0] =	vst v1;
	v1 =	vld [tilespmem:s24+$0xFFFFFFE0]  }
0x44: {  	v2 =	vld [tilespmem:s16+$0xFFFFFFE0];
	_ =	sdelay $0x4  }
0x45: {  	v1 =	vadd.f32 v2, v1;
	_ =	sdelay $0x1  }
0x46: {  	[tilespmem:s24+$0xFFFFFFE0] =	vst v1;
	v1 =	vld [tilespmem:s24+$0xFFFFFFF0]  }
0x47: {  	v2 =	vld [tilespmem:s16+$0xFFFFFFF0];
	_ =	sdelay $0x4  }
0x48: {  	v1 =	vadd.f32 v2, v1;
	_ =	sdelay $0x1  }
0x49: {  	[tilespmem:s24+$0xFFFFFFF0] =	vst v1;
	v1 =	vld [tilespmem:s24+$0x0]  }
0x4a: {  	v2 =	vld [tilespmem:s16+$0x0];
	_ =	sdelay $0x4  }
0x4b: {  	v1 =	vadd.f32 v2, v1;
	_ =	sdelay $0x1  }
0x4c: {  	[tilespmem:s24+$0x0] =	vst v1;
	v1 =	vld [tilespmem:s24+$0x10]  }
0x4d: {  	v2 =	vld [tilespmem:s16+$0x10];
	_ =	sdelay $0x4  }
0x4e: {  	v1 =	vadd.f32 v2, v1;
	_ =	sdelay $0x1  }
0x4f: {  	[tilespmem:s24+$0x10] =	vst v1;
	v1 =	vld [tilespmem:s24+$0x20]  }
0x50: {  	v2 =	vld [tilespmem:s16+$0x20];
	_ =	sdelay $0x4  }
0x51: {  	v1 =	vadd.f32 v2, v1;
	_ =	sdelay $0x1  }
0x52: {  	[tilespmem:s24+$0x20] =	vst v1;
	v1 =	vld [tilespmem:s24+$0x30]  }
0x53: {  	v2 =	vld [tilespmem:s16+$0x30];
	_ =	sdelay $0x4  }
0x54: {  	v1 =	vadd.f32 v2, v1;
	_ =	sdelay $0x1  }
0x55: {  	[tilespmem:s24+$0x30] =	vst v1;
	s24 =	sand.u32 $0x70, s0  }
0x56: {  	v1 =	vld [tilespmem:s24+$0x0]  }
0x57: {  	v2 =	vld [tilespmem:s24+$0x80]  }
0x58: {  	s0 =	sand.u32 $0xF, s0  }
0x59: {  	v3 =	vmov s0  }
0x5a: {  	vm0 =	veq.s32 v3, v0  }
0x5b: {  	v1 =	vnsel vm0, $0x0, v1  }
0x5c: {  	v2 =	vnsel vm0, $0x0, v2;
	(xrf0) =	vadd.scan.msk.s32 $0xffff, v1  }
0x5d: {  	(xrf0) =	vadd.scan.msk.s32 $0xffff, v2;
	_ =	sdelay $0x4  }
0x5e: {  	v1, _, _ =	vpop (xrf0)  }
0x5f: {  	(v2sf) =	vpush v1, $0xF;
	v1, _, _ =	vpop (xrf0)  }
0x60: {  	(v2sf) =	vpush v1, $0xF;
	_ =	sdelay $0xd  }
0x61: {  	s11 =	spop (v2sf)  }
0x62: {  	s0 =	sand.u32 $0x7, s11;
	s16 =	spop (v2sf)  }
0x63: {  	s0 =	sshll.u32 s0, $0x4;
	s4 =	sand.u32 $0x7, s16  }
0x64: {  	s0 =	sadd.s32 $0x5200, s0;
	s4 =	sshll.u32 s4, $0x4  }
0x65: {  	v1 =	vld [tilespmem:s0+$0x0];
	s24 =	sadd.s32 $0x7A00, s4  }
0x66: {  	v2 =	vld [tilespmem:s24+$0x0];
	_ =	sdelay $0x3  }
0x67: {  	s30 =	simm.s32 $0xA200;
	s31 =	simm.s32 $0x1  }
0x68: {  	s11 =	simm.s32 $0x2C0;
	s0 =	simm.s32 $0x2AC0;
	s4 =	simm.s32 $0xA200;
	v1 =	vsub.f32 v1, v2  }
.LBB2_3:
0x69: {  	s29 =	sadd.s32 $0x80, s29  }
0x6a: {  	s28 =	sadd.s32 $0x80, s28;
	s30 =	sadd.s32 $0x80, s30;
	s24 =	smov.u32 s31  }
0x6b: {  	p0 =	sne.s32 s31, $0x4F;
	s31 =	sadd.s32 $0x1, s31;
	[tilespmem:s4+$0x0] =	vst v1;
	s4 =	smov.u32 s30  }
0x6c: {  	v1 =	vld [tilespmem:s11+$0xFFFFFFC0]  }
0x6d: {  	v2 =	vld [tilespmem:s0+$0xFFFFFFC0];
	_ =	sdelay $0x4  }
0x6e: {  	v1 =	vadd.f32 v2, v1;
	_ =	sdelay $0x1  }
0x6f: {  	[tilespmem:s11+$0xFFFFFFC0] =	vst v1;
	v1 =	vld [tilespmem:s11+$0xFFFFFFD0]  }
0x70: {  	v2 =	vld [tilespmem:s0+$0xFFFFFFD0];
	_ =	sdelay $0x4  }
0x71: {  	v1 =	vadd.f32 v2, v1;
	_ =	sdelay $0x1  }
0x72: {  	[tilespmem:s11+$0xFFFFFFD0] =	vst v1;
	v1 =	vld [tilespmem:s11+$0xFFFFFFE0]  }
0x73: {  	v2 =	vld [tilespmem:s0+$0xFFFFFFE0];
	_ =	sdelay $0x4  }
0x74: {  	v1 =	vadd.f32 v2, v1;
	_ =	sdelay $0x1  }
0x75: {  	[tilespmem:s11+$0xFFFFFFE0] =	vst v1;
	v1 =	vld [tilespmem:s11+$0xFFFFFFF0]  }
0x76: {  	v2 =	vld [tilespmem:s0+$0xFFFFFFF0];
	_ =	sdelay $0x4  }
0x77: {  	v1 =	vadd.f32 v2, v1;
	_ =	sdelay $0x1  }
0x78: {  	[tilespmem:s11+$0xFFFFFFF0] =	vst v1;
	v1 =	vld [tilespmem:s11+$0x0]  }
0x79: {  	v2 =	vld [tilespmem:s0+$0x0];
	_ =	sdelay $0x4  }
0x7a: {  	v1 =	vadd.f32 v2, v1;
	_ =	sdelay $0x1  }
0x7b: {  	[tilespmem:s11+$0x0] =	vst v1;
	v1 =	vld [tilespmem:s11+$0x10]  }
0x7c: {  	v2 =	vld [tilespmem:s0+$0x10];
	_ =	sdelay $0x4  }
0x7d: {  	v1 =	vadd.f32 v2, v1;
	_ =	sdelay $0x1  }
0x7e: {  	[tilespmem:s11+$0x10] =	vst v1;
	v1 =	vld [tilespmem:s11+$0x20]  }
0x7f: {  	v2 =	vld [tilespmem:s0+$0x20];
	_ =	sdelay $0x4  }
0x80: {  	v1 =	vadd.f32 v2, v1;
	_ =	sdelay $0x1  }
0x81: {  	[tilespmem:s11+$0x20] =	vst v1;
	v1 =	vld [tilespmem:s11+$0x30]  }
0x82: {  	v2 =	vld [tilespmem:s0+$0x30];
	_ =	sdelay $0x4  }
0x83: {  	v1 =	vadd.f32 v2, v1;
	_ =	sdelay $0x1  }
0x84: {  	s16 =	sand.u32 $0x70, s24;
	[tilespmem:s11+$0x30] =	vst v1  }
0x85: {  	v1 =	vld [tilespmem:s16+$0x0]  }
0x86: {  	v2 =	vld [tilespmem:s16+$0x80]  }
0x87: {  	s16 =	sand.u32 $0xF, s24  }
0x88: {  	v3 =	vmov s16  }
0x89: {  	vm0 =	veq.s32 v3, v0  }
0x8a: {  	v1 =	vnsel vm0, $0x0, v1  }
0x8b: {  	v2 =	vnsel vm0, $0x0, v2;
	(xrf0) =	vadd.scan.msk.s32 $0xffff, v1  }
0x8c: {  	(xrf0) =	vadd.scan.msk.s32 $0xffff, v2;
	_ =	sdelay $0x4  }
0x8d: {  	v1, _, _ =	vpop (xrf0)  }
0x8e: {  	(v2sf) =	vpush v1, $0xF;
	v1, _, _ =	vpop (xrf0)  }
0x8f: {  	(v2sf) =	vpush v1, $0xF;
	_ =	sdelay $0xd  }
0x90: {  	s16 =	spop (v2sf)  }
0x91: {  	s16 =	sand.u32 $0x7, s16;
	s24 =	spop (v2sf)  }
0x92: {  	s16 =	sshll.u32 s16, $0x4;
	s24 =	sand.u32 $0x7, s24  }
0x93: {  	s16 =	sadd.s32 s16, s28;
	s24 =	sshll.u32 s24, $0x4  }
0x94: {  	v1 =	vld [tilespmem:s16+$0x0];
	s16 =	sadd.s32 s24, s29  }
0x95: {  	v2 =	vld [tilespmem:s16+$0x0]  }
.Ltmp0:
0x96: {  	(pc) =	sbr.rel @p0 .LBB2_3-.Ltmp0, $2  }
0x97: {  	_ =	sdelay $0x2  }
0x98: {  	s0 =	sadd.s32 $0x80, s0;
	s11 =	sadd.s32 $0x80, s11;
	v1 =	vsub.f32 v1, v2  }
0x99: {  	s0 =	sshll.u32 s26, $0x4  }
0x9a: {  	[tilespmem:s4+$0x0] =	vst v1;
	s31 =	sadd.s32 s8, s0  }
0x9b: {  	[hbm4b:s31+s1] =	stream.linear.scatter [tilespmem:s15], [sflag:$0x5], $0x2800, $0x38;
	[tilespmem:$0xCA00] =	vst v63  }
0x9c: {  	s25 =	sadd.s32 $0x1, s25;
	_ =	swait.ge [sflag:s12], $0x2800  }
0x9d: {  	p0 =	sne.s32 s25, $0x7D;
	[sflag:s12] =	ssyncset.done $0x0  }
.Ltmp1:
0x9e: {  	s0 =	sadd.s32 s9, s0;
	[sflag:s12] =	ssyncadd.s32 $0xFFFFD800;
	(pc) =	sbr.rel @p0 .LBB2_2-.Ltmp1, $4  }
0x9f: {  	[hbm4b:s0+s1] =	stream.linear.scatter [tilespmem:s23], [sflag:$0x5], $0x2800, $0x38;
	[tilespmem:$0xCA00] =	vst v63  }
0xa0: {  	_ =	swait.ge [sflag:s12], $0x2800  }
0xa1: {  	[sflag:s12] =	ssyncset.done $0x0  }
0xa2: {  	[sflag:s12] =	ssyncadd.s32 $0xFFFFD800  }
0xa3: {  	s4 =	rddreg [dreg:$0x3]  }
0xa4: {  	s0 =	rddreg [dreg:$0x2];
	s4 =	sadd.s32 $0x1, s4  }
0xa5: {  	p0 =	sne.s32 s4, s0  }
.Ltmp2:
0xa6: {  	_ = 	snop;
	(pc) =	sbr.rel @p0 .LBB2_1-.Ltmp2, $1  }
0xa7: {  	_ =	sdelay $0x3  }
0xa8: {  	_ =	sfence.sel $0x180000  }
0xa9: {  	[bflag:$0x0] =	sbarrier.arrive $0xFFFF  }
0xaa: {  	_ =	strace $0x9000004D  }
0xab: {  	s0 =	stileid.u32;
	[bflag:$0x2] =	sbarrier.arrive $0xFFFF  }
0xac: {  	p0 =	sne.s32 s0, $0x0;
	s0 =	rddreg [dreg:$0x1]  }
0xad: {  	s0 =	sadd.s32 @!p0 $0x100000, s0  }
0xae: {  	[sflag:s0] =	ssyncadd.tile.s32 @!p0 $0x1;
	_ =	shalt  }
.Lfunc_end2:
_tile_overlayer_lowered:
.L_overlay_start_2:
0xaf: {  	(tag) =	ssettag $0x2  }
0xb0: {  	s0 =	rddreg [dreg:$0x0];
	s2 =	stileid.u32  }
0xb1: {  	s1 =	rddreg [dreg:$0x1];
	p0 =	sne.s32 s2, $0x0  }
0xb2: {  	s3 =	rddreg [dreg:$0x2];
	[bflag:$0x3] =	sbarrier.arrive $0xFFFF;
	s2 =	simm.s32 @!p0 $0x1C05  }
0xb3: {  	[timem:s3], [sflag:s2] =	dma.local @!p0 [hbm:s0], s1  }
0xb4: {  	s0 =	simm.s32 @!p0 $0x5  }
0xb5: {  	_ =	swait.ge @!p0 [sflag:s0], s1  }
0xb6: {  	s1 =	ssub.s32 @!p0 $0x0, s1;
	[sflag:s0] =	ssyncset.done @!p0 $0x0  }
0xb7: {  	[sflag:s0] =	ssyncadd.s32 @!p0 s1  }
0xb8: {  	[bflag:$0x3] =	sbarrier.arrive $0xFFFF  }
0xb9: {  	_ =	shalt  }

// kernel: kernel.20.cloned.1.call-start
scs
__scs_entry_jumppad:
0x0: {  	(pc) =	sbr.rel $0x88, $3  }
0x1: {  	(tag) =	ssettag $0x0;
	lr =	simm.s32 $0x1  }
0x2: {  	[smem:$0x3F80] =	sst lr;
	_ =	strace $0xD0000000  }
0x3: {  	_ = 	snop  }
0x4: {  	_ = 	snop  }
0x5: {  	_ = 	snop  }
0x6: {  	_ = 	snop  }
0x7: {  	_ = 	snop  }
__scs_overlays_trampoline_lowered:
0x8: {  	[smem:$0x3F8F] =	sst s0  }
0x9: {  	[smem:$0x3F90] =	sst s1  }
0xa: {  	[smem:$0x3F91] =	sst s2  }
0xb: {  	[smem:$0x3F92] =	sst s3  }
0xc: {  	[smem:$0x3F93] =	sst s4  }
0xd: {  	[smem:$0x3F94] =	sst s5  }
0xe: {  	[smem:$0x3F95] =	sst s6  }
0xf: {  	[smem:$0x3F96] =	sst s7  }
0x10: {  	[smem:$0x3F97] =	sst s8  }
0x11: {  	[smem:$0x3F98] =	sst s9;
	s0 =	simm.s32 @!p0 $0x0  }
0x12: {  	s1 =	sld [smem:$0x3F7E];
	s0 =	simm.s32 @p0 $0x1  }
0x13: {  	[smem:$0x3F99] =	sst s0;
	s0 =	simm.s32 @!p1 $0x0  }
0x14: {  	s2 =	sld [smem:$0x3F7D];
	s0 =	simm.s32 @p1 $0x1  }
0x15: {  	[smem:$0x3F9A] =	sst s0;
	s0 =	simm.s32 @!p2 $0x0  }
0x16: {  	s3 =	sld [smem:$0x3FDB];
	s0 =	simm.s32 @p2 $0x1  }
0x17: {  	s4 =	simm.s32 $0x1BF5;
	[smem:$0x3F9C] =	sst s0  }
0x18: {  	s0 =	sld [smem:$0x3F7F];
	_ =	swait.ge [sflag:s4], $0x0  }
0x19: {  	s7 =	sld [smem:$0x3F80]  }
0x1a: {  	s8 =	sadd.s32 $0xFFFFE003, lr  }
0x1b: {  	s9 =	sadd.s32 $0xFFFFFEF7, lr;
	s5 =	simm.s32 $0xFFFFFFFF;
	p2 =	slt.u32 s8, $0xFFFFF086  }
0x1c: {  	p1 =	slt.u32 s9, $0xF7A;
	s5 =	simm.s32 @!p2 $0x0  }
0x1d: {  	s5 =	simm.s32 @p1 $0x1;
	p0 =	seq.s32 s7, s2  }
0x1e: {  	s7 =	smul.u32 @!p0 $0xF7A, s2;
	p2 =	seq.s32 @!p0 s5, $0x0  }
0x1f: {  	s9 =	smul.u32 $0xF7A, s1;
	s8 =	simm.s32 @!p0 $0x1BF5;
	p2 =	por !p2, p0  }
0x20: {  	[sflag:s8] =	ssyncset.s32 @!p0 $0xFFFFF086;
	s6 =	sadd.s32 @!p0 s3, s7;
	s7 =	simm.s32 @!p0 $0x108  }
0x21: {  	s3 =	sadd.s32 s3, s9;
	s6 =	sadd.s32 @!p0 $0x88, s6;
	s7 =	simm.s32 @p2 $0x1082  }
0x22: {  	[simem:s7], [sflag:s8] =	dma.local @!p0 [hbm:s6], $0xF7A  }
0x23: {  	s9 =	sor.u32 $0xD0000000, s2;
	s6 =	simm.s32 $0x108;
	_ =	swait.ge @!p0 [sflag:s8], $0x0  }
0x24: {  	s3 =	sadd.s32 $0x88, s3;
	s6 =	simm.s32 @!p1 $0x1082;
	[sflag:s4] =	ssyncset.s32 $0xFFFFF086  }
0x25: {  	[simem:s6], [sflag:s4] =	dma.local [hbm:s3], $0xF7A  }
0x26: {  	[smem:$0x3F80] =	sst s1;
	(tag) =	ssettag s2;
	_ =	strace s9  }
0x27: {  	s1 =	sld [smem:$0x3F90]  }
0x28: {  	s2 =	sld [smem:$0x3F91]  }
0x29: {  	s4 =	sld [smem:$0x3F93]  }
0x2a: {  	p0 =	seq.s32 s5, $0x0;
	s5 =	sld [smem:$0x3F94]  }
0x2b: {  	s6 =	sld [smem:$0x3F95]  }
0x2c: {  	s7 =	sld [smem:$0x3F96]  }
0x2d: {  	s3 =	simm.s32 $0x108;
	s8 =	sld [smem:$0x3F97]  }
0x2e: {  	s3 =	simm.s32 @!p0 $0x1082;
	s9 =	sld [smem:$0x3F98]  }
0x2f: {  	lr =	sadd.s32 s0, s3;
	s0 =	sld [smem:$0x3F8F]  }
0x30: {  	s3 =	sld [smem:$0x3F92]  }
0x31: {  	[smem:$0x3F9B] =	sst s10  }
0x32: {  	s10 =	sld [smem:$0x3F99];
	_ =	sdelay $0x3  }
0x33: {  	p0 =	seq.s32 s10, $0x1;
	s10 =	sld [smem:$0x3F9B];
	_ =	sdelay $0x3  }
0x34: {  	[smem:$0x3F9B] =	sst s10  }
0x35: {  	s10 =	sld [smem:$0x3F9A];
	_ =	sdelay $0x3  }
0x36: {  	p1 =	seq.s32 s10, $0x1;
	s10 =	sld [smem:$0x3F9B];
	_ =	sdelay $0x3  }
0x37: {  	[smem:$0x3F9B] =	sst s10  }
0x38: {  	s10 =	sld [smem:$0x3F9C]  }
0x39: {  	_ = 	snop;
	(pc) =	sbr.ind lr, $3  }
0x3a: {  	_ = 	snop  }
0x3b: {  	_ = 	snop  }
0x3c: {  	p2 =	seq.s32 s10, $0x1;
	s10 =	sld [smem:$0x3F9B]  }
0x3d: {  	_ =	shalt  }
0x3e: {  	_ =	shalt  }
0x3f: {  	_ =	shalt  }
0x40: {  	_ =	shalt  }
0x41: {  	_ =	shalt  }
0x42: {  	_ =	shalt  }
0x43: {  	_ =	shalt  }
0x44: {  	_ =	shalt  }
0x45: {  	_ =	shalt  }
0x46: {  	_ =	shalt  }
0x47: {  	_ =	shalt  }
0x48: {  	_ =	shalt  }
0x49: {  	_ =	shalt  }
0x4a: {  	_ =	shalt  }
0x4b: {  	_ =	shalt  }
0x4c: {  	_ =	shalt  }
0x4d: {  	_ =	shalt  }
0x4e: {  	_ =	shalt  }
0x4f: {  	_ =	shalt  }
0x50: {  	_ =	shalt  }
0x51: {  	_ =	shalt  }
0x52: {  	_ =	shalt  }
0x53: {  	_ =	shalt  }
0x54: {  	_ =	shalt  }
0x55: {  	_ =	shalt  }
0x56: {  	_ =	shalt  }
0x57: {  	_ =	shalt  }
0x58: {  	_ =	shalt  }
0x59: {  	_ =	shalt  }
0x5a: {  	_ =	shalt  }
0x5b: {  	_ =	shalt  }
0x5c: {  	_ =	shalt  }
0x5d: {  	_ =	shalt  }
0x5e: {  	_ =	shalt  }
0x5f: {  	_ =	shalt  }
0x60: {  	_ =	shalt  }
0x61: {  	_ =	shalt  }
0x62: {  	_ =	shalt  }
0x63: {  	_ =	shalt  }
0x64: {  	_ =	shalt  }
0x65: {  	_ =	shalt  }
0x66: {  	_ =	shalt  }
0x67: {  	_ =	shalt  }
0x68: {  	_ =	shalt  }
0x69: {  	_ =	shalt  }
0x6a: {  	_ =	shalt  }
0x6b: {  	_ =	shalt  }
0x6c: {  	_ =	shalt  }
0x6d: {  	_ =	shalt  }
0x6e: {  	_ =	shalt  }
0x6f: {  	_ =	shalt  }
0x70: {  	_ =	shalt  }
0x71: {  	_ =	shalt  }
0x72: {  	_ =	shalt  }
0x73: {  	_ =	shalt  }
0x74: {  	_ =	shalt  }
0x75: {  	_ =	shalt  }
0x76: {  	_ =	shalt  }
0x77: {  	_ =	shalt  }
0x78: {  	_ =	shalt  }
0x79: {  	_ =	shalt  }
0x7a: {  	_ =	shalt  }
0x7b: {  	_ =	shalt  }
0x7c: {  	_ =	shalt  }
0x7d: {  	_ =	shalt  }
0x7e: {  	_ =	shalt  }
0x7f: {  	_ =	shalt  }
0x80: {  	_ =	shalt  }
0x81: {  	_ =	shalt  }
0x82: {  	_ =	shalt  }
0x83: {  	_ =	shalt  }
0x84: {  	_ =	shalt  }
0x85: {  	_ =	shalt  }
0x86: {  	_ =	shalt  }
0x87: {  	_ =	shalt  }
.Lfunc_end0:
.L_simem_size_0:
called_computation.3_lowered:
.L_overlay_start_0:
0x88: {  	s2 =	sld [smem:$0x3FD9]  }
0x89: {  	s3 =	sld [smem:$0x3FFE];
	_ =	sdelay $0x1  }
0x8a: {  	s1 =	srdreg.scid  }
0x8b: {  	s0 =	sand.u32 $0x1, s1  }
0x8c: {  	s16 =	sshll.u32 s0, $0xA;
	s2 =	sadd.s32 s3, s2  }
0x8d: {  	s2 =	sadd.s32 s2, s16  }
0x8e: {  	[smem:$0x3FA7] =	sst s2  }
0x8f: {  	_ = 	snop  }
0x90: {  	(tm) =	ssettm $0x1  }
0x91: {  	s17 =	sld [smem:$0x3FFB];
	_ =	sdelay $0x3  }
0x92: {  	_ =	strace s17  }
0x93: {  	s2 =	sld [smem:$0x3FFC];
	_ =	sdelay $0x3  }
0x94: {  	_ =	strace s2  }
0x95: {  	s2 =	sld [smem:$0x3FFD];
	_ =	sdelay $0x3  }
0x96: {  	_ =	strace s2  }
0x97: {  	_ =	strace $0x8FFFFFFF  }
0x98: {  	s18 =	sld [smem:$0x3FDB];
	_ =	sdelay $0x1  }
0x99: {  	s19 =	simm.s32 $_scs_section_size  }
0x9a: {  	s4 =	simm.s32 $_size__tile_overlayer_lowered;
	s5 =	simm.s32 $_tile_overlayer_lowered  }
0x9b: {  	s22 =	simm.s32 $0x1BFF;
	s21 =	sshll.u32 s5, $0x1;
	s2 =	sadd.s32 s19, s18  }
0x9c: {  	s6 =	simm.s32 $0x0;
	s20 =	sshll.u32 s4, $0x1;
	s4 =	sadd.s32 s21, s2  }
0x9d: {  	[timem:s6], [sflag:s22] =	dma.local [hbm:s4], s20  }
0x9e: {  	_ =	swait.ge [sflag:s22], s20  }
0x9f: {  	s3 =	ssub.s32 $0x0, s20;
	[sflag:s22] =	ssyncset.done $0x0  }
0xa0: {  	[sflag:s22] =	ssyncadd.s32 s3;
	_ =	sdelay $0x1  }
0xa1: {  	s23 =	simm.s32 $0x1B8B  }
0xa2: {  	_ =	swait.ge [sflag:s23], $0x1  }
0xa3: {  	[sflag:s23] =	ssyncset.done $0x0  }
0xa4: {  	s25 =	simm.s32 $0x1B8E;
	s24 =	sld [smem:$0x3FFE];
	[sflag:s23] =	ssyncadd.s32 $0xFFFFFFFF  }
0xa5: {  	s26 =	simm.s32 $execute0_lowered;
	[smem:$0x3FD2] =	sst s25  }
0xa6: {  	s4 =	sshll.u32 s26, $0x1;
	_ =	strace $0x8000004F;
	[dreg:$0x1] =	wrdreg $0xFFFFFFFF  }
0xa7: {  	s28 =	simm.s32 $_size_execute0_lowered;
	s2 =	sadd.s32 s2, s4;
	[dreg:$0x0] =	wrdreg $0x0  }
0xa8: {  	s4 =	sshll.u32 s28, $0x1;
	[dreg:$0x2] =	wrdreg s2  }
0xa9: {  	[dreg:$0x3] =	wrdreg s4  }
0xaa: {  	[dreg:$0x4] =	wrdreg $0xC0  }
0xab: {  	_ =	task [dreg:s6], $0x5FFFF  }
0xac: {  	[dreg:$0x1] =	wrdreg $0xFFFFFFFF  }
0xad: {  	[dreg:$0x0] =	wrdreg $0x60  }
0xae: {  	[dreg:$0x2] =	wrdreg s24  }
0xaf: {  	[dreg:$0x3] =	wrdreg $0x0  }
0xb0: {  	[dreg:$0x4] =	wrdreg $0x138800  }
0xb1: {  	[dreg:$0x5] =	wrdreg $0x9  }
0xb2: {  	_ =	task.clear_ibuf [dreg:s6], $0x6FFFF;
	_ =	strace $0x9000004F  }
0xb3: {  	s29 =	simm.s32 $0x9;
	_ =	strace $0x80000051  }
0xb4: {  	_ =	swait.ge [sflag:s29], $0x1  }
0xb5: {  	[sflag:s29] =	ssyncadd.s32 $0xFFFFFFFF  }
0xb6: {  	_ =	strace $0x90000051  }
0xb7: {  	_ =	sfence  }
0xb8: {  	s30 =	sld [smem:$0x0];
	_ =	sdelay $0x2  }
0xb9: {  	s31 =	sshll.u32 s1, $0xD;
	s1 =	sshrl.u32 s1, $0x2  }
0xba: {  	s3 =	sand.u32 $0x4000, s31;
	s1 =	sadd.s32 s1, s30  }
0xbb: {  	s0 =	sor.u32 s3, s0;
	s1 =	sshll.u32 s1, $0x11  }
0xbc: {  	s0 =	sor.u32 s1, s0  }
0xbd: {  	s0 =	sadd.s32 $0x8F2B, s0  }
0xbe: {  	[sflag:s0] =	ssyncadd.remote.s32 $0x1  }
0xbf: {  	_ =	sfence.sel $0xFFFF  }
0xc0: {  	[dreg:$0x0] =	wrdreg $0xFFFFFFFF;
	(pc) =	sbr.abs _section_cstart, $3  }
0xc1: {  	[dreg:$0x1] =	wrdreg $0xFFFFFFFF  }
0xc2: {  	_ =	task.clear_ibuf [dreg:s6], $0x2FFFF;
	_ =	strace $0x9FFFFFFF  }
0xc3: {  	(tm) =	ssettm $0x7FFFFFFF  }
tec
execute0_lowered:
.L_overlay_start_1:
0x0: {  	(tag) =	ssettag $0x1  }
0x1: {  	s5 =	rddreg [dreg:$0x0]  }
0x2: {  	s2 =	rddreg [dreg:$0x1];
	s0 =	stileid.u32  }
0x3: {  	s1 =	srdreg.scid;
	s3 =	rddreg [dreg:$0x2];
	s4 =	simm.s32 $0x0  }
0x4: {  	s15 =	simm.s32 $0x50;
	s16 =	simm.s32 $0x16010;
	s17 =	simm.s32 $0x16090  }
0x5: {  	s18 =	simm.s32 $0x2;
	s19 =	simm.s32 $0x18890;
	s7 =	smul.u32 $0x4E20, s0  }
0x6: {  	s20 =	simm.s32 $0x15F90;
	s21 =	simm.s32 $0x1;
	s9 =	smul.u32 $0x4E200, s0  }
0x7: {  	s6 =	sand.u32 $0x1, s1;
	s1 =	rddreg [dreg:$0x3];
	s14 =	smul.u32 $0x500, s0  }
0x8: {  	s22 =	simm.s32 $0x0;
	[smem:$0x7FF] =	sst s4;
	s8 =	smul.u32 $0x2710, s6  }
0x9: {  	s30 =	ssub.s32 $0x8C, s0;
	s10 =	smul.u32 $0x27100, s6;
	s6 =	ssub.s32 $0x2, s6  }
0xa: {  	_ =	strace $0x80000050;
	s11 =	sadd.s32 s9, s5;
	s28 =	sshrl.u32 s6, $0x1  }
0xb: {  	s7 =	sadd.s32 s8, s7;
	s13 =	sadd.s32 s10, s5;
	s29 =	ssub.s32 s6, s28  }
0xc: {  	s6 =	sshrl.u32 s30, $0x4;
	s10 =	sadd.s32 s10, s11;
	s7 =	sshrl.u32 s7, $0x3  }
0xd: {  	s31 =	sadd.s32 s9, s13;
	s9 =	sadd.s32 $0xF3E000, s10;
	s14 =	sadd.s32 s14, s13  }
0xe: {  	s12 =	sadd.s32 s7, s5;
	s5 =	smul.u32 $0x50, s0;
	s7 =	smax.u32 s29, $0x1  }
0xf: {  	s10 =	sadd.s32 $0x1420000, s31;
	s13 =	sadd.s32 $0x97C00, s14;
	s14 =	sadd.s32 $0xE5E00, s14  }
0x10: {  	v0 =	vimm.f32 $0.0e+00;
	v1 =	vlaneseq.u32;
	s11 =	sadd.s32 $0x3E200, s12;
	s12 =	smul.u32 $0x500, s6;
	s8 =	sadd.s32 $0x40, s5  }
.LBB2_1:
0x11: {  	s23 =	simm.s32 $0x0;
	s24 =	simm.s32 $0x200  }
.LBB2_2:
0x12: {  	p0 =	sne.s32 s24, $0x9E00;
	[tilespmem:s23+$0x18890] =	vst v0  }
0x13: {  	[tilespmem:s23+$0x16090] =	vst v0  }
0x14: {  	[tilespmem:s23+$0x160A0] =	vst v0  }
0x15: {  	[tilespmem:s23+$0x160B0] =	vst v0  }
.Ltmp0:
0x16: {  	[tilespmem:s23+$0x160C0] =	vst v0;
	(pc) =	sbr.rel @p0 .LBB2_2-.Ltmp0, $4  }
0x17: {  	[tilespmem:s23+$0x160D0] =	vst v0  }
0x18: {  	[tilespmem:s23+$0x160E0] =	vst v0  }
0x19: {  	[tilespmem:s23+$0x160F0] =	vst v0  }
0x1a: {  	[tilespmem:s23+$0x16100] =	vst v0;
	s23 =	sshra.s32 s24, $0x2;
	s24 =	sadd.s32 $0x200, s24  }
0x1b: {  	[tilespmem:s23+$0x18890] =	vst v0  }
0x1c: {  	[tilespmem:s23+$0x16090] =	vst v0  }
0x1d: {  	[tilespmem:s23+$0x160A0] =	vst v0  }
0x1e: {  	[tilespmem:s23+$0x160B0] =	vst v0  }
0x1f: {  	[tilespmem:s23+$0x160C0] =	vst v0  }
0x20: {  	[tilespmem:s23+$0x160D0] =	vst v0  }
0x21: {  	[tilespmem:s23+$0x160E0] =	vst v0  }
0x22: {  	[tilespmem:s23+$0x160F0] =	vst v0  }
0x23: {  	[tilespmem:s23+$0x16100] =	vst v0;
	s29 =	sadd.s32 $0xFFFFFFC0, s8;
	v2 =	vor.u32 s8, v1  }
0x24: {  	s30 =	sadd.s32 $0xFFFFFFF0, s8;
	v3 =	vor.u32 s29, v1;
	[tilespmem:$0x16050] =	vst v2  }
0x25: {  	s24 =	sadd.s32 $0xFFFFFFD0, s8;
	v2 =	vor.u32 s30, v1;
	[tilespmem:$0x16010] =	vst v3  }
0x26: {  	s31 =	sadd.s32 $0xFFFFFFE0, s8;
	v3 =	vor.u32 s24, v1;
	[tilespmem:$0x16040] =	vst v2  }
0x27: {  	v2 =	vor.u32 s31, v1;
	[tilespmem:$0x16020] =	vst v3  }
0x28: {  	p0 =	sne.s32 s6, $0x1;
	[tilespmem:$0x16030] =	vst v2  }
0x29: {  	[spmem:s2] =	stream.indirect.scatter [tilespmem:s17], [sflag:$0x2], $0x80, s16, s15, $0xb8;
	[tilespmem:$0x1B090] =	vst v63  }
.Ltmp1:
0x2a: {  	_ = 	snop;
	(pc) =	sbr.rel @!p0 .LBB2_5-.Ltmp1, $4  }
0x2b: {  	_ =	swait.ge [sflag:s18], $0x2800  }
0x2c: {  	[sflag:s18] =	ssyncset.done $0x0  }
0x2d: {  	s23 =	sadd.s32 $0xFFFFFFFF, s6;
	s24 =	smov.u32 s8;
	[sflag:s18] =	ssyncadd.s32 $0xFFFFD800  }
0x2e: {  	[spmem:s3] =	stream.indirect.scatter [tilespmem:s19], [sflag:$0x2], $0x10, s16, s15, $0xb8;
	[tilespmem:$0x1B090] =	vst v63  }
.LBB2_4:
0x2f: {  	p0 =	sne.s32 s23, $0x1;
	_ =	swait.ge [sflag:s18], $0x500;
	s24 =	sadd.s32 $0x500, s24  }
0x30: {  	s23 =	sadd.s32 $0xFFFFFFFF, s23;
	[sflag:s18] =	ssyncset.done $0x0  }
0x31: {  	s25 =	sadd.s32 $0xFFFFFFC0, s24;
	v2 =	vor.u32 s24, v1;
	[sflag:s18] =	ssyncadd.s32 $0xFFFFFB00  }
0x32: {  	s26 =	sadd.s32 $0xFFFFFFE0, s24;
	s28 =	sadd.s32 $0xFFFFFFF0, s24;
	v3 =	vor.u32 s25, v1;
	s25 =	sadd.s32 $0xFFFFFFD0, s24;
	[tilespmem:$0x16050] =	vst v2  }
0x33: {  	v4 =	vor.u32 s28, v1;
	v2 =	vor.u32 s25, v1;
	[tilespmem:$0x16010] =	vst v3;
	v3 =	vor.u32 s26, v1  }
0x34: {  	[tilespmem:$0x16040] =	vst v4  }
0x35: {  	[tilespmem:$0x16020] =	vst v2  }
0x36: {  	[tilespmem:$0x16030] =	vst v3  }
0x37: {  	[spmem:s2] =	stream.indirect.scatter [tilespmem:s17], [sflag:$0x2], $0x80, s16, s15, $0xb8;
	[tilespmem:$0x1B090] =	vst v63  }
.Ltmp2:
0x38: {  	_ = 	snop;
	(pc) =	sbr.rel @p0 .LBB2_4-.Ltmp2, $4  }
0x39: {  	_ =	swait.ge [sflag:s18], $0x2800  }
0x3a: {  	[sflag:s18] =	ssyncset.done $0x0  }
0x3b: {  	[sflag:s18] =	ssyncadd.s32 $0xFFFFD800  }
0x3c: {  	[spmem:s3] =	stream.indirect.scatter [tilespmem:s19], [sflag:$0x2], $0x10, s16, s15, $0xb8;
	[tilespmem:$0x1B090] =	vst v63  }
.LBB2_5:
0x3d: {  	_ =	swait.ge [sflag:s18], $0x500  }
0x3e: {  	[sflag:s18] =	ssyncset.done $0x0  }
0x3f: {  	[sflag:s18] =	ssyncadd.s32 $0xFFFFFB00  }
0x40: {  	[bflag:$0x0] =	sbarrier.arrive $0xFFFF  }
0x41: {  	[tilespmem:s20], [sflag:$0x2] =	stream.linear.gather [hbm4b:s11+s4], $0x50, $0x38;
	[tilespmem:$0x1B090] =	vst v63  }
0x42: {  	_ =	swait.ge [sflag:s18], $0x50  }
0x43: {  	[sflag:s18] =	ssyncset.done $0x0  }
0x44: {  	s23 =	sadd.s32 $0x0, s9;
	[sflag:s18] =	ssyncadd.s32 $0xFFFFFFB0  }
0x45: {  	[tilespmem:s17], [sflag:$0x2] =	stream.linear.gather [hbm4b:s23+s4], $0x2800, $0x38;
	[tilespmem:$0x1B090] =	vst v63  }
0x46: {  	_ =	swait.ge [sflag:s18], $0x2800  }
0x47: {  	[sflag:s18] =	ssyncset.done $0x0  }
0x48: {  	s31 =	sadd.s32 $0x0, s10;
	[sflag:s18] =	ssyncadd.s32 $0xFFFFD800  }
0x49: {  	[tilespmem:s19], [sflag:$0x2] =	stream.linear.gather [hbm4b:s31+s4], $0x2800, $0x38;
	[tilespmem:$0x1B090] =	vst v63  }
0x4a: {  	_ =	swait.ge [sflag:s18], $0x2800  }
0x4b: {  	[sflag:s18] =	ssyncset.done $0x0  }
0x4c: {  	[sflag:s18] =	ssyncadd.s32 $0xFFFFD800  }
0x4d: {  	[spmem:s2] =	stream.indirect.scatter.add.f32 [tilespmem:s17], [sflag:$0x2], $0x80, s20, s15, $0xb8;
	[tilespmem:$0x1B090] =	vst v63  }
0x4e: {  	_ =	swait.ge [sflag:s18], $0x2800  }
0x4f: {  	[sflag:s18] =	ssyncset.done $0x0  }
0x50: {  	[sflag:s18] =	ssyncadd.s32 $0xFFFFD800  }
0x51: {  	[spmem:s3] =	stream.indirect.scatter.add.f32 [tilespmem:s19], [sflag:$0x2], $0x10, s20, s15, $0xb8;
	[tilespmem:$0x1B090] =	vst v63  }
0x52: {  	_ =	swait.ge [sflag:s18], $0x500  }
0x53: {  	s24 =	smov.u32 s11;
	s23 =	simm.s32 $0x500;
	[sflag:s18] =	ssyncset.done $0x0  }
.LBB2_6:
0x54: {  	p0 =	sne.s32 s23, $0x26C00;
	[sflag:s18] =	ssyncadd.s32 $0xFFFFFB00;
	s24 =	sadd.s32 $0xA, s24  }
0x55: {  	[tilespmem:s20], [sflag:$0x2] =	stream.linear.gather [hbm4b:s24+s4], $0x50, $0x38;
	[tilespmem:$0x1B090] =	vst v63  }
0x56: {  	s25 =	smov.u32 s23;
	s23 =	sadd.s32 $0x500, s23;
	_ =	swait.ge [sflag:s18], $0x50  }
0x57: {  	[sflag:s18] =	ssyncset.done $0x0  }
0x58: {  	s26 =	sadd.s32 s25, s9;
	[sflag:s18] =	ssyncadd.s32 $0xFFFFFFB0  }
0x59: {  	[tilespmem:s17], [sflag:$0x2] =	stream.linear.gather [hbm4b:s26+s4], $0x2800, $0x38;
	[tilespmem:$0x1B090] =	vst v63  }
0x5a: {  	_ =	swait.ge [sflag:s18], $0x2800  }
0x5b: {  	[sflag:s18] =	ssyncset.done $0x0  }
0x5c: {  	s25 =	sadd.s32 s25, s10;
	[sflag:s18] =	ssyncadd.s32 $0xFFFFD800  }
0x5d: {  	[tilespmem:s19], [sflag:$0x2] =	stream.linear.gather [hbm4b:s25+s4], $0x2800, $0x38;
	[tilespmem:$0x1B090] =	vst v63  }
0x5e: {  	_ =	swait.ge [sflag:s18], $0x2800  }
0x5f: {  	[sflag:s18] =	ssyncset.done $0x0  }
0x60: {  	[sflag:s18] =	ssyncadd.s32 $0xFFFFD800  }
0x61: {  	[spmem:s2] =	stream.indirect.scatter.add.f32 [tilespmem:s17], [sflag:$0x2], $0x80, s20, s15, $0xb8;
	[tilespmem:$0x1B090] =	vst v63  }
0x62: {  	_ =	swait.ge [sflag:s18], $0x2800  }
.Ltmp3:
0x63: {  	[sflag:s18] =	ssyncset.done $0x0;
	(pc) =	sbr.rel @p0 .LBB2_6-.Ltmp3, $4  }
0x64: {  	[sflag:s18] =	ssyncadd.s32 $0xFFFFD800  }
0x65: {  	[spmem:s3] =	stream.indirect.scatter.add.f32 [tilespmem:s19], [sflag:$0x2], $0x10, s20, s15, $0xb8;
	[tilespmem:$0x1B090] =	vst v63  }
0x66: {  	_ =	swait.ge [sflag:s18], $0x500  }
0x67: {  	[sflag:s18] =	ssyncset.done $0x0  }
0x68: {  	[sflag:s18] =	ssyncadd.s32 $0xFFFFFB00;
	s23 =	sadd.s32 $0x0, s5  }
0x69: {  	[bflag:$0x0] =	sbarrier.arrive $0xFFFF;
	v2 =	vor.u32 s23, v1;
	s24 =	sadd.s32 $0x10, s23  }
0x6a: {  	s25 =	sadd.s32 $0x40, s23;
	[tilespmem:$0x16010] =	vst v2;
	v2 =	vor.u32 s24, v1  }
0x6b: {  	s31 =	sadd.s32 $0x30, s23;
	v3 =	vor.u32 s25, v1;
	[tilespmem:$0x16020] =	vst v2  }
0x6c: {  	s23 =	sadd.s32 $0x20, s23;
	v2 =	vor.u32 s31, v1;
	[tilespmem:$0x16050] =	vst v3  }
0x6d: {  	[tilespmem:$0x16040] =	vst v2;
	v2 =	vor.u32 s23, v1  }
0x6e: {  	[tilespmem:$0x16030] =	vst v2  }
0x6f: {  	[tilespmem:s17], [sflag:$0x1] =	stream.indirect.gather [spmem:s2], $0x80, s16, s15, $0xb8;
	[tilespmem:$0x1B090] =	vst v63  }
0x70: {  	_ =	swait.ge [sflag:s21], $0x2800  }
0x71: {  	[sflag:s21] =	ssyncset.done $0x0  }
0x72: {  	[sflag:s21] =	ssyncadd.s32 $0xFFFFD800  }
0x73: {  	[hbm4b:s13+s4] =	stream.linear.scatter [tilespmem:s17], [sflag:$0x2], $0x2800, $0x38;
	[tilespmem:$0x1B090] =	vst v63  }
0x74: {  	_ =	swait.ge [sflag:s18], $0x2800  }
0x75: {  	p0 =	sne.s32 s12, $0x500;
	[sflag:s18] =	ssyncset.done $0x0  }
.Ltmp4:
0x76: {  	[sflag:s18] =	ssyncadd.s32 $0xFFFFD800;
	(pc) =	sbr.rel @!p0 .LBB2_9-.Ltmp4, $4  }
0x77: {  	[tilespmem:s19], [sflag:$0x1] =	stream.indirect.gather [spmem:s3], $0x10, s16, s15, $0xb8;
	[tilespmem:$0x1B090] =	vst v63  }
0x78: {  	_ =	swait.ge [sflag:s21], $0x500  }
0x79: {  	s26 =	smov.u32 s14;
	s24 =	sadd.s32 $0x5000, s13;
	[sflag:s21] =	ssyncset.done $0x0  }
0x7a: {  	s25 =	sadd.s32 $0x5000, s14;
	s23 =	simm.s32 $0x500;
	[sflag:s21] =	ssyncadd.s32 $0xFFFFFB00  }
.LBB2_8:
0x7b: {  	[hbm4b:s26+s4] =	stream.linear.scatter [tilespmem:s19], [sflag:$0x2], $0x2800, $0x38;
	[tilespmem:$0x1B090] =	vst v63  }
0x7c: {  	s26 =	smov.u32 s23;
	s23 =	sadd.s32 $0x500, s23;
	_ =	swait.ge [sflag:s18], $0x2800  }
0x7d: {  	s26 =	sadd.s32 s26, s5;
	p0 =	sne.s32 s12, s23;
	[sflag:s18] =	ssyncset.done $0x0  }
0x7e: {  	v2 =	vor.u32 s26, v1;
	s28 =	sadd.s32 $0x10, s26;
	s29 =	sadd.s32 $0x20, s26;
	[sflag:s18] =	ssyncadd.s32 $0xFFFFD800  }
0x7f: {  	v3 =	vor.u32 s29, v1;
	s29 =	sadd.s32 $0x40, s26;
	[tilespmem:$0x16010] =	vst v2;
	v2 =	vor.u32 s28, v1;
	s28 =	sadd.s32 $0x30, s26;
	s26 =	smov.u32 s25  }
0x80: {  	v4 =	vor.u32 s29, v1;
	[tilespmem:$0x16020] =	vst v2;
	v2 =	vor.u32 s28, v1  }
0x81: {  	[tilespmem:$0x16040] =	vst v2  }
0x82: {  	[tilespmem:$0x16050] =	vst v4  }
0x83: {  	[tilespmem:$0x16030] =	vst v3  }
0x84: {  	[tilespmem:s17], [sflag:$0x1] =	stream.indirect.gather [spmem:s2], $0x80, s16, s15, $0xb8;
	[tilespmem:$0x1B090] =	vst v63  }
0x85: {  	_ =	swait.ge [sflag:s21], $0x2800  }
0x86: {  	[sflag:s21] =	ssyncset.done $0x0  }
0x87: {  	[sflag:s21] =	ssyncadd.s32 $0xFFFFD800  }
0x88: {  	[hbm4b:s24+s4] =	stream.linear.scatter [tilespmem:s17], [sflag:$0x2], $0x2800, $0x38;
	[tilespmem:$0x1B090] =	vst v63  }
0x89: {  	_ =	swait.ge [sflag:s18], $0x2800  }
0x8a: {  	[sflag:s18] =	ssyncset.done $0x0  }
.Ltmp5:
0x8b: {  	[sflag:s18] =	ssyncadd.s32 $0xFFFFD800;
	(pc) =	sbr.rel @p0 .LBB2_8-.Ltmp5, $4  }
0x8c: {  	[tilespmem:s19], [sflag:$0x1] =	stream.indirect.gather [spmem:s3], $0x10, s16, s15, $0xb8;
	[tilespmem:$0x1B090] =	vst v63  }
0x8d: {  	_ =	swait.ge [sflag:s21], $0x500  }
0x8e: {  	[sflag:s21] =	ssyncset.done $0x0  }
0x8f: {  	s25 =	sadd.s32 $0x5000, s25;
	s24 =	sadd.s32 $0x5000, s24;
	[sflag:s21] =	ssyncadd.s32 $0xFFFFFB00  }
.LBB2_9:
0x90: {  	s22 =	sadd.s32 $0x1, s22  }
0x91: {  	p0 =	sne.s32 s22, s7  }
.Ltmp6:
0x92: {  	_ = 	snop;
	(pc) =	sbr.rel @p0 .LBB2_1-.Ltmp6, $4  }
0x93: {  	[hbm4b:s26+s4] =	stream.linear.scatter [tilespmem:s19], [sflag:$0x2], $0x2800, $0x38;
	[tilespmem:$0x1B090] =	vst v63  }
0x94: {  	_ =	swait.ge [sflag:s18], $0x2800  }
0x95: {  	[sflag:s18] =	ssyncset.done $0x0  }
0x96: {  	[sflag:s18] =	ssyncadd.s32 $0xFFFFD800  }
0x97: {  	_ =	sfence.sel $0x180000  }
0x98: {  	[bflag:$0x0] =	sbarrier.arrive $0xFFFF  }
0x99: {  	p0 =	sne.s32 s0, $0x0;
	_ =	strace $0x90000050  }
0x9a: {  	s0 =	sadd.s32 @!p0 $0x100000, s1;
	[bflag:$0x2] =	sbarrier.arrive $0xFFFF  }
0x9b: {  	[sflag:s0] =	ssyncadd.tile.s32 @!p0 $0x1;
	_ =	shalt  }
.Lfunc_end2:
_tile_overlayer_lowered:
.L_overlay_start_2:
0x9c: {  	(tag) =	ssettag $0x2  }
0x9d: {  	s0 =	rddreg [dreg:$0x0];
	s2 =	stileid.u32  }
0x9e: {  	s1 =	rddreg [dreg:$0x1];
	p0 =	sne.s32 s2, $0x0  }
0x9f: {  	s3 =	rddreg [dreg:$0x2];
	[bflag:$0x3] =	sbarrier.arrive $0xFFFF;
	s2 =	simm.s32 @!p0 $0x1C02  }
0xa0: {  	[timem:s3], [sflag:s2] =	dma.local @!p0 [hbm:s0], s1  }
0xa1: {  	s0 =	simm.s32 @!p0 $0x2  }
0xa2: {  	_ =	swait.ge @!p0 [sflag:s0], s1  }
0xa3: {  	s1 =	ssub.s32 @!p0 $0x0, s1;
	[sflag:s0] =	ssyncset.done @!p0 $0x0  }
0xa4: {  	[sflag:s0] =	ssyncadd.s32 @!p0 s1  }
0xa5: {  	[bflag:$0x3] =	sbarrier.arrive $0xFFFF  }
0xa6: {  	_ =	shalt  }

</sc_bundles>
